<compile_context>
chip_gen: v7x
topology: tpu7x:2x2x1
jax: 0.10.2.dev20260603
libtpu: 0.0.44.dev20260713+nightly
codegen_flags: <defaults>
</compile_context>

<pallas_src>
import functools

import jax
import jax.numpy as jnp
from jax import lax
from jax.experimental import pallas as pl
from jax.experimental.pallas import tpu as pltpu
from jax.experimental.pallas import tpu_sc as plsc

EMBED = 64
EPS = 1e-5
NC = 2
NS = 16
NW = NC * NS
CH = 128
LANES = 16
NGRP = CH // LANES
UNROLL = 4


def _body(table_hbm, idx_hbm, gamma_hbm, beta_hbm, out_hbm,
          idx_v, row0, row1, ob0, ob1, gb_v,
          gsem0, gsem1, wsem0, wsem1, n_chunks):
    rowb = (row0, row1)
    outb = (ob0, ob1)
    gsem = (gsem0, gsem1)
    wsem = (wsem0, wsem1)
    cid = lax.axis_index("c")
    sid = lax.axis_index("s")
    wid = sid * NC + cid
    bpw = n_chunks * CH
    rbase = wid * bpw
    pltpu.sync_copy(idx_hbm.at[pl.ds(rbase, bpw)], idx_v)
    pltpu.sync_copy(gamma_hbm, gb_v.at[0])
    pltpu.sync_copy(beta_hbm, gb_v.at[1])

    lane = lax.iota(jnp.int32, LANES)
    zerov = jnp.zeros((LANES,), jnp.int32)
    onev = jnp.ones((LANES,), jnp.int32)
    rvec = [lane + g * LANES for g in range(NGRP)]
    rflat = [(lane + g * LANES) * EMBED for g in range(NGRP)]

    NSTREAM = 4
    SUB = CH // NSTREAM

    def gather_subs(j, b):
        return [
            pltpu.make_async_copy(
                table_hbm.at[idx_v.at[pl.ds(j * CH + s * SUB, SUB)]],
                rowb[b].at[pl.ds(s * SUB, SUB)],
                gsem[b])
            for s in range(NSTREAM)
        ]

    def gather_start(j, b):
        for d in gather_subs(j, b):
            d.start()

    def gather_wait(j, b):
        for d in gather_subs(j, b):
            d.wait()

    def wb_dma(j, b):
        return pltpu.make_async_copy(
            outb[b], out_hbm.at[pl.ds((rbase + j * CH) * EMBED, CH * EMBED)],
            wsem[b])

    def compute(b):
        rows = rowb[b]
        outv = outb[b]

        def p1(i, c):
            new = list(c)
            for u in range(UNROLL):
                e = i * UNROLL + u
                evec = (lane + e) & (EMBED - 1)
                for g in range(NGRP):
                    x = plsc.load_gather(rows, [rvec[g], evec])
                    new[g] = new[g] + x
                    new[NGRP + g] = new[NGRP + g] + x * x
            return tuple(new)

        zf = jnp.zeros((LANES,), jnp.float32)
        acc = lax.fori_loop(0, EMBED // UNROLL, p1, (zf,) * (2 * NGRP))

        mean = []
        inv = []
        for g in range(NGRP):
            m = acc[g] * (1.0 / EMBED)
            v = acc[NGRP + g] * (1.0 / EMBED) - m * m
            h = v + EPS
            bits = plsc.bitcast(h, jnp.int32)
            y = plsc.bitcast(jnp.int32(0x5F3759DF) - (bits >> 1), jnp.float32)
            nh = h * (-0.5)
            for _ in range(3):
                y = y * (1.5 + nh * y * y)
            mean.append(m)
            inv.append(y)

        def p2(i, c):
            for u in range(UNROLL):
                e = i * UNROLL + u
                evec = (lane + e) & (EMBED - 1)
                ge = plsc.load_gather(gb_v, [zerov, evec])
                be = plsc.load_gather(gb_v, [onev, evec])
                for g in range(NGRP):
                    x = plsc.load_gather(rows, [rvec[g], evec])
                    t = (x - mean[g]) * inv[g]
                    plsc.store_scatter(outv, [rflat[g] + evec], t * ge + be)
            return c

        lax.fori_loop(0, EMBED // UNROLL, p2, 0)

    gather_start(0, 0)
    gather_start(1, 1)

    def outer(jo, carry):
        for b in range(2):
            j = jo * 2 + b
            gather_wait(j, b)
            compute(b)

            @pl.when(j + 2 < n_chunks)
            def _():
                gather_start(j + 2, b)

            @pl.when(j >= 2)
            def _():
                wb_dma(j - 2, b).wait()

            wb_dma(j, b).start()
        return carry

    lax.fori_loop(0, n_chunks // 2, outer, 0)
    wb_dma(n_chunks - 2, 0).wait()
    wb_dma(n_chunks - 1, 1).wait()


def kernel(input_ids, table, gamma, beta):
    b, l = input_ids.shape
    n = b * l
    assert n % (NW * CH) == 0
    n_chunks = n // (NW * CH)
    assert n_chunks % 2 == 0
    idx_flat = input_ids.reshape(-1).astype(jnp.int32)
    mesh = plsc.VectorSubcoreMesh(core_axis_name="c", subcore_axis_name="s")
    f = pl.kernel(
        functools.partial(_body, n_chunks=n_chunks),
        mesh=mesh,
        compiler_params=pltpu.CompilerParams(
            needs_layout_passes=False, use_tc_tiling_on_sc=False
        ),
        out_type=jax.ShapeDtypeStruct((n * EMBED,), jnp.float32),
        scratch_types=[
            pltpu.VMEM((n_chunks * CH,), jnp.int32),
            pltpu.VMEM((CH, EMBED), jnp.float32),
            pltpu.VMEM((CH, EMBED), jnp.float32),
            pltpu.VMEM((CH * EMBED,), jnp.float32),
            pltpu.VMEM((CH * EMBED,), jnp.float32),
            pltpu.VMEM((2, EMBED), jnp.float32),
            pltpu.SemaphoreType.DMA,
            pltpu.SemaphoreType.DMA,
            pltpu.SemaphoreType.DMA,
            pltpu.SemaphoreType.DMA,
        ],
    )
    out = f(table, idx_flat, gamma, beta)
    return out.reshape(b, l, EMBED)

# --- scband reference (transcript-rebuilt; emitter-appended) ---
"""Pipeline reference for scband-bert-encoder-51857435132594 (READ-ONLY COPY).

The authoritative reference and input builder live on the scoring server;
editing this copy changes nothing except your own understanding.
"""

import jax, jax.numpy as jnp
import numpy as np

VOCAB = 1000000
EMBED = 64
EPS = 1e-5

def setup_inputs(seed: int = 0) -> dict:
    key = jax.random.key(seed)
    k1, k2 = jax.random.split(key)
    input_ids = jax.random.randint(k1, (4096, 50), 0, VOCAB, dtype=jnp.int64) if jax.config.jax_enable_x64 else jax.random.randint(k1, (4096, 50), 0, VOCAB, dtype=jnp.int32)
    table = jax.random.normal(k2, (VOCAB, EMBED), dtype=jnp.float32)
    # padding_idx=0: torch zeros that row at init
    table = table.at[0].set(0.0)
    gamma = jnp.ones((EMBED,), dtype=jnp.float32)
    beta = jnp.zeros((EMBED,), dtype=jnp.float32)
    return {"input_ids": input_ids, "table": table, "gamma": gamma, "beta": beta}

def reference(input_ids, table, gamma, beta):
    # embedding lookup (gather)
    x = jnp.take(table, input_ids, axis=0)  # [B, L, E]
    # LayerNorm over last dim
    mean = jnp.mean(x, axis=-1, keepdims=True)
    var = jnp.mean(jnp.square(x - mean), axis=-1, keepdims=True)
    x = (x - mean) / jnp.sqrt(var + EPS)
    x = x * gamma + beta
    # dropout in eval mode is identity
    return x

if __name__ == "__main__":
    import jax
    _d = setup_inputs()
    print(jax.jit(kernel)(*tuple(_d.values())))

</pallas_src>

<mosaic_0001>
#map = affine_map<(d0, d1) -> (0, 0)>
#map1 = affine_map<(d0, d1) -> (0)>
module attributes {stable_mosaic.version = 14 : i64} {
  func.func @_body(%arg0: i32, %arg1: i32, %arg2: memref<1000000x64xf32, #tpu.memory_space<hbm>>, %arg3: memref<204800xi32, #tpu.memory_space<hbm>>, %arg4: memref<64xf32, #tpu.memory_space<hbm>>, %arg5: memref<64xf32, #tpu.memory_space<hbm>>, %arg6: memref<13107200xf32, #tpu.memory_space<hbm>>, %arg7: memref<6400xi32, #tpu.memory_space<vmem>>, %arg8: memref<128x64xf32, #tpu.memory_space<vmem>>, %arg9: memref<128x64xf32, #tpu.memory_space<vmem>>, %arg10: memref<8192xf32, #tpu.memory_space<vmem>>, %arg11: memref<8192xf32, #tpu.memory_space<vmem>>, %arg12: memref<2x64xf32, #tpu.memory_space<vmem>>, %arg13: memref<!tpu.dma_semaphore, #tpu.memory_space<semaphore_mem>>, %arg14: memref<!tpu.dma_semaphore, #tpu.memory_space<semaphore_mem>>, %arg15: memref<!tpu.dma_semaphore, #tpu.memory_space<semaphore_mem>>, %arg16: memref<!tpu.dma_semaphore, #tpu.memory_space<semaphore_mem>>) attributes {dimension_semantics = [#tpu.dimension_semantics<core_parallel>, #tpu.dimension_semantics<subcore_parallel>], iteration_bounds = array<i64: 2, 16>, scalar_prefetch = 0 : i64, scratch_operands = 10 : i64, tpu.core_type = #tpu.core_type<sc_vector_subcore>, window_params = [{transform_indices = #map}, {transform_indices = #map1}, {transform_indices = #map1}, {transform_indices = #map1}, {transform_indices = #map1}]} {
    %mul3A = arith.constant 2 : i32
    %mul3A_0 = arith.muli %arg1, %mul3A : i32
    %add3A = arith.addi %mul3A_0, %arg0 : i32
    %mul3A_1 = arith.constant 6400 : i32
    %mul3A_2 = arith.muli %add3A, %mul3A_1 : i32
    "tpu.region"() ({
      %run_scoped3A_158 = tpu.sem_alloc : memref<!tpu.dma_semaphore, #tpu.memory_space<semaphore_mem>>
      %dma_start3A_159 = tpu.memref_slice %arg3[%mul3A_2] : memref<204800xi32, #tpu.memory_space<hbm>> -> memref<6400xi32, #tpu.memory_space<hbm>>
      %dma_start3A_160 = tpu.memref_slice %arg3[%mul3A_2] : memref<204800xi32, #tpu.memory_space<hbm>> -> memref<6400xi32, #tpu.memory_space<hbm>>
      tpu.enqueue_dma source(%dma_start3A_160 : memref<6400xi32, #tpu.memory_space<hbm>>) target(%arg7 : memref<6400xi32, #tpu.memory_space<vmem>>) target_semaphore(%run_scoped3A_158 : memref<!tpu.dma_semaphore, #tpu.memory_space<semaphore_mem>>)
      %dma_wait3A_161 = tpu.memref_slice %arg3[%mul3A_2] : memref<204800xi32, #tpu.memory_space<hbm>> -> memref<6400xi32, #tpu.memory_space<hbm>>
      %dma_wait3A_162 = tpu.memref_slice %arg3[%mul3A_2] : memref<204800xi32, #tpu.memory_space<hbm>> -> memref<6400xi32, #tpu.memory_space<hbm>>
      tpu.wait_dma2 semaphore(%run_scoped3A_158 : memref<!tpu.dma_semaphore, #tpu.memory_space<semaphore_mem>>) src(%dma_wait3A_162 : memref<6400xi32, #tpu.memory_space<hbm>>) dst(%arg7 : memref<6400xi32, #tpu.memory_space<vmem>>)
      tpu.yield
    }) : () -> ()
    %run_scoped3A = arith.constant 0 : i32
    "tpu.region"() ({
      %run_scoped3A_158 = tpu.sem_alloc : memref<!tpu.dma_semaphore, #tpu.memory_space<semaphore_mem>>
      %dma_start3A_159 = arith.constant 0 : i32
      %dma_start3A_160 = tpu.memref_slice %arg12[%run_scoped3A, %dma_start3A_159] : memref<2x64xf32, #tpu.memory_space<vmem>> -> memref<1x64xf32, #tpu.memory_space<vmem>>
      %dma_start3A_161 = tpu.memref_squeeze %dma_start3A_160 : memref<1x64xf32, #tpu.memory_space<vmem>> -> memref<64xf32, #tpu.memory_space<vmem>>
      %dma_start3A_162 = arith.constant 0 : i32
      %dma_start3A_163 = tpu.memref_slice %arg12[%run_scoped3A, %dma_start3A_162] : memref<2x64xf32, #tpu.memory_space<vmem>> -> memref<1x64xf32, #tpu.memory_space<vmem>>
      %dma_start3A_164 = tpu.memref_squeeze %dma_start3A_163 : memref<1x64xf32, #tpu.memory_space<vmem>> -> memref<64xf32, #tpu.memory_space<vmem>>
      tpu.enqueue_dma source(%arg4 : memref<64xf32, #tpu.memory_space<hbm>>) target(%dma_start3A_164 : memref<64xf32, #tpu.memory_space<vmem>>) target_semaphore(%run_scoped3A_158 : memref<!tpu.dma_semaphore, #tpu.memory_space<semaphore_mem>>)
      %dma_wait3A_165 = arith.constant 0 : i32
      %dma_wait3A_166 = tpu.memref_slice %arg12[%run_scoped3A, %dma_wait3A_165] : memref<2x64xf32, #tpu.memory_space<vmem>> -> memref<1x64xf32, #tpu.memory_space<vmem>>
      %dma_wait3A_167 = tpu.memref_squeeze %dma_wait3A_166 : memref<1x64xf32, #tpu.memory_space<vmem>> -> memref<64xf32, #tpu.memory_space<vmem>>
      %dma_wait3A_168 = arith.constant 0 : i32
      %dma_wait3A_169 = tpu.memref_slice %arg12[%run_scoped3A, %dma_wait3A_168] : memref<2x64xf32, #tpu.memory_space<vmem>> -> memref<1x64xf32, #tpu.memory_space<vmem>>
      %dma_wait3A_170 = tpu.memref_squeeze %dma_wait3A_169 : memref<1x64xf32, #tpu.memory_space<vmem>> -> memref<64xf32, #tpu.memory_space<vmem>>
      tpu.wait_dma2 semaphore(%run_scoped3A_158 : memref<!tpu.dma_semaphore, #tpu.memory_space<semaphore_mem>>) src(%arg4 : memref<64xf32, #tpu.memory_space<hbm>>) dst(%dma_wait3A_170 : memref<64xf32, #tpu.memory_space<vmem>>)
      tpu.yield
    }) : () -> ()
    %run_scoped3A_3 = arith.constant 1 : i32
    "tpu.region"() ({
      %run_scoped3A_158 = tpu.sem_alloc : memref<!tpu.dma_semaphore, #tpu.memory_space<semaphore_mem>>
      %dma_start3A_159 = arith.constant 0 : i32
      %dma_start3A_160 = tpu.memref_slice %arg12[%run_scoped3A_3, %dma_start3A_159] : memref<2x64xf32, #tpu.memory_space<vmem>> -> memref<1x64xf32, #tpu.memory_space<vmem>>
      %dma_start3A_161 = tpu.memref_squeeze %dma_start3A_160 : memref<1x64xf32, #tpu.memory_space<vmem>> -> memref<64xf32, #tpu.memory_space<vmem>>
      %dma_start3A_162 = arith.constant 0 : i32
      %dma_start3A_163 = tpu.memref_slice %arg12[%run_scoped3A_3, %dma_start3A_162] : memref<2x64xf32, #tpu.memory_space<vmem>> -> memref<1x64xf32, #tpu.memory_space<vmem>>
      %dma_start3A_164 = tpu.memref_squeeze %dma_start3A_163 : memref<1x64xf32, #tpu.memory_space<vmem>> -> memref<64xf32, #tpu.memory_space<vmem>>
      tpu.enqueue_dma source(%arg5 : memref<64xf32, #tpu.memory_space<hbm>>) target(%dma_start3A_164 : memref<64xf32, #tpu.memory_space<vmem>>) target_semaphore(%run_scoped3A_158 : memref<!tpu.dma_semaphore, #tpu.memory_space<semaphore_mem>>)
      %dma_wait3A_165 = arith.constant 0 : i32
      %dma_wait3A_166 = tpu.memref_slice %arg12[%run_scoped3A_3, %dma_wait3A_165] : memref<2x64xf32, #tpu.memory_space<vmem>> -> memref<1x64xf32, #tpu.memory_space<vmem>>
      %dma_wait3A_167 = tpu.memref_squeeze %dma_wait3A_166 : memref<1x64xf32, #tpu.memory_space<vmem>> -> memref<64xf32, #tpu.memory_space<vmem>>
      %dma_wait3A_168 = arith.constant 0 : i32
      %dma_wait3A_169 = tpu.memref_slice %arg12[%run_scoped3A_3, %dma_wait3A_168] : memref<2x64xf32, #tpu.memory_space<vmem>> -> memref<1x64xf32, #tpu.memory_space<vmem>>
      %dma_wait3A_170 = tpu.memref_squeeze %dma_wait3A_169 : memref<1x64xf32, #tpu.memory_space<vmem>> -> memref<64xf32, #tpu.memory_space<vmem>>
      tpu.wait_dma2 semaphore(%run_scoped3A_158 : memref<!tpu.dma_semaphore, #tpu.memory_space<semaphore_mem>>) src(%arg5 : memref<64xf32, #tpu.memory_space<hbm>>) dst(%dma_wait3A_170 : memref<64xf32, #tpu.memory_space<vmem>>)
      tpu.yield
    }) : () -> ()
    %iota3A = tpu.iota {dimensions = array<i32: 0>} : vector<16xi32>
    %broadcast_in_dim3A = arith.constant 0 : i32
    %broadcast_in_dim3A_4 = vector.broadcast %broadcast_in_dim3A : i32 to vector<16xi32>
    %broadcast_in_dim3A_5 = arith.constant 1 : i32
    %broadcast_in_dim3A_6 = vector.broadcast %broadcast_in_dim3A_5 : i32 to vector<16xi32>
    %add3A_7 = arith.constant 0 : i32
    %add3A_8 = vector.broadcast %add3A_7 : i32 to vector<16xi32>
    %add3A_9 = arith.addi %iota3A, %add3A_8 : vector<16xi32>
    %add3A_10 = arith.constant 16 : i32
    %add3A_11 = vector.broadcast %add3A_10 : i32 to vector<16xi32>
    %add3A_12 = arith.addi %iota3A, %add3A_11 : vector<16xi32>
    %add3A_13 = arith.constant 32 : i32
    %add3A_14 = vector.broadcast %add3A_13 : i32 to vector<16xi32>
    %add3A_15 = arith.addi %iota3A, %add3A_14 : vector<16xi32>
    %add3A_16 = arith.constant 48 : i32
    %add3A_17 = vector.broadcast %add3A_16 : i32 to vector<16xi32>
    %add3A_18 = arith.addi %iota3A, %add3A_17 : vector<16xi32>
    %add3A_19 = arith.constant 64 : i32
    %add3A_20 = vector.broadcast %add3A_19 : i32 to vector<16xi32>
    %add3A_21 = arith.addi %iota3A, %add3A_20 : vector<16xi32>
    %add3A_22 = arith.constant 80 : i32
    %add3A_23 = vector.broadcast %add3A_22 : i32 to vector<16xi32>
    %add3A_24 = arith.addi %iota3A, %add3A_23 : vector<16xi32>
    %add3A_25 = arith.constant 96 : i32
    %add3A_26 = vector.broadcast %add3A_25 : i32 to vector<16xi32>
    %add3A_27 = arith.addi %iota3A, %add3A_26 : vector<16xi32>
    %add3A_28 = arith.constant 112 : i32
    %add3A_29 = vector.broadcast %add3A_28 : i32 to vector<16xi32>
    %add3A_30 = arith.addi %iota3A, %add3A_29 : vector<16xi32>
    %add3A_31 = arith.constant 0 : i32
    %add3A_32 = vector.broadcast %add3A_31 : i32 to vector<16xi32>
    %add3A_33 = arith.addi %iota3A, %add3A_32 : vector<16xi32>
    %mul3A_34 = arith.constant 64 : i32
    %mul3A_35 = vector.broadcast %mul3A_34 : i32 to vector<16xi32>
    %mul3A_36 = arith.muli %add3A_33, %mul3A_35 : vector<16xi32>
    %add3A_37 = arith.constant 16 : i32
    %add3A_38 = vector.broadcast %add3A_37 : i32 to vector<16xi32>
    %add3A_39 = arith.addi %iota3A, %add3A_38 : vector<16xi32>
    %mul3A_40 = arith.constant 64 : i32
    %mul3A_41 = vector.broadcast %mul3A_40 : i32 to vector<16xi32>
    %mul3A_42 = arith.muli %add3A_39, %mul3A_41 : vector<16xi32>
    %add3A_43 = arith.constant 32 : i32
    %add3A_44 = vector.broadcast %add3A_43 : i32 to vector<16xi32>
    %add3A_45 = arith.addi %iota3A, %add3A_44 : vector<16xi32>
    %mul3A_46 = arith.constant 64 : i32
    %mul3A_47 = vector.broadcast %mul3A_46 : i32 to vector<16xi32>
    %mul3A_48 = arith.muli %add3A_45, %mul3A_47 : vector<16xi32>
    %add3A_49 = arith.constant 48 : i32
    %add3A_50 = vector.broadcast %add3A_49 : i32 to vector<16xi32>
    %add3A_51 = arith.addi %iota3A, %add3A_50 : vector<16xi32>
    %mul3A_52 = arith.constant 64 : i32
    %mul3A_53 = vector.broadcast %mul3A_52 : i32 to vector<16xi32>
    %mul3A_54 = arith.muli %add3A_51, %mul3A_53 : vector<16xi32>
    %add3A_55 = arith.constant 64 : i32
    %add3A_56 = vector.broadcast %add3A_55 : i32 to vector<16xi32>
    %add3A_57 = arith.addi %iota3A, %add3A_56 : vector<16xi32>
    %mul3A_58 = arith.constant 64 : i32
    %mul3A_59 = vector.broadcast %mul3A_58 : i32 to vector<16xi32>
    %mul3A_60 = arith.muli %add3A_57, %mul3A_59 : vector<16xi32>
    %add3A_61 = arith.constant 80 : i32
    %add3A_62 = vector.broadcast %add3A_61 : i32 to vector<16xi32>
    %add3A_63 = arith.addi %iota3A, %add3A_62 : vector<16xi32>
    %mul3A_64 = arith.constant 64 : i32
    %mul3A_65 = vector.broadcast %mul3A_64 : i32 to vector<16xi32>
    %mul3A_66 = arith.muli %add3A_63, %mul3A_65 : vector<16xi32>
    %add3A_67 = arith.constant 96 : i32
    %add3A_68 = vector.broadcast %add3A_67 : i32 to vector<16xi32>
    %add3A_69 = arith.addi %iota3A, %add3A_68 : vector<16xi32>
    %mul3A_70 = arith.constant 64 : i32
    %mul3A_71 = vector.broadcast %mul3A_70 : i32 to vector<16xi32>
    %mul3A_72 = arith.muli %add3A_69, %mul3A_71 : vector<16xi32>
    %add3A_73 = arith.constant 112 : i32
    %add3A_74 = vector.broadcast %add3A_73 : i32 to vector<16xi32>
    %add3A_75 = arith.addi %iota3A, %add3A_74 : vector<16xi32>
    %mul3A_76 = arith.constant 64 : i32
    %mul3A_77 = vector.broadcast %mul3A_76 : i32 to vector<16xi32>
    %mul3A_78 = arith.muli %add3A_75, %mul3A_77 : vector<16xi32>
    %dma_start3A = arith.constant 0 : i32
    %dma_start3A_79 = arith.constant 0 : i32
    %dma_start3A_80 = tpu.memref_slice %arg8[%dma_start3A, %dma_start3A_79] : memref<128x64xf32, #tpu.memory_space<vmem>> -> memref<32x64xf32, #tpu.memory_space<vmem>>
    %dma_start3A_81 = arith.constant 0 : i32
    %dma_start3A_82 = tpu.memref_slice %arg7[%dma_start3A_81] : memref<6400xi32, #tpu.memory_space<vmem>> -> memref<32xi32, #tpu.memory_space<vmem>>
    %dma_start3A_83 = arith.constant 0 : i32
    %dma_start3A_84 = arith.constant 0 : i32
    %dma_start3A_85 = tpu.memref_slice %arg2[%dma_start3A_83, %dma_start3A_84] : memref<1000000x64xf32, #tpu.memory_space<hbm>> -> memref<1000000x64xf32, #tpu.memory_space<hbm>>
    tpu.enqueue_indirect_dma source(%dma_start3A_85 : memref<1000000x64xf32, #tpu.memory_space<hbm>>) target(%dma_start3A_80 : memref<32x64xf32, #tpu.memory_space<vmem>>) offsets(%dma_start3A_82 : memref<32xi32, #tpu.memory_space<vmem>>) semaphore(%arg13 : memref<!tpu.dma_semaphore, #tpu.memory_space<semaphore_mem>>)
    %dma_start3A_86 = arith.constant 32 : i32
    %dma_start3A_87 = arith.constant 0 : i32
    %dma_start3A_88 = tpu.memref_slice %arg8[%dma_start3A_86, %dma_start3A_87] : memref<128x64xf32, #tpu.memory_space<vmem>> -> memref<32x64xf32, #tpu.memory_space<vmem>>
    %dma_start3A_89 = arith.constant 32 : i32
    %dma_start3A_90 = tpu.memref_slice %arg7[%dma_start3A_89] : memref<6400xi32, #tpu.memory_space<vmem>> -> memref<32xi32, #tpu.memory_space<vmem>>
    %dma_start3A_91 = arith.constant 0 : i32
    %dma_start3A_92 = arith.constant 0 : i32
    %dma_start3A_93 = tpu.memref_slice %arg2[%dma_start3A_91, %dma_start3A_92] : memref<1000000x64xf32, #tpu.memory_space<hbm>> -> memref<1000000x64xf32, #tpu.memory_space<hbm>>
    tpu.enqueue_indirect_dma source(%dma_start3A_93 : memref<1000000x64xf32, #tpu.memory_space<hbm>>) target(%dma_start3A_88 : memref<32x64xf32, #tpu.memory_space<vmem>>) offsets(%dma_start3A_90 : memref<32xi32, #tpu.memory_space<vmem>>) semaphore(%arg13 : memref<!tpu.dma_semaphore, #tpu.memory_space<semaphore_mem>>)
    %dma_start3A_94 = arith.constant 64 : i32
    %dma_start3A_95 = arith.constant 0 : i32
    %dma_start3A_96 = tpu.memref_slice %arg8[%dma_start3A_94, %dma_start3A_95] : memref<128x64xf32, #tpu.memory_space<vmem>> -> memref<32x64xf32, #tpu.memory_space<vmem>>
    %dma_start3A_97 = arith.constant 64 : i32
    %dma_start3A_98 = tpu.memref_slice %arg7[%dma_start3A_97] : memref<6400xi32, #tpu.memory_space<vmem>> -> memref<32xi32, #tpu.memory_space<vmem>>
    %dma_start3A_99 = arith.constant 0 : i32
    %dma_start3A_100 = arith.constant 0 : i32
    %dma_start3A_101 = tpu.memref_slice %arg2[%dma_start3A_99, %dma_start3A_100] : memref<1000000x64xf32, #tpu.memory_space<hbm>> -> memref<1000000x64xf32, #tpu.memory_space<hbm>>
    tpu.enqueue_indirect_dma source(%dma_start3A_101 : memref<1000000x64xf32, #tpu.memory_space<hbm>>) target(%dma_start3A_96 : memref<32x64xf32, #tpu.memory_space<vmem>>) offsets(%dma_start3A_98 : memref<32xi32, #tpu.memory_space<vmem>>) semaphore(%arg13 : memref<!tpu.dma_semaphore, #tpu.memory_space<semaphore_mem>>)
    %dma_start3A_102 = arith.constant 96 : i32
    %dma_start3A_103 = arith.constant 0 : i32
    %dma_start3A_104 = tpu.memref_slice %arg8[%dma_start3A_102, %dma_start3A_103] : memref<128x64xf32, #tpu.memory_space<vmem>> -> memref<32x64xf32, #tpu.memory_space<vmem>>
    %dma_start3A_105 = arith.constant 96 : i32
    %dma_start3A_106 = tpu.memref_slice %arg7[%dma_start3A_105] : memref<6400xi32, #tpu.memory_space<vmem>> -> memref<32xi32, #tpu.memory_space<vmem>>
    %dma_start3A_107 = arith.constant 0 : i32
    %dma_start3A_108 = arith.constant 0 : i32
    %dma_start3A_109 = tpu.memref_slice %arg2[%dma_start3A_107, %dma_start3A_108] : memref<1000000x64xf32, #tpu.memory_space<hbm>> -> memref<1000000x64xf32, #tpu.memory_space<hbm>>
    tpu.enqueue_indirect_dma source(%dma_start3A_109 : memref<1000000x64xf32, #tpu.memory_space<hbm>>) target(%dma_start3A_104 : memref<32x64xf32, #tpu.memory_space<vmem>>) offsets(%dma_start3A_106 : memref<32xi32, #tpu.memory_space<vmem>>) semaphore(%arg13 : memref<!tpu.dma_semaphore, #tpu.memory_space<semaphore_mem>>)
    %dma_start3A_110 = arith.constant 0 : i32
    %dma_start3A_111 = arith.constant 0 : i32
    %dma_start3A_112 = tpu.memref_slice %arg9[%dma_start3A_110, %dma_start3A_111] : memref<128x64xf32, #tpu.memory_space<vmem>> -> memref<32x64xf32, #tpu.memory_space<vmem>>
    %dma_start3A_113 = arith.constant 128 : i32
    %dma_start3A_114 = tpu.memref_slice %arg7[%dma_start3A_113] : memref<6400xi32, #tpu.memory_space<vmem>> -> memref<32xi32, #tpu.memory_space<vmem>>
    %dma_start3A_115 = arith.constant 0 : i32
    %dma_start3A_116 = arith.constant 0 : i32
    %dma_start3A_117 = tpu.memref_slice %arg2[%dma_start3A_115, %dma_start3A_116] : memref<1000000x64xf32, #tpu.memory_space<hbm>> -> memref<1000000x64xf32, #tpu.memory_space<hbm>>
    tpu.enqueue_indirect_dma source(%dma_start3A_117 : memref<1000000x64xf32, #tpu.memory_space<hbm>>) target(%dma_start3A_112 : memref<32x64xf32, #tpu.memory_space<vmem>>) offsets(%dma_start3A_114 : memref<32xi32, #tpu.memory_space<vmem>>) semaphore(%arg14 : memref<!tpu.dma_semaphore, #tpu.memory_space<semaphore_mem>>)
    %dma_start3A_118 = arith.constant 32 : i32
    %dma_start3A_119 = arith.constant 0 : i32
    %dma_start3A_120 = tpu.memref_slice %arg9[%dma_start3A_118, %dma_start3A_119] : memref<128x64xf32, #tpu.memory_space<vmem>> -> memref<32x64xf32, #tpu.memory_space<vmem>>
    %dma_start3A_121 = arith.constant 160 : i32
    %dma_start3A_122 = tpu.memref_slice %arg7[%dma_start3A_121] : memref<6400xi32, #tpu.memory_space<vmem>> -> memref<32xi32, #tpu.memory_space<vmem>>
    %dma_start3A_123 = arith.constant 0 : i32
    %dma_start3A_124 = arith.constant 0 : i32
    %dma_start3A_125 = tpu.memref_slice %arg2[%dma_start3A_123, %dma_start3A_124] : memref<1000000x64xf32, #tpu.memory_space<hbm>> -> memref<1000000x64xf32, #tpu.memory_space<hbm>>
    tpu.enqueue_indirect_dma source(%dma_start3A_125 : memref<1000000x64xf32, #tpu.memory_space<hbm>>) target(%dma_start3A_120 : memref<32x64xf32, #tpu.memory_space<vmem>>) offsets(%dma_start3A_122 : memref<32xi32, #tpu.memory_space<vmem>>) semaphore(%arg14 : memref<!tpu.dma_semaphore, #tpu.memory_space<semaphore_mem>>)
    %dma_start3A_126 = arith.constant 64 : i32
    %dma_start3A_127 = arith.constant 0 : i32
    %dma_start3A_128 = tpu.memref_slice %arg9[%dma_start3A_126, %dma_start3A_127] : memref<128x64xf32, #tpu.memory_space<vmem>> -> memref<32x64xf32, #tpu.memory_space<vmem>>
    %dma_start3A_129 = arith.constant 192 : i32
    %dma_start3A_130 = tpu.memref_slice %arg7[%dma_start3A_129] : memref<6400xi32, #tpu.memory_space<vmem>> -> memref<32xi32, #tpu.memory_space<vmem>>
    %dma_start3A_131 = arith.constant 0 : i32
    %dma_start3A_132 = arith.constant 0 : i32
    %dma_start3A_133 = tpu.memref_slice %arg2[%dma_start3A_131, %dma_start3A_132] : memref<1000000x64xf32, #tpu.memory_space<hbm>> -> memref<1000000x64xf32, #tpu.memory_space<hbm>>
    tpu.enqueue_indirect_dma source(%dma_start3A_133 : memref<1000000x64xf32, #tpu.memory_space<hbm>>) target(%dma_start3A_128 : memref<32x64xf32, #tpu.memory_space<vmem>>) offsets(%dma_start3A_130 : memref<32xi32, #tpu.memory_space<vmem>>) semaphore(%arg14 : memref<!tpu.dma_semaphore, #tpu.memory_space<semaphore_mem>>)
    %dma_start3A_134 = arith.constant 96 : i32
    %dma_start3A_135 = arith.constant 0 : i32
    %dma_start3A_136 = tpu.memref_slice %arg9[%dma_start3A_134, %dma_start3A_135] : memref<128x64xf32, #tpu.memory_space<vmem>> -> memref<32x64xf32, #tpu.memory_space<vmem>>
    %dma_start3A_137 = arith.constant 224 : i32
    %dma_start3A_138 = tpu.memref_slice %arg7[%dma_start3A_137] : memref<6400xi32, #tpu.memory_space<vmem>> -> memref<32xi32, #tpu.memory_space<vmem>>
    %dma_start3A_139 = arith.constant 0 : i32
    %dma_start3A_140 = arith.constant 0 : i32
    %dma_start3A_141 = tpu.memref_slice %arg2[%dma_start3A_139, %dma_start3A_140] : memref<1000000x64xf32, #tpu.memory_space<hbm>> -> memref<1000000x64xf32, #tpu.memory_space<hbm>>
    tpu.enqueue_indirect_dma source(%dma_start3A_141 : memref<1000000x64xf32, #tpu.memory_space<hbm>>) target(%dma_start3A_136 : memref<32x64xf32, #tpu.memory_space<vmem>>) offsets(%dma_start3A_138 : memref<32xi32, #tpu.memory_space<vmem>>) semaphore(%arg14 : memref<!tpu.dma_semaphore, #tpu.memory_space<semaphore_mem>>)
    %scan3A = arith.constant 0 : i32
    %scan3A_142 = arith.constant 0 : i32
    %scan3A_143 = arith.constant 25 : i32
    %scan3A_144 = arith.addi %scan3A_142, %scan3A_143 : i32
    %scan3A_145 = arith.constant 1 : i32
    scf.for %scan3A_158 = %scan3A_142 to %scan3A_144 step %scan3A_145  : i32 {
      %mul3A_159 = arith.constant 2 : i32
      %mul3A_160 = arith.muli %scan3A_158, %mul3A_159 : i32
      %add3A_161 = arith.constant 0 : i32
      %add3A_162 = arith.addi %mul3A_160, %add3A_161 : i32
      %mul3A_163 = arith.constant 128 : i32
      %mul3A_164 = arith.muli %add3A_162, %mul3A_163 : i32
      %add3A_165 = arith.constant 0 : i32
      %add3A_166 = arith.addi %mul3A_164, %add3A_165 : i32
      %mul3A_167 = arith.constant 128 : i32
      %mul3A_168 = arith.muli %add3A_162, %mul3A_167 : i32
      %add3A_169 = arith.constant 32 : i32
      %add3A_170 = arith.addi %mul3A_168, %add3A_169 : i32
      %mul3A_171 = arith.constant 128 : i32
      %mul3A_172 = arith.muli %add3A_162, %mul3A_171 : i32
      %add3A_173 = arith.constant 64 : i32
      %add3A_174 = arith.addi %mul3A_172, %add3A_173 : i32
      %mul3A_175 = arith.constant 128 : i32
      %mul3A_176 = arith.muli %add3A_162, %mul3A_175 : i32
      %add3A_177 = arith.constant 96 : i32
      %add3A_178 = arith.addi %mul3A_176, %add3A_177 : i32
      %dma_wait3A_179 = arith.constant 0 : i32
      %dma_wait3A_180 = arith.constant 0 : i32
      %dma_wait3A_181 = tpu.memref_slice %arg8[%dma_wait3A_179, %dma_wait3A_180] : memref<128x64xf32, #tpu.memory_space<vmem>> -> memref<32x64xf32, #tpu.memory_space<vmem>>
      %dma_wait3A_182 = tpu.memref_slice %arg7[%add3A_166] : memref<6400xi32, #tpu.memory_space<vmem>> -> memref<32xi32, #tpu.memory_space<vmem>>
      %dma_wait3A_183 = arith.constant 0 : i32
      %dma_wait3A_184 = arith.constant 0 : i32
      %dma_wait3A_185 = tpu.memref_slice %arg2[%dma_wait3A_183, %dma_wait3A_184] : memref<1000000x64xf32, #tpu.memory_space<hbm>> -> memref<1000000x64xf32, #tpu.memory_space<hbm>>
      tpu.wait_indirect_dma semaphore(%arg13 : memref<!tpu.dma_semaphore, #tpu.memory_space<semaphore_mem>>) src(%dma_wait3A_185 : memref<1000000x64xf32, #tpu.memory_space<hbm>>) dst(%dma_wait3A_181 : memref<32x64xf32, #tpu.memory_space<vmem>>)
      %dma_wait3A_186 = arith.constant 32 : i32
      %dma_wait3A_187 = arith.constant 0 : i32
      %dma_wait3A_188 = tpu.memref_slice %arg8[%dma_wait3A_186, %dma_wait3A_187] : memref<128x64xf32, #tpu.memory_space<vmem>> -> memref<32x64xf32, #tpu.memory_space<vmem>>
      %dma_wait3A_189 = tpu.memref_slice %arg7[%add3A_170] : memref<6400xi32, #tpu.memory_space<vmem>> -> memref<32xi32, #tpu.memory_space<vmem>>
      %dma_wait3A_190 = arith.constant 0 : i32
      %dma_wait3A_191 = arith.constant 0 : i32
      %dma_wait3A_192 = tpu.memref_slice %arg2[%dma_wait3A_190, %dma_wait3A_191] : memref<1000000x64xf32, #tpu.memory_space<hbm>> -> memref<1000000x64xf32, #tpu.memory_space<hbm>>
      tpu.wait_indirect_dma semaphore(%arg13 : memref<!tpu.dma_semaphore, #tpu.memory_space<semaphore_mem>>) src(%dma_wait3A_192 : memref<1000000x64xf32, #tpu.memory_space<hbm>>) dst(%dma_wait3A_188 : memref<32x64xf32, #tpu.memory_space<vmem>>)
      %dma_wait3A_193 = arith.constant 64 : i32
      %dma_wait3A_194 = arith.constant 0 : i32
      %dma_wait3A_195 = tpu.memref_slice %arg8[%dma_wait3A_193, %dma_wait3A_194] : memref<128x64xf32, #tpu.memory_space<vmem>> -> memref<32x64xf32, #tpu.memory_space<vmem>>
      %dma_wait3A_196 = tpu.memref_slice %arg7[%add3A_174] : memref<6400xi32, #tpu.memory_space<vmem>> -> memref<32xi32, #tpu.memory_space<vmem>>
      %dma_wait3A_197 = arith.constant 0 : i32
      %dma_wait3A_198 = arith.constant 0 : i32
      %dma_wait3A_199 = tpu.memref_slice %arg2[%dma_wait3A_197, %dma_wait3A_198] : memref<1000000x64xf32, #tpu.memory_space<hbm>> -> memref<1000000x64xf32, #tpu.memory_space<hbm>>
      tpu.wait_indirect_dma semaphore(%arg13 : memref<!tpu.dma_semaphore, #tpu.memory_space<semaphore_mem>>) src(%dma_wait3A_199 : memref<1000000x64xf32, #tpu.memory_space<hbm>>) dst(%dma_wait3A_195 : memref<32x64xf32, #tpu.memory_space<vmem>>)
      %dma_wait3A_200 = arith.constant 96 : i32
      %dma_wait3A_201 = arith.constant 0 : i32
      %dma_wait3A_202 = tpu.memref_slice %arg8[%dma_wait3A_200, %dma_wait3A_201] : memref<128x64xf32, #tpu.memory_space<vmem>> -> memref<32x64xf32, #tpu.memory_space<vmem>>
      %dma_wait3A_203 = tpu.memref_slice %arg7[%add3A_178] : memref<6400xi32, #tpu.memory_space<vmem>> -> memref<32xi32, #tpu.memory_space<vmem>>
      %dma_wait3A_204 = arith.constant 0 : i32
      %dma_wait3A_205 = arith.constant 0 : i32
      %dma_wait3A_206 = tpu.memref_slice %arg2[%dma_wait3A_204, %dma_wait3A_205] : memref<1000000x64xf32, #tpu.memory_space<hbm>> -> memref<1000000x64xf32, #tpu.memory_space<hbm>>
      tpu.wait_indirect_dma semaphore(%arg13 : memref<!tpu.dma_semaphore, #tpu.memory_space<semaphore_mem>>) src(%dma_wait3A_206 : memref<1000000x64xf32, #tpu.memory_space<hbm>>) dst(%dma_wait3A_202 : memref<32x64xf32, #tpu.memory_space<vmem>>)
      %broadcast_in_dim3A_207 = arith.constant 0.000000e+00 : f32
      %broadcast_in_dim3A_208 = vector.broadcast %broadcast_in_dim3A_207 : f32 to vector<16xf32>
      %scan3A_209 = arith.constant 0 : i32
      %scan3A_210 = arith.constant 16 : i32
      %scan3A_211 = arith.addi %scan3A_209, %scan3A_210 : i32
      %scan3A_212 = arith.constant 1 : i32
      %scan3A_213:16 = scf.for %scan3A_954 = %scan3A_209 to %scan3A_211 step %scan3A_212 iter_args(%scan3A_955 = %broadcast_in_dim3A_208, %scan3A_956 = %broadcast_in_dim3A_208, %scan3A_957 = %broadcast_in_dim3A_208, %scan3A_958 = %broadcast_in_dim3A_208, %scan3A_959 = %broadcast_in_dim3A_208, %scan3A_960 = %broadcast_in_dim3A_208, %scan3A_961 = %broadcast_in_dim3A_208, %scan3A_962 = %broadcast_in_dim3A_208, %scan3A_963 = %broadcast_in_dim3A_208, %scan3A_964 = %broadcast_in_dim3A_208, %scan3A_965 = %broadcast_in_dim3A_208, %scan3A_966 = %broadcast_in_dim3A_208, %scan3A_967 = %broadcast_in_dim3A_208, %scan3A_968 = %broadcast_in_dim3A_208, %scan3A_969 = %broadcast_in_dim3A_208, %scan3A_970 = %broadcast_in_dim3A_208) -> (vector<16xf32>, vector<16xf32>, vector<16xf32>, vector<16xf32>, vector<16xf32>, vector<16xf32>, vector<16xf32>, vector<16xf32>, vector<16xf32>, vector<16xf32>, vector<16xf32>, vector<16xf32>, vector<16xf32>, vector<16xf32>, vector<16xf32>, vector<16xf32>)  : i32 {
        %mul3A_971 = arith.constant 4 : i32
        %mul3A_972 = arith.muli %scan3A_954, %mul3A_971 : i32
        %add3A_973 = arith.constant 0 : i32
        %add3A_974 = arith.addi %mul3A_972, %add3A_973 : i32
        %add3A_975 = vector.broadcast %add3A_974 : i32 to vector<16xi32>
        %add3A_976 = arith.addi %iota3A, %add3A_975 : vector<16xi32>
        %and3A = arith.constant 63 : i32
        %and3A_977 = vector.broadcast %and3A : i32 to vector<16xi32>
        %and3A_978 = arith.andi %add3A_976, %and3A_977 : vector<16xi32>
        %gather3A = tpu.vector_load_idx %arg8[%add3A_9, %and3A_978] : memref<128x64xf32, #tpu.memory_space<vmem>>[vector<16xi32>, vector<16xi32>], vector<16xf32>,
        %add3A_979 = arith.addf %scan3A_955, %gather3A : vector<16xf32>
        %mul3A_980 = arith.mulf %gather3A, %gather3A : vector<16xf32>
        %add3A_981 = arith.addf %scan3A_963, %mul3A_980 : vector<16xf32>
        %gather3A_982 = tpu.vector_load_idx %arg8[%add3A_12, %and3A_978] : memref<128x64xf32, #tpu.memory_space<vmem>>[vector<16xi32>, vector<16xi32>], vector<16xf32>,
        %add3A_983 = arith.addf %scan3A_956, %gather3A_982 : vector<16xf32>
        %mul3A_984 = arith.mulf %gather3A_982, %gather3A_982 : vector<16xf32>
        %add3A_985 = arith.addf %scan3A_964, %mul3A_984 : vector<16xf32>
        %gather3A_986 = tpu.vector_load_idx %arg8[%add3A_15, %and3A_978] : memref<128x64xf32, #tpu.memory_space<vmem>>[vector<16xi32>, vector<16xi32>], vector<16xf32>,
        %add3A_987 = arith.addf %scan3A_957, %gather3A_986 : vector<16xf32>
        %mul3A_988 = arith.mulf %gather3A_986, %gather3A_986 : vector<16xf32>
        %add3A_989 = arith.addf %scan3A_965, %mul3A_988 : vector<16xf32>
        %gather3A_990 = tpu.vector_load_idx %arg8[%add3A_18, %and3A_978] : memref<128x64xf32, #tpu.memory_space<vmem>>[vector<16xi32>, vector<16xi32>], vector<16xf32>,
        %add3A_991 = arith.addf %scan3A_958, %gather3A_990 : vector<16xf32>
        %mul3A_992 = arith.mulf %gather3A_990, %gather3A_990 : vector<16xf32>
        %add3A_993 = arith.addf %scan3A_966, %mul3A_992 : vector<16xf32>
        %gather3A_994 = tpu.vector_load_idx %arg8[%add3A_21, %and3A_978] : memref<128x64xf32, #tpu.memory_space<vmem>>[vector<16xi32>, vector<16xi32>], vector<16xf32>,
        %add3A_995 = arith.addf %scan3A_959, %gather3A_994 : vector<16xf32>
        %mul3A_996 = arith.mulf %gather3A_994, %gather3A_994 : vector<16xf32>
        %add3A_997 = arith.addf %scan3A_967, %mul3A_996 : vector<16xf32>
        %gather3A_998 = tpu.vector_load_idx %arg8[%add3A_24, %and3A_978] : memref<128x64xf32, #tpu.memory_space<vmem>>[vector<16xi32>, vector<16xi32>], vector<16xf32>,
        %add3A_999 = arith.addf %scan3A_960, %gather3A_998 : vector<16xf32>
        %mul3A_1000 = arith.mulf %gather3A_998, %gather3A_998 : vector<16xf32>
        %add3A_1001 = arith.addf %scan3A_968, %mul3A_1000 : vector<16xf32>
        %gather3A_1002 = tpu.vector_load_idx %arg8[%add3A_27, %and3A_978] : memref<128x64xf32, #tpu.memory_space<vmem>>[vector<16xi32>, vector<16xi32>], vector<16xf32>,
        %add3A_1003 = arith.addf %scan3A_961, %gather3A_1002 : vector<16xf32>
        %mul3A_1004 = arith.mulf %gather3A_1002, %gather3A_1002 : vector<16xf32>
        %add3A_1005 = arith.addf %scan3A_969, %mul3A_1004 : vector<16xf32>
        %gather3A_1006 = tpu.vector_load_idx %arg8[%add3A_30, %and3A_978] : memref<128x64xf32, #tpu.memory_space<vmem>>[vector<16xi32>, vector<16xi32>], vector<16xf32>,
        %add3A_1007 = arith.addf %scan3A_962, %gather3A_1006 : vector<16xf32>
        %mul3A_1008 = arith.mulf %gather3A_1006, %gather3A_1006 : vector<16xf32>
        %add3A_1009 = arith.addf %scan3A_970, %mul3A_1008 : vector<16xf32>
        %mul3A_1010 = arith.constant 4 : i32
        %mul3A_1011 = arith.muli %scan3A_954, %mul3A_1010 : i32
        %add3A_1012 = arith.constant 1 : i32
        %add3A_1013 = arith.addi %mul3A_1011, %add3A_1012 : i32
        %add3A_1014 = vector.broadcast %add3A_1013 : i32 to vector<16xi32>
        %add3A_1015 = arith.addi %iota3A, %add3A_1014 : vector<16xi32>
        %and3A_1016 = arith.constant 63 : i32
        %and3A_1017 = vector.broadcast %and3A_1016 : i32 to vector<16xi32>
        %and3A_1018 = arith.andi %add3A_1015, %and3A_1017 : vector<16xi32>
        %gather3A_1019 = tpu.vector_load_idx %arg8[%add3A_9, %and3A_1018] : memref<128x64xf32, #tpu.memory_space<vmem>>[vector<16xi32>, vector<16xi32>], vector<16xf32>,
        %add3A_1020 = arith.addf %add3A_979, %gather3A_1019 : vector<16xf32>
        %mul3A_1021 = arith.mulf %gather3A_1019, %gather3A_1019 : vector<16xf32>
        %add3A_1022 = arith.addf %add3A_981, %mul3A_1021 : vector<16xf32>
        %gather3A_1023 = tpu.vector_load_idx %arg8[%add3A_12, %and3A_1018] : memref<128x64xf32, #tpu.memory_space<vmem>>[vector<16xi32>, vector<16xi32>], vector<16xf32>,
        %add3A_1024 = arith.addf %add3A_983, %gather3A_1023 : vector<16xf32>
        %mul3A_1025 = arith.mulf %gather3A_1023, %gather3A_1023 : vector<16xf32>
        %add3A_1026 = arith.addf %add3A_985, %mul3A_1025 : vector<16xf32>
        %gather3A_1027 = tpu.vector_load_idx %arg8[%add3A_15, %and3A_1018] : memref<128x64xf32, #tpu.memory_space<vmem>>[vector<16xi32>, vector<16xi32>], vector<16xf32>,
        %add3A_1028 = arith.addf %add3A_987, %gather3A_1027 : vector<16xf32>
        %mul3A_1029 = arith.mulf %gather3A_1027, %gather3A_1027 : vector<16xf32>
        %add3A_1030 = arith.addf %add3A_989, %mul3A_1029 : vector<16xf32>
        %gather3A_1031 = tpu.vector_load_idx %arg8[%add3A_18, %and3A_1018] : memref<128x64xf32, #tpu.memory_space<vmem>>[vector<16xi32>, vector<16xi32>], vector<16xf32>,
        %add3A_1032 = arith.addf %add3A_991, %gather3A_1031 : vector<16xf32>
        %mul3A_1033 = arith.mulf %gather3A_1031, %gather3A_1031 : vector<16xf32>
        %add3A_1034 = arith.addf %add3A_993, %mul3A_1033 : vector<16xf32>
        %gather3A_1035 = tpu.vector_load_idx %arg8[%add3A_21, %and3A_1018] : memref<128x64xf32, #tpu.memory_space<vmem>>[vector<16xi32>, vector<16xi32>], vector<16xf32>,
        %add3A_1036 = arith.addf %add3A_995, %gather3A_1035 : vector<16xf32>
        %mul3A_1037 = arith.mulf %gather3A_1035, %gather3A_1035 : vector<16xf32>
        %add3A_1038 = arith.addf %add3A_997, %mul3A_1037 : vector<16xf32>
        %gather3A_1039 = tpu.vector_load_idx %arg8[%add3A_24, %and3A_1018] : memref<128x64xf32, #tpu.memory_space<vmem>>[vector<16xi32>, vector<16xi32>], vector<16xf32>,
        %add3A_1040 = arith.addf %add3A_999, %gather3A_1039 : vector<16xf32>
        %mul3A_1041 = arith.mulf %gather3A_1039, %gather3A_1039 : vector<16xf32>
        %add3A_1042 = arith.addf %add3A_1001, %mul3A_1041 : vector<16xf32>
        %gather3A_1043 = tpu.vector_load_idx %arg8[%add3A_27, %and3A_1018] : memref<128x64xf32, #tpu.memory_space<vmem>>[vector<16xi32>, vector<16xi32>], vector<16xf32>,
        %add3A_1044 = arith.addf %add3A_1003, %gather3A_1043 : vector<16xf32>
        %mul3A_1045 = arith.mulf %gather3A_1043, %gather3A_1043 : vector<16xf32>
        %add3A_1046 = arith.addf %add3A_1005, %mul3A_1045 : vector<16xf32>
        %gather3A_1047 = tpu.vector_load_idx %arg8[%add3A_30, %and3A_1018] : memref<128x64xf32, #tpu.memory_space<vmem>>[vector<16xi32>, vector<16xi32>], vector<16xf32>,
        %add3A_1048 = arith.addf %add3A_1007, %gather3A_1047 : vector<16xf32>
        %mul3A_1049 = arith.mulf %gather3A_1047, %gather3A_1047 : vector<16xf32>
        %add3A_1050 = arith.addf %add3A_1009, %mul3A_1049 : vector<16xf32>
        %mul3A_1051 = arith.constant 4 : i32
        %mul3A_1052 = arith.muli %scan3A_954, %mul3A_1051 : i32
        %add3A_1053 = arith.constant 2 : i32
        %add3A_1054 = arith.addi %mul3A_1052, %add3A_1053 : i32
        %add3A_1055 = vector.broadcast %add3A_1054 : i32 to vector<16xi32>
        %add3A_1056 = arith.addi %iota3A, %add3A_1055 : vector<16xi32>
        %and3A_1057 = arith.constant 63 : i32
        %and3A_1058 = vector.broadcast %and3A_1057 : i32 to vector<16xi32>
        %and3A_1059 = arith.andi %add3A_1056, %and3A_1058 : vector<16xi32>
        %gather3A_1060 = tpu.vector_load_idx %arg8[%add3A_9, %and3A_1059] : memref<128x64xf32, #tpu.memory_space<vmem>>[vector<16xi32>, vector<16xi32>], vector<16xf32>,
        %add3A_1061 = arith.addf %add3A_1020, %gather3A_1060 : vector<16xf32>
        %mul3A_1062 = arith.mulf %gather3A_1060, %gather3A_1060 : vector<16xf32>
        %add3A_1063 = arith.addf %add3A_1022, %mul3A_1062 : vector<16xf32>
        %gather3A_1064 = tpu.vector_load_idx %arg8[%add3A_12, %and3A_1059] : memref<128x64xf32, #tpu.memory_space<vmem>>[vector<16xi32>, vector<16xi32>], vector<16xf32>,
        %add3A_1065 = arith.addf %add3A_1024, %gather3A_1064 : vector<16xf32>
        %mul3A_1066 = arith.mulf %gather3A_1064, %gather3A_1064 : vector<16xf32>
        %add3A_1067 = arith.addf %add3A_1026, %mul3A_1066 : vector<16xf32>
        %gather3A_1068 = tpu.vector_load_idx %arg8[%add3A_15, %and3A_1059] : memref<128x64xf32, #tpu.memory_space<vmem>>[vector<16xi32>, vector<16xi32>], vector<16xf32>,
        %add3A_1069 = arith.addf %add3A_1028, %gather3A_1068 : vector<16xf32>
        %mul3A_1070 = arith.mulf %gather3A_1068, %gather3A_1068 : vector<16xf32>
        %add3A_1071 = arith.addf %add3A_1030, %mul3A_1070 : vector<16xf32>
        %gather3A_1072 = tpu.vector_load_idx %arg8[%add3A_18, %and3A_1059] : memref<128x64xf32, #tpu.memory_space<vmem>>[vector<16xi32>, vector<16xi32>], vector<16xf32>,
        %add3A_1073 = arith.addf %add3A_1032, %gather3A_1072 : vector<16xf32>
        %mul3A_1074 = arith.mulf %gather3A_1072, %gather3A_1072 : vector<16xf32>
        %add3A_1075 = arith.addf %add3A_1034, %mul3A_1074 : vector<16xf32>
        %gather3A_1076 = tpu.vector_load_idx %arg8[%add3A_21, %and3A_1059] : memref<128x64xf32, #tpu.memory_space<vmem>>[vector<16xi32>, vector<16xi32>], vector<16xf32>,
        %add3A_1077 = arith.addf %add3A_1036, %gather3A_1076 : vector<16xf32>
        %mul3A_1078 = arith.mulf %gather3A_1076, %gather3A_1076 : vector<16xf32>
        %add3A_1079 = arith.addf %add3A_1038, %mul3A_1078 : vector<16xf32>
        %gather3A_1080 = tpu.vector_load_idx %arg8[%add3A_24, %and3A_1059] : memref<128x64xf32, #tpu.memory_space<vmem>>[vector<16xi32>, vector<16xi32>], vector<16xf32>,
        %add3A_1081 = arith.addf %add3A_1040, %gather3A_1080 : vector<16xf32>
        %mul3A_1082 = arith.mulf %gather3A_1080, %gather3A_1080 : vector<16xf32>
        %add3A_1083 = arith.addf %add3A_1042, %mul3A_1082 : vector<16xf32>
        %gather3A_1084 = tpu.vector_load_idx %arg8[%add3A_27, %and3A_1059] : memref<128x64xf32, #tpu.memory_space<vmem>>[vector<16xi32>, vector<16xi32>], vector<16xf32>,
        %add3A_1085 = arith.addf %add3A_1044, %gather3A_1084 : vector<16xf32>
        %mul3A_1086 = arith.mulf %gather3A_1084, %gather3A_1084 : vector<16xf32>
        %add3A_1087 = arith.addf %add3A_1046, %mul3A_1086 : vector<16xf32>
        %gather3A_1088 = tpu.vector_load_idx %arg8[%add3A_30, %and3A_1059] : memref<128x64xf32, #tpu.memory_space<vmem>>[vector<16xi32>, vector<16xi32>], vector<16xf32>,
        %add3A_1089 = arith.addf %add3A_1048, %gather3A_1088 : vector<16xf32>
        %mul3A_1090 = arith.mulf %gather3A_1088, %gather3A_1088 : vector<16xf32>
        %add3A_1091 = arith.addf %add3A_1050, %mul3A_1090 : vector<16xf32>
        %mul3A_1092 = arith.constant 4 : i32
        %mul3A_1093 = arith.muli %scan3A_954, %mul3A_1092 : i32
        %add3A_1094 = arith.constant 3 : i32
        %add3A_1095 = arith.addi %mul3A_1093, %add3A_1094 : i32
        %add3A_1096 = vector.broadcast %add3A_1095 : i32 to vector<16xi32>
        %add3A_1097 = arith.addi %iota3A, %add3A_1096 : vector<16xi32>
        %and3A_1098 = arith.constant 63 : i32
        %and3A_1099 = vector.broadcast %and3A_1098 : i32 to vector<16xi32>
        %and3A_1100 = arith.andi %add3A_1097, %and3A_1099 : vector<16xi32>
        %gather3A_1101 = tpu.vector_load_idx %arg8[%add3A_9, %and3A_1100] : memref<128x64xf32, #tpu.memory_space<vmem>>[vector<16xi32>, vector<16xi32>], vector<16xf32>,
        %add3A_1102 = arith.addf %add3A_1061, %gather3A_1101 : vector<16xf32>
        %mul3A_1103 = arith.mulf %gather3A_1101, %gather3A_1101 : vector<16xf32>
        %add3A_1104 = arith.addf %add3A_1063, %mul3A_1103 : vector<16xf32>
        %gather3A_1105 = tpu.vector_load_idx %arg8[%add3A_12, %and3A_1100] : memref<128x64xf32, #tpu.memory_space<vmem>>[vector<16xi32>, vector<16xi32>], vector<16xf32>,
        %add3A_1106 = arith.addf %add3A_1065, %gather3A_1105 : vector<16xf32>
        %mul3A_1107 = arith.mulf %gather3A_1105, %gather3A_1105 : vector<16xf32>
        %add3A_1108 = arith.addf %add3A_1067, %mul3A_1107 : vector<16xf32>
        %gather3A_1109 = tpu.vector_load_idx %arg8[%add3A_15, %and3A_1100] : memref<128x64xf32, #tpu.memory_space<vmem>>[vector<16xi32>, vector<16xi32>], vector<16xf32>,
        %add3A_1110 = arith.addf %add3A_1069, %gather3A_1109 : vector<16xf32>
        %mul3A_1111 = arith.mulf %gather3A_1109, %gather3A_1109 : vector<16xf32>
        %add3A_1112 = arith.addf %add3A_1071, %mul3A_1111 : vector<16xf32>
        %gather3A_1113 = tpu.vector_load_idx %arg8[%add3A_18, %and3A_1100] : memref<128x64xf32, #tpu.memory_space<vmem>>[vector<16xi32>, vector<16xi32>], vector<16xf32>,
        %add3A_1114 = arith.addf %add3A_1073, %gather3A_1113 : vector<16xf32>
        %mul3A_1115 = arith.mulf %gather3A_1113, %gather3A_1113 : vector<16xf32>
        %add3A_1116 = arith.addf %add3A_1075, %mul3A_1115 : vector<16xf32>
        %gather3A_1117 = tpu.vector_load_idx %arg8[%add3A_21, %and3A_1100] : memref<128x64xf32, #tpu.memory_space<vmem>>[vector<16xi32>, vector<16xi32>], vector<16xf32>,
        %add3A_1118 = arith.addf %add3A_1077, %gather3A_1117 : vector<16xf32>
        %mul3A_1119 = arith.mulf %gather3A_1117, %gather3A_1117 : vector<16xf32>
        %add3A_1120 = arith.addf %add3A_1079, %mul3A_1119 : vector<16xf32>
        %gather3A_1121 = tpu.vector_load_idx %arg8[%add3A_24, %and3A_1100] : memref<128x64xf32, #tpu.memory_space<vmem>>[vector<16xi32>, vector<16xi32>], vector<16xf32>,
        %add3A_1122 = arith.addf %add3A_1081, %gather3A_1121 : vector<16xf32>
        %mul3A_1123 = arith.mulf %gather3A_1121, %gather3A_1121 : vector<16xf32>
        %add3A_1124 = arith.addf %add3A_1083, %mul3A_1123 : vector<16xf32>
        %gather3A_1125 = tpu.vector_load_idx %arg8[%add3A_27, %and3A_1100] : memref<128x64xf32, #tpu.memory_space<vmem>>[vector<16xi32>, vector<16xi32>], vector<16xf32>,
        %add3A_1126 = arith.addf %add3A_1085, %gather3A_1125 : vector<16xf32>
        %mul3A_1127 = arith.mulf %gather3A_1125, %gather3A_1125 : vector<16xf32>
        %add3A_1128 = arith.addf %add3A_1087, %mul3A_1127 : vector<16xf32>
        %gather3A_1129 = tpu.vector_load_idx %arg8[%add3A_30, %and3A_1100] : memref<128x64xf32, #tpu.memory_space<vmem>>[vector<16xi32>, vector<16xi32>], vector<16xf32>,
        %add3A_1130 = arith.addf %add3A_1089, %gather3A_1129 : vector<16xf32>
        %mul3A_1131 = arith.mulf %gather3A_1129, %gather3A_1129 : vector<16xf32>
        %add3A_1132 = arith.addf %add3A_1091, %mul3A_1131 : vector<16xf32>
        scf.yield %add3A_1102, %add3A_1106, %add3A_1110, %add3A_1114, %add3A_1118, %add3A_1122, %add3A_1126, %add3A_1130, %add3A_1104, %add3A_1108, %add3A_1112, %add3A_1116, %add3A_1120, %add3A_1124, %add3A_1128, %add3A_1132 : vector<16xf32>, vector<16xf32>, vector<16xf32>, vector<16xf32>, vector<16xf32>, vector<16xf32>, vector<16xf32>, vector<16xf32>, vector<16xf32>, vector<16xf32>, vector<16xf32>, vector<16xf32>, vector<16xf32>, vector<16xf32>, vector<16xf32>, vector<16xf32>
      }
      %scan3A_214 = arith.constant 16 : i32
      %mul3A_215 = arith.constant 1.562500e-02 : f32
      %mul3A_216 = vector.broadcast %mul3A_215 : f32 to vector<16xf32>
      %mul3A_217 = arith.mulf %scan3A_213#0, %mul3A_216 : vector<16xf32>
      %mul3A_218 = arith.constant 1.562500e-02 : f32
      %mul3A_219 = vector.broadcast %mul3A_218 : f32 to vector<16xf32>
      %mul3A_220 = arith.mulf %scan3A_213#8, %mul3A_219 : vector<16xf32>
      %mul3A_221 = arith.mulf %mul3A_217, %mul3A_217 : vector<16xf32>
      %sub3A = arith.subf %mul3A_220, %mul3A_221 : vector<16xf32>
      %add3A_222 = arith.constant 9.99999974E-6 : f32
      %add3A_223 = vector.broadcast %add3A_222 : f32 to vector<16xf32>
      %add3A_224 = arith.addf %sub3A, %add3A_223 : vector<16xf32>
      %bitcast3A = vector.bitcast %add3A_224 : vector<16xf32> to vector<16xi32>
      %shift_right_arithmetic3A = arith.constant 1 : i32
      %shift_right_arithmetic3A_225 = vector.broadcast %shift_right_arithmetic3A : i32 to vector<16xi32>
      %shift_right_arithmetic3A_226 = arith.shrsi %bitcast3A, %shift_right_arithmetic3A_225 : vector<16xi32>
      %sub3A_227 = arith.constant 1597463007 : i32
      %sub3A_228 = vector.broadcast %sub3A_227 : i32 to vector<16xi32>
      %sub3A_229 = arith.subi %sub3A_228, %shift_right_arithmetic3A_226 : vector<16xi32>
      %bitcast3A_230 = vector.bitcast %sub3A_229 : vector<16xi32> to vector<16xf32>
      %mul3A_231 = arith.constant -5.000000e-01 : f32
      %mul3A_232 = vector.broadcast %mul3A_231 : f32 to vector<16xf32>
      %mul3A_233 = arith.mulf %add3A_224, %mul3A_232 : vector<16xf32>
      %mul3A_234 = arith.mulf %mul3A_233, %bitcast3A_230 : vector<16xf32>
      %mul3A_235 = arith.mulf %mul3A_234, %bitcast3A_230 : vector<16xf32>
      %add3A_236 = arith.constant 1.500000e+00 : f32
      %add3A_237 = vector.broadcast %add3A_236 : f32 to vector<16xf32>
      %add3A_238 = arith.addf %add3A_237, %mul3A_235 : vector<16xf32>
      %mul3A_239 = arith.mulf %bitcast3A_230, %add3A_238 : vector<16xf32>
      %mul3A_240 = arith.mulf %mul3A_233, %mul3A_239 : vector<16xf32>
      %mul3A_241 = arith.mulf %mul3A_240, %mul3A_239 : vector<16xf32>
      %add3A_242 = arith.constant 1.500000e+00 : f32
      %add3A_243 = vector.broadcast %add3A_242 : f32 to vector<16xf32>
      %add3A_244 = arith.addf %add3A_243, %mul3A_241 : vector<16xf32>
      %mul3A_245 = arith.mulf %mul3A_239, %add3A_244 : vector<16xf32>
      %mul3A_246 = arith.mulf %mul3A_233, %mul3A_245 : vector<16xf32>
      %mul3A_247 = arith.mulf %mul3A_246, %mul3A_245 : vector<16xf32>
      %add3A_248 = arith.constant 1.500000e+00 : f32
      %add3A_249 = vector.broadcast %add3A_248 : f32 to vector<16xf32>
      %add3A_250 = arith.addf %add3A_249, %mul3A_247 : vector<16xf32>
      %mul3A_251 = arith.mulf %mul3A_245, %add3A_250 : vector<16xf32>
      %mul3A_252 = arith.constant 1.562500e-02 : f32
      %mul3A_253 = vector.broadcast %mul3A_252 : f32 to vector<16xf32>
      %mul3A_254 = arith.mulf %scan3A_213#1, %mul3A_253 : vector<16xf32>
      %mul3A_255 = arith.constant 1.562500e-02 : f32
      %mul3A_256 = vector.broadcast %mul3A_255 : f32 to vector<16xf32>
      %mul3A_257 = arith.mulf %scan3A_213#9, %mul3A_256 : vector<16xf32>
      %mul3A_258 = arith.mulf %mul3A_254, %mul3A_254 : vector<16xf32>
      %sub3A_259 = arith.subf %mul3A_257, %mul3A_258 : vector<16xf32>
      %add3A_260 = arith.constant 9.99999974E-6 : f32
      %add3A_261 = vector.broadcast %add3A_260 : f32 to vector<16xf32>
      %add3A_262 = arith.addf %sub3A_259, %add3A_261 : vector<16xf32>
      %bitcast3A_263 = vector.bitcast %add3A_262 : vector<16xf32> to vector<16xi32>
      %shift_right_arithmetic3A_264 = arith.constant 1 : i32
      %shift_right_arithmetic3A_265 = vector.broadcast %shift_right_arithmetic3A_264 : i32 to vector<16xi32>
      %shift_right_arithmetic3A_266 = arith.shrsi %bitcast3A_263, %shift_right_arithmetic3A_265 : vector<16xi32>
      %sub3A_267 = arith.constant 1597463007 : i32
      %sub3A_268 = vector.broadcast %sub3A_267 : i32 to vector<16xi32>
      %sub3A_269 = arith.subi %sub3A_268, %shift_right_arithmetic3A_266 : vector<16xi32>
      %bitcast3A_270 = vector.bitcast %sub3A_269 : vector<16xi32> to vector<16xf32>
      %mul3A_271 = arith.constant -5.000000e-01 : f32
      %mul3A_272 = vector.broadcast %mul3A_271 : f32 to vector<16xf32>
      %mul3A_273 = arith.mulf %add3A_262, %mul3A_272 : vector<16xf32>
      %mul3A_274 = arith.mulf %mul3A_273, %bitcast3A_270 : vector<16xf32>
      %mul3A_275 = arith.mulf %mul3A_274, %bitcast3A_270 : vector<16xf32>
      %add3A_276 = arith.constant 1.500000e+00 : f32
      %add3A_277 = vector.broadcast %add3A_276 : f32 to vector<16xf32>
      %add3A_278 = arith.addf %add3A_277, %mul3A_275 : vector<16xf32>
      %mul3A_279 = arith.mulf %bitcast3A_270, %add3A_278 : vector<16xf32>
      %mul3A_280 = arith.mulf %mul3A_273, %mul3A_279 : vector<16xf32>
      %mul3A_281 = arith.mulf %mul3A_280, %mul3A_279 : vector<16xf32>
      %add3A_282 = arith.constant 1.500000e+00 : f32
      %add3A_283 = vector.broadcast %add3A_282 : f32 to vector<16xf32>
      %add3A_284 = arith.addf %add3A_283, %mul3A_281 : vector<16xf32>
      %mul3A_285 = arith.mulf %mul3A_279, %add3A_284 : vector<16xf32>
      %mul3A_286 = arith.mulf %mul3A_273, %mul3A_285 : vector<16xf32>
      %mul3A_287 = arith.mulf %mul3A_286, %mul3A_285 : vector<16xf32>
      %add3A_288 = arith.constant 1.500000e+00 : f32
      %add3A_289 = vector.broadcast %add3A_288 : f32 to vector<16xf32>
      %add3A_290 = arith.addf %add3A_289, %mul3A_287 : vector<16xf32>
      %mul3A_291 = arith.mulf %mul3A_285, %add3A_290 : vector<16xf32>
      %mul3A_292 = arith.constant 1.562500e-02 : f32
      %mul3A_293 = vector.broadcast %mul3A_292 : f32 to vector<16xf32>
      %mul3A_294 = arith.mulf %scan3A_213#2, %mul3A_293 : vector<16xf32>
      %mul3A_295 = arith.constant 1.562500e-02 : f32
      %mul3A_296 = vector.broadcast %mul3A_295 : f32 to vector<16xf32>
      %mul3A_297 = arith.mulf %scan3A_213#10, %mul3A_296 : vector<16xf32>
      %mul3A_298 = arith.mulf %mul3A_294, %mul3A_294 : vector<16xf32>
      %sub3A_299 = arith.subf %mul3A_297, %mul3A_298 : vector<16xf32>
      %add3A_300 = arith.constant 9.99999974E-6 : f32
      %add3A_301 = vector.broadcast %add3A_300 : f32 to vector<16xf32>
      %add3A_302 = arith.addf %sub3A_299, %add3A_301 : vector<16xf32>
      %bitcast3A_303 = vector.bitcast %add3A_302 : vector<16xf32> to vector<16xi32>
      %shift_right_arithmetic3A_304 = arith.constant 1 : i32
      %shift_right_arithmetic3A_305 = vector.broadcast %shift_right_arithmetic3A_304 : i32 to vector<16xi32>
      %shift_right_arithmetic3A_306 = arith.shrsi %bitcast3A_303, %shift_right_arithmetic3A_305 : vector<16xi32>
      %sub3A_307 = arith.constant 1597463007 : i32
      %sub3A_308 = vector.broadcast %sub3A_307 : i32 to vector<16xi32>
      %sub3A_309 = arith.subi %sub3A_308, %shift_right_arithmetic3A_306 : vector<16xi32>
      %bitcast3A_310 = vector.bitcast %sub3A_309 : vector<16xi32> to vector<16xf32>
      %mul3A_311 = arith.constant -5.000000e-01 : f32
      %mul3A_312 = vector.broadcast %mul3A_311 : f32 to vector<16xf32>
      %mul3A_313 = arith.mulf %add3A_302, %mul3A_312 : vector<16xf32>
      %mul3A_314 = arith.mulf %mul3A_313, %bitcast3A_310 : vector<16xf32>
      %mul3A_315 = arith.mulf %mul3A_314, %bitcast3A_310 : vector<16xf32>
      %add3A_316 = arith.constant 1.500000e+00 : f32
      %add3A_317 = vector.broadcast %add3A_316 : f32 to vector<16xf32>
      %add3A_318 = arith.addf %add3A_317, %mul3A_315 : vector<16xf32>
      %mul3A_319 = arith.mulf %bitcast3A_310, %add3A_318 : vector<16xf32>
      %mul3A_320 = arith.mulf %mul3A_313, %mul3A_319 : vector<16xf32>
      %mul3A_321 = arith.mulf %mul3A_320, %mul3A_319 : vector<16xf32>
      %add3A_322 = arith.constant 1.500000e+00 : f32
      %add3A_323 = vector.broadcast %add3A_322 : f32 to vector<16xf32>
      %add3A_324 = arith.addf %add3A_323, %mul3A_321 : vector<16xf32>
      %mul3A_325 = arith.mulf %mul3A_319, %add3A_324 : vector<16xf32>
      %mul3A_326 = arith.mulf %mul3A_313, %mul3A_325 : vector<16xf32>
      %mul3A_327 = arith.mulf %mul3A_326, %mul3A_325 : vector<16xf32>
      %add3A_328 = arith.constant 1.500000e+00 : f32
      %add3A_329 = vector.broadcast %add3A_328 : f32 to vector<16xf32>
      %add3A_330 = arith.addf %add3A_329, %mul3A_327 : vector<16xf32>
      %mul3A_331 = arith.mulf %mul3A_325, %add3A_330 : vector<16xf32>
      %mul3A_332 = arith.constant 1.562500e-02 : f32
      %mul3A_333 = vector.broadcast %mul3A_332 : f32 to vector<16xf32>
      %mul3A_334 = arith.mulf %scan3A_213#3, %mul3A_333 : vector<16xf32>
      %mul3A_335 = arith.constant 1.562500e-02 : f32
      %mul3A_336 = vector.broadcast %mul3A_335 : f32 to vector<16xf32>
      %mul3A_337 = arith.mulf %scan3A_213#11, %mul3A_336 : vector<16xf32>
      %mul3A_338 = arith.mulf %mul3A_334, %mul3A_334 : vector<16xf32>
      %sub3A_339 = arith.subf %mul3A_337, %mul3A_338 : vector<16xf32>
      %add3A_340 = arith.constant 9.99999974E-6 : f32
      %add3A_341 = vector.broadcast %add3A_340 : f32 to vector<16xf32>
      %add3A_342 = arith.addf %sub3A_339, %add3A_341 : vector<16xf32>
      %bitcast3A_343 = vector.bitcast %add3A_342 : vector<16xf32> to vector<16xi32>
      %shift_right_arithmetic3A_344 = arith.constant 1 : i32
      %shift_right_arithmetic3A_345 = vector.broadcast %shift_right_arithmetic3A_344 : i32 to vector<16xi32>
      %shift_right_arithmetic3A_346 = arith.shrsi %bitcast3A_343, %shift_right_arithmetic3A_345 : vector<16xi32>
      %sub3A_347 = arith.constant 1597463007 : i32
      %sub3A_348 = vector.broadcast %sub3A_347 : i32 to vector<16xi32>
      %sub3A_349 = arith.subi %sub3A_348, %shift_right_arithmetic3A_346 : vector<16xi32>
      %bitcast3A_350 = vector.bitcast %sub3A_349 : vector<16xi32> to vector<16xf32>
      %mul3A_351 = arith.constant -5.000000e-01 : f32
      %mul3A_352 = vector.broadcast %mul3A_351 : f32 to vector<16xf32>
      %mul3A_353 = arith.mulf %add3A_342, %mul3A_352 : vector<16xf32>
      %mul3A_354 = arith.mulf %mul3A_353, %bitcast3A_350 : vector<16xf32>
      %mul3A_355 = arith.mulf %mul3A_354, %bitcast3A_350 : vector<16xf32>
      %add3A_356 = arith.constant 1.500000e+00 : f32
      %add3A_357 = vector.broadcast %add3A_356 : f32 to vector<16xf32>
      %add3A_358 = arith.addf %add3A_357, %mul3A_355 : vector<16xf32>
      %mul3A_359 = arith.mulf %bitcast3A_350, %add3A_358 : vector<16xf32>
      %mul3A_360 = arith.mulf %mul3A_353, %mul3A_359 : vector<16xf32>
      %mul3A_361 = arith.mulf %mul3A_360, %mul3A_359 : vector<16xf32>
      %add3A_362 = arith.constant 1.500000e+00 : f32
      %add3A_363 = vector.broadcast %add3A_362 : f32 to vector<16xf32>
      %add3A_364 = arith.addf %add3A_363, %mul3A_361 : vector<16xf32>
      %mul3A_365 = arith.mulf %mul3A_359, %add3A_364 : vector<16xf32>
      %mul3A_366 = arith.mulf %mul3A_353, %mul3A_365 : vector<16xf32>
      %mul3A_367 = arith.mulf %mul3A_366, %mul3A_365 : vector<16xf32>
      %add3A_368 = arith.constant 1.500000e+00 : f32
      %add3A_369 = vector.broadcast %add3A_368 : f32 to vector<16xf32>
      %add3A_370 = arith.addf %add3A_369, %mul3A_367 : vector<16xf32>
      %mul3A_371 = arith.mulf %mul3A_365, %add3A_370 : vector<16xf32>
      %mul3A_372 = arith.constant 1.562500e-02 : f32
      %mul3A_373 = vector.broadcast %mul3A_372 : f32 to vector<16xf32>
      %mul3A_374 = arith.mulf %scan3A_213#4, %mul3A_373 : vector<16xf32>
      %mul3A_375 = arith.constant 1.562500e-02 : f32
      %mul3A_376 = vector.broadcast %mul3A_375 : f32 to vector<16xf32>
      %mul3A_377 = arith.mulf %scan3A_213#12, %mul3A_376 : vector<16xf32>
      %mul3A_378 = arith.mulf %mul3A_374, %mul3A_374 : vector<16xf32>
      %sub3A_379 = arith.subf %mul3A_377, %mul3A_378 : vector<16xf32>
      %add3A_380 = arith.constant 9.99999974E-6 : f32
      %add3A_381 = vector.broadcast %add3A_380 : f32 to vector<16xf32>
      %add3A_382 = arith.addf %sub3A_379, %add3A_381 : vector<16xf32>
      %bitcast3A_383 = vector.bitcast %add3A_382 : vector<16xf32> to vector<16xi32>
      %shift_right_arithmetic3A_384 = arith.constant 1 : i32
      %shift_right_arithmetic3A_385 = vector.broadcast %shift_right_arithmetic3A_384 : i32 to vector<16xi32>
      %shift_right_arithmetic3A_386 = arith.shrsi %bitcast3A_383, %shift_right_arithmetic3A_385 : vector<16xi32>
      %sub3A_387 = arith.constant 1597463007 : i32
      %sub3A_388 = vector.broadcast %sub3A_387 : i32 to vector<16xi32>
      %sub3A_389 = arith.subi %sub3A_388, %shift_right_arithmetic3A_386 : vector<16xi32>
      %bitcast3A_390 = vector.bitcast %sub3A_389 : vector<16xi32> to vector<16xf32>
      %mul3A_391 = arith.constant -5.000000e-01 : f32
      %mul3A_392 = vector.broadcast %mul3A_391 : f32 to vector<16xf32>
      %mul3A_393 = arith.mulf %add3A_382, %mul3A_392 : vector<16xf32>
      %mul3A_394 = arith.mulf %mul3A_393, %bitcast3A_390 : vector<16xf32>
      %mul3A_395 = arith.mulf %mul3A_394, %bitcast3A_390 : vector<16xf32>
      %add3A_396 = arith.constant 1.500000e+00 : f32
      %add3A_397 = vector.broadcast %add3A_396 : f32 to vector<16xf32>
      %add3A_398 = arith.addf %add3A_397, %mul3A_395 : vector<16xf32>
      %mul3A_399 = arith.mulf %bitcast3A_390, %add3A_398 : vector<16xf32>
      %mul3A_400 = arith.mulf %mul3A_393, %mul3A_399 : vector<16xf32>
      %mul3A_401 = arith.mulf %mul3A_400, %mul3A_399 : vector<16xf32>
      %add3A_402 = arith.constant 1.500000e+00 : f32
      %add3A_403 = vector.broadcast %add3A_402 : f32 to vector<16xf32>
      %add3A_404 = arith.addf %add3A_403, %mul3A_401 : vector<16xf32>
      %mul3A_405 = arith.mulf %mul3A_399, %add3A_404 : vector<16xf32>
      %mul3A_406 = arith.mulf %mul3A_393, %mul3A_405 : vector<16xf32>
      %mul3A_407 = arith.mulf %mul3A_406, %mul3A_405 : vector<16xf32>
      %add3A_408 = arith.constant 1.500000e+00 : f32
      %add3A_409 = vector.broadcast %add3A_408 : f32 to vector<16xf32>
      %add3A_410 = arith.addf %add3A_409, %mul3A_407 : vector<16xf32>
      %mul3A_411 = arith.mulf %mul3A_405, %add3A_410 : vector<16xf32>
      %mul3A_412 = arith.constant 1.562500e-02 : f32
      %mul3A_413 = vector.broadcast %mul3A_412 : f32 to vector<16xf32>
      %mul3A_414 = arith.mulf %scan3A_213#5, %mul3A_413 : vector<16xf32>
      %mul3A_415 = arith.constant 1.562500e-02 : f32
      %mul3A_416 = vector.broadcast %mul3A_415 : f32 to vector<16xf32>
      %mul3A_417 = arith.mulf %scan3A_213#13, %mul3A_416 : vector<16xf32>
      %mul3A_418 = arith.mulf %mul3A_414, %mul3A_414 : vector<16xf32>
      %sub3A_419 = arith.subf %mul3A_417, %mul3A_418 : vector<16xf32>
      %add3A_420 = arith.constant 9.99999974E-6 : f32
      %add3A_421 = vector.broadcast %add3A_420 : f32 to vector<16xf32>
      %add3A_422 = arith.addf %sub3A_419, %add3A_421 : vector<16xf32>
      %bitcast3A_423 = vector.bitcast %add3A_422 : vector<16xf32> to vector<16xi32>
      %shift_right_arithmetic3A_424 = arith.constant 1 : i32
      %shift_right_arithmetic3A_425 = vector.broadcast %shift_right_arithmetic3A_424 : i32 to vector<16xi32>
      %shift_right_arithmetic3A_426 = arith.shrsi %bitcast3A_423, %shift_right_arithmetic3A_425 : vector<16xi32>
      %sub3A_427 = arith.constant 1597463007 : i32
      %sub3A_428 = vector.broadcast %sub3A_427 : i32 to vector<16xi32>
      %sub3A_429 = arith.subi %sub3A_428, %shift_right_arithmetic3A_426 : vector<16xi32>
      %bitcast3A_430 = vector.bitcast %sub3A_429 : vector<16xi32> to vector<16xf32>
      %mul3A_431 = arith.constant -5.000000e-01 : f32
      %mul3A_432 = vector.broadcast %mul3A_431 : f32 to vector<16xf32>
      %mul3A_433 = arith.mulf %add3A_422, %mul3A_432 : vector<16xf32>
      %mul3A_434 = arith.mulf %mul3A_433, %bitcast3A_430 : vector<16xf32>
      %mul3A_435 = arith.mulf %mul3A_434, %bitcast3A_430 : vector<16xf32>
      %add3A_436 = arith.constant 1.500000e+00 : f32
      %add3A_437 = vector.broadcast %add3A_436 : f32 to vector<16xf32>
      %add3A_438 = arith.addf %add3A_437, %mul3A_435 : vector<16xf32>
      %mul3A_439 = arith.mulf %bitcast3A_430, %add3A_438 : vector<16xf32>
      %mul3A_440 = arith.mulf %mul3A_433, %mul3A_439 : vector<16xf32>
      %mul3A_441 = arith.mulf %mul3A_440, %mul3A_439 : vector<16xf32>
      %add3A_442 = arith.constant 1.500000e+00 : f32
      %add3A_443 = vector.broadcast %add3A_442 : f32 to vector<16xf32>
      %add3A_444 = arith.addf %add3A_443, %mul3A_441 : vector<16xf32>
      %mul3A_445 = arith.mulf %mul3A_439, %add3A_444 : vector<16xf32>
      %mul3A_446 = arith.mulf %mul3A_433, %mul3A_445 : vector<16xf32>
      %mul3A_447 = arith.mulf %mul3A_446, %mul3A_445 : vector<16xf32>
      %add3A_448 = arith.constant 1.500000e+00 : f32
      %add3A_449 = vector.broadcast %add3A_448 : f32 to vector<16xf32>
      %add3A_450 = arith.addf %add3A_449, %mul3A_447 : vector<16xf32>
      %mul3A_451 = arith.mulf %mul3A_445, %add3A_450 : vector<16xf32>
      %mul3A_452 = arith.constant 1.562500e-02 : f32
      %mul3A_453 = vector.broadcast %mul3A_452 : f32 to vector<16xf32>
      %mul3A_454 = arith.mulf %scan3A_213#6, %mul3A_453 : vector<16xf32>
      %mul3A_455 = arith.constant 1.562500e-02 : f32
      %mul3A_456 = vector.broadcast %mul3A_455 : f32 to vector<16xf32>
      %mul3A_457 = arith.mulf %scan3A_213#14, %mul3A_456 : vector<16xf32>
      %mul3A_458 = arith.mulf %mul3A_454, %mul3A_454 : vector<16xf32>
      %sub3A_459 = arith.subf %mul3A_457, %mul3A_458 : vector<16xf32>
      %add3A_460 = arith.constant 9.99999974E-6 : f32
      %add3A_461 = vector.broadcast %add3A_460 : f32 to vector<16xf32>
      %add3A_462 = arith.addf %sub3A_459, %add3A_461 : vector<16xf32>
      %bitcast3A_463 = vector.bitcast %add3A_462 : vector<16xf32> to vector<16xi32>
      %shift_right_arithmetic3A_464 = arith.constant 1 : i32
      %shift_right_arithmetic3A_465 = vector.broadcast %shift_right_arithmetic3A_464 : i32 to vector<16xi32>
      %shift_right_arithmetic3A_466 = arith.shrsi %bitcast3A_463, %shift_right_arithmetic3A_465 : vector<16xi32>
      %sub3A_467 = arith.constant 1597463007 : i32
      %sub3A_468 = vector.broadcast %sub3A_467 : i32 to vector<16xi32>
      %sub3A_469 = arith.subi %sub3A_468, %shift_right_arithmetic3A_466 : vector<16xi32>
      %bitcast3A_470 = vector.bitcast %sub3A_469 : vector<16xi32> to vector<16xf32>
      %mul3A_471 = arith.constant -5.000000e-01 : f32
      %mul3A_472 = vector.broadcast %mul3A_471 : f32 to vector<16xf32>
      %mul3A_473 = arith.mulf %add3A_462, %mul3A_472 : vector<16xf32>
      %mul3A_474 = arith.mulf %mul3A_473, %bitcast3A_470 : vector<16xf32>
      %mul3A_475 = arith.mulf %mul3A_474, %bitcast3A_470 : vector<16xf32>
      %add3A_476 = arith.constant 1.500000e+00 : f32
      %add3A_477 = vector.broadcast %add3A_476 : f32 to vector<16xf32>
      %add3A_478 = arith.addf %add3A_477, %mul3A_475 : vector<16xf32>
      %mul3A_479 = arith.mulf %bitcast3A_470, %add3A_478 : vector<16xf32>
      %mul3A_480 = arith.mulf %mul3A_473, %mul3A_479 : vector<16xf32>
      %mul3A_481 = arith.mulf %mul3A_480, %mul3A_479 : vector<16xf32>
      %add3A_482 = arith.constant 1.500000e+00 : f32
      %add3A_483 = vector.broadcast %add3A_482 : f32 to vector<16xf32>
      %add3A_484 = arith.addf %add3A_483, %mul3A_481 : vector<16xf32>
      %mul3A_485 = arith.mulf %mul3A_479, %add3A_484 : vector<16xf32>
      %mul3A_486 = arith.mulf %mul3A_473, %mul3A_485 : vector<16xf32>
      %mul3A_487 = arith.mulf %mul3A_486, %mul3A_485 : vector<16xf32>
      %add3A_488 = arith.constant 1.500000e+00 : f32
      %add3A_489 = vector.broadcast %add3A_488 : f32 to vector<16xf32>
      %add3A_490 = arith.addf %add3A_489, %mul3A_487 : vector<16xf32>
      %mul3A_491 = arith.mulf %mul3A_485, %add3A_490 : vector<16xf32>
      %mul3A_492 = arith.constant 1.562500e-02 : f32
      %mul3A_493 = vector.broadcast %mul3A_492 : f32 to vector<16xf32>
      %mul3A_494 = arith.mulf %scan3A_213#7, %mul3A_493 : vector<16xf32>
      %mul3A_495 = arith.constant 1.562500e-02 : f32
      %mul3A_496 = vector.broadcast %mul3A_495 : f32 to vector<16xf32>
      %mul3A_497 = arith.mulf %scan3A_213#15, %mul3A_496 : vector<16xf32>
      %mul3A_498 = arith.mulf %mul3A_494, %mul3A_494 : vector<16xf32>
      %sub3A_499 = arith.subf %mul3A_497, %mul3A_498 : vector<16xf32>
      %add3A_500 = arith.constant 9.99999974E-6 : f32
      %add3A_501 = vector.broadcast %add3A_500 : f32 to vector<16xf32>
      %add3A_502 = arith.addf %sub3A_499, %add3A_501 : vector<16xf32>
      %bitcast3A_503 = vector.bitcast %add3A_502 : vector<16xf32> to vector<16xi32>
      %shift_right_arithmetic3A_504 = arith.constant 1 : i32
      %shift_right_arithmetic3A_505 = vector.broadcast %shift_right_arithmetic3A_504 : i32 to vector<16xi32>
      %shift_right_arithmetic3A_506 = arith.shrsi %bitcast3A_503, %shift_right_arithmetic3A_505 : vector<16xi32>
      %sub3A_507 = arith.constant 1597463007 : i32
      %sub3A_508 = vector.broadcast %sub3A_507 : i32 to vector<16xi32>
      %sub3A_509 = arith.subi %sub3A_508, %shift_right_arithmetic3A_506 : vector<16xi32>
      %bitcast3A_510 = vector.bitcast %sub3A_509 : vector<16xi32> to vector<16xf32>
      %mul3A_511 = arith.constant -5.000000e-01 : f32
      %mul3A_512 = vector.broadcast %mul3A_511 : f32 to vector<16xf32>
      %mul3A_513 = arith.mulf %add3A_502, %mul3A_512 : vector<16xf32>
      %mul3A_514 = arith.mulf %mul3A_513, %bitcast3A_510 : vector<16xf32>
      %mul3A_515 = arith.mulf %mul3A_514, %bitcast3A_510 : vector<16xf32>
      %add3A_516 = arith.constant 1.500000e+00 : f32
      %add3A_517 = vector.broadcast %add3A_516 : f32 to vector<16xf32>
      %add3A_518 = arith.addf %add3A_517, %mul3A_515 : vector<16xf32>
      %mul3A_519 = arith.mulf %bitcast3A_510, %add3A_518 : vector<16xf32>
      %mul3A_520 = arith.mulf %mul3A_513, %mul3A_519 : vector<16xf32>
      %mul3A_521 = arith.mulf %mul3A_520, %mul3A_519 : vector<16xf32>
      %add3A_522 = arith.constant 1.500000e+00 : f32
      %add3A_523 = vector.broadcast %add3A_522 : f32 to vector<16xf32>
      %add3A_524 = arith.addf %add3A_523, %mul3A_521 : vector<16xf32>
      %mul3A_525 = arith.mulf %mul3A_519, %add3A_524 : vector<16xf32>
      %mul3A_526 = arith.mulf %mul3A_513, %mul3A_525 : vector<16xf32>
      %mul3A_527 = arith.mulf %mul3A_526, %mul3A_525 : vector<16xf32>
      %add3A_528 = arith.constant 1.500000e+00 : f32
      %add3A_529 = vector.broadcast %add3A_528 : f32 to vector<16xf32>
      %add3A_530 = arith.addf %add3A_529, %mul3A_527 : vector<16xf32>
      %mul3A_531 = arith.mulf %mul3A_525, %add3A_530 : vector<16xf32>
      %scan3A_532 = arith.constant 0 : i32
      %scan3A_533 = arith.constant 0 : i32
      %scan3A_534 = arith.constant 16 : i32
      %scan3A_535 = arith.addi %scan3A_533, %scan3A_534 : i32
      %scan3A_536 = arith.constant 1 : i32
      scf.for %scan3A_954 = %scan3A_533 to %scan3A_535 step %scan3A_536  : i32 {
        %mul3A_955 = arith.constant 4 : i32
        %mul3A_956 = arith.muli %scan3A_954, %mul3A_955 : i32
        %add3A_957 = arith.constant 0 : i32
        %add3A_958 = arith.addi %mul3A_956, %add3A_957 : i32
        %add3A_959 = vector.broadcast %add3A_958 : i32 to vector<16xi32>
        %add3A_960 = arith.addi %iota3A, %add3A_959 : vector<16xi32>
        %and3A = arith.constant 63 : i32
        %and3A_961 = vector.broadcast %and3A : i32 to vector<16xi32>
        %and3A_962 = arith.andi %add3A_960, %and3A_961 : vector<16xi32>
        %gather3A = tpu.vector_load_idx %arg12[%broadcast_in_dim3A_4, %and3A_962] : memref<2x64xf32, #tpu.memory_space<vmem>>[vector<16xi32>, vector<16xi32>], vector<16xf32>,
        %gather3A_963 = tpu.vector_load_idx %arg12[%broadcast_in_dim3A_6, %and3A_962] : memref<2x64xf32, #tpu.memory_space<vmem>>[vector<16xi32>, vector<16xi32>], vector<16xf32>,
        %gather3A_964 = tpu.vector_load_idx %arg8[%add3A_9, %and3A_962] : memref<128x64xf32, #tpu.memory_space<vmem>>[vector<16xi32>, vector<16xi32>], vector<16xf32>,
        %sub3A_965 = arith.subf %gather3A_964, %mul3A_217 : vector<16xf32>
        %mul3A_966 = arith.mulf %sub3A_965, %mul3A_251 : vector<16xf32>
        %add3A_967 = arith.addi %mul3A_36, %and3A_962 : vector<16xi32>
        %mul3A_968 = arith.mulf %mul3A_966, %gather3A : vector<16xf32>
        %add3A_969 = arith.addf %mul3A_968, %gather3A_963 : vector<16xf32>
        tpu.vector_store_idx %arg10[%add3A_967], %add3A_969 : memref<8192xf32, #tpu.memory_space<vmem>>[vector<16xi32>], vector<16xf32>,
        %gather3A_970 = tpu.vector_load_idx %arg8[%add3A_12, %and3A_962] : memref<128x64xf32, #tpu.memory_space<vmem>>[vector<16xi32>, vector<16xi32>], vector<16xf32>,
        %sub3A_971 = arith.subf %gather3A_970, %mul3A_254 : vector<16xf32>
        %mul3A_972 = arith.mulf %sub3A_971, %mul3A_291 : vector<16xf32>
        %add3A_973 = arith.addi %mul3A_42, %and3A_962 : vector<16xi32>
        %mul3A_974 = arith.mulf %mul3A_972, %gather3A : vector<16xf32>
        %add3A_975 = arith.addf %mul3A_974, %gather3A_963 : vector<16xf32>
        tpu.vector_store_idx %arg10[%add3A_973], %add3A_975 : memref<8192xf32, #tpu.memory_space<vmem>>[vector<16xi32>], vector<16xf32>,
        %gather3A_976 = tpu.vector_load_idx %arg8[%add3A_15, %and3A_962] : memref<128x64xf32, #tpu.memory_space<vmem>>[vector<16xi32>, vector<16xi32>], vector<16xf32>,
        %sub3A_977 = arith.subf %gather3A_976, %mul3A_294 : vector<16xf32>
        %mul3A_978 = arith.mulf %sub3A_977, %mul3A_331 : vector<16xf32>
        %add3A_979 = arith.addi %mul3A_48, %and3A_962 : vector<16xi32>
        %mul3A_980 = arith.mulf %mul3A_978, %gather3A : vector<16xf32>
        %add3A_981 = arith.addf %mul3A_980, %gather3A_963 : vector<16xf32>
        tpu.vector_store_idx %arg10[%add3A_979], %add3A_981 : memref<8192xf32, #tpu.memory_space<vmem>>[vector<16xi32>], vector<16xf32>,
        %gather3A_982 = tpu.vector_load_idx %arg8[%add3A_18, %and3A_962] : memref<128x64xf32, #tpu.memory_space<vmem>>[vector<16xi32>, vector<16xi32>], vector<16xf32>,
        %sub3A_983 = arith.subf %gather3A_982, %mul3A_334 : vector<16xf32>
        %mul3A_984 = arith.mulf %sub3A_983, %mul3A_371 : vector<16xf32>
        %add3A_985 = arith.addi %mul3A_54, %and3A_962 : vector<16xi32>
        %mul3A_986 = arith.mulf %mul3A_984, %gather3A : vector<16xf32>
        %add3A_987 = arith.addf %mul3A_986, %gather3A_963 : vector<16xf32>
        tpu.vector_store_idx %arg10[%add3A_985], %add3A_987 : memref<8192xf32, #tpu.memory_space<vmem>>[vector<16xi32>], vector<16xf32>,
        %gather3A_988 = tpu.vector_load_idx %arg8[%add3A_21, %and3A_962] : memref<128x64xf32, #tpu.memory_space<vmem>>[vector<16xi32>, vector<16xi32>], vector<16xf32>,
        %sub3A_989 = arith.subf %gather3A_988, %mul3A_374 : vector<16xf32>
        %mul3A_990 = arith.mulf %sub3A_989, %mul3A_411 : vector<16xf32>
        %add3A_991 = arith.addi %mul3A_60, %and3A_962 : vector<16xi32>
        %mul3A_992 = arith.mulf %mul3A_990, %gather3A : vector<16xf32>
        %add3A_993 = arith.addf %mul3A_992, %gather3A_963 : vector<16xf32>
        tpu.vector_store_idx %arg10[%add3A_991], %add3A_993 : memref<8192xf32, #tpu.memory_space<vmem>>[vector<16xi32>], vector<16xf32>,
        %gather3A_994 = tpu.vector_load_idx %arg8[%add3A_24, %and3A_962] : memref<128x64xf32, #tpu.memory_space<vmem>>[vector<16xi32>, vector<16xi32>], vector<16xf32>,
        %sub3A_995 = arith.subf %gather3A_994, %mul3A_414 : vector<16xf32>
        %mul3A_996 = arith.mulf %sub3A_995, %mul3A_451 : vector<16xf32>
        %add3A_997 = arith.addi %mul3A_66, %and3A_962 : vector<16xi32>
        %mul3A_998 = arith.mulf %mul3A_996, %gather3A : vector<16xf32>
        %add3A_999 = arith.addf %mul3A_998, %gather3A_963 : vector<16xf32>
        tpu.vector_store_idx %arg10[%add3A_997], %add3A_999 : memref<8192xf32, #tpu.memory_space<vmem>>[vector<16xi32>], vector<16xf32>,
        %gather3A_1000 = tpu.vector_load_idx %arg8[%add3A_27, %and3A_962] : memref<128x64xf32, #tpu.memory_space<vmem>>[vector<16xi32>, vector<16xi32>], vector<16xf32>,
        %sub3A_1001 = arith.subf %gather3A_1000, %mul3A_454 : vector<16xf32>
        %mul3A_1002 = arith.mulf %sub3A_1001, %mul3A_491 : vector<16xf32>
        %add3A_1003 = arith.addi %mul3A_72, %and3A_962 : vector<16xi32>
        %mul3A_1004 = arith.mulf %mul3A_1002, %gather3A : vector<16xf32>
        %add3A_1005 = arith.addf %mul3A_1004, %gather3A_963 : vector<16xf32>
        tpu.vector_store_idx %arg10[%add3A_1003], %add3A_1005 : memref<8192xf32, #tpu.memory_space<vmem>>[vector<16xi32>], vector<16xf32>,
        %gather3A_1006 = tpu.vector_load_idx %arg8[%add3A_30, %and3A_962] : memref<128x64xf32, #tpu.memory_space<vmem>>[vector<16xi32>, vector<16xi32>], vector<16xf32>,
        %sub3A_1007 = arith.subf %gather3A_1006, %mul3A_494 : vector<16xf32>
        %mul3A_1008 = arith.mulf %sub3A_1007, %mul3A_531 : vector<16xf32>
        %add3A_1009 = arith.addi %mul3A_78, %and3A_962 : vector<16xi32>
        %mul3A_1010 = arith.mulf %mul3A_1008, %gather3A : vector<16xf32>
        %add3A_1011 = arith.addf %mul3A_1010, %gather3A_963 : vector<16xf32>
        tpu.vector_store_idx %arg10[%add3A_1009], %add3A_1011 : memref<8192xf32, #tpu.memory_space<vmem>>[vector<16xi32>], vector<16xf32>,
        %mul3A_1012 = arith.constant 4 : i32
        %mul3A_1013 = arith.muli %scan3A_954, %mul3A_1012 : i32
        %add3A_1014 = arith.constant 1 : i32
        %add3A_1015 = arith.addi %mul3A_1013, %add3A_1014 : i32
        %add3A_1016 = vector.broadcast %add3A_1015 : i32 to vector<16xi32>
        %add3A_1017 = arith.addi %iota3A, %add3A_1016 : vector<16xi32>
        %and3A_1018 = arith.constant 63 : i32
        %and3A_1019 = vector.broadcast %and3A_1018 : i32 to vector<16xi32>
        %and3A_1020 = arith.andi %add3A_1017, %and3A_1019 : vector<16xi32>
        %gather3A_1021 = tpu.vector_load_idx %arg12[%broadcast_in_dim3A_4, %and3A_1020] : memref<2x64xf32, #tpu.memory_space<vmem>>[vector<16xi32>, vector<16xi32>], vector<16xf32>,
        %gather3A_1022 = tpu.vector_load_idx %arg12[%broadcast_in_dim3A_6, %and3A_1020] : memref<2x64xf32, #tpu.memory_space<vmem>>[vector<16xi32>, vector<16xi32>], vector<16xf32>,
        %gather3A_1023 = tpu.vector_load_idx %arg8[%add3A_9, %and3A_1020] : memref<128x64xf32, #tpu.memory_space<vmem>>[vector<16xi32>, vector<16xi32>], vector<16xf32>,
        %sub3A_1024 = arith.subf %gather3A_1023, %mul3A_217 : vector<16xf32>
        %mul3A_1025 = arith.mulf %sub3A_1024, %mul3A_251 : vector<16xf32>
        %add3A_1026 = arith.addi %mul3A_36, %and3A_1020 : vector<16xi32>
        %mul3A_1027 = arith.mulf %mul3A_1025, %gather3A_1021 : vector<16xf32>
        %add3A_1028 = arith.addf %mul3A_1027, %gather3A_1022 : vector<16xf32>
        tpu.vector_store_idx %arg10[%add3A_1026], %add3A_1028 : memref<8192xf32, #tpu.memory_space<vmem>>[vector<16xi32>], vector<16xf32>,
        %gather3A_1029 = tpu.vector_load_idx %arg8[%add3A_12, %and3A_1020] : memref<128x64xf32, #tpu.memory_space<vmem>>[vector<16xi32>, vector<16xi32>], vector<16xf32>,
        %sub3A_1030 = arith.subf %gather3A_1029, %mul3A_254 : vector<16xf32>
        %mul3A_1031 = arith.mulf %sub3A_1030, %mul3A_291 : vector<16xf32>
        %add3A_1032 = arith.addi %mul3A_42, %and3A_1020 : vector<16xi32>
        %mul3A_1033 = arith.mulf %mul3A_1031, %gather3A_1021 : vector<16xf32>
        %add3A_1034 = arith.addf %mul3A_1033, %gather3A_1022 : vector<16xf32>
        tpu.vector_store_idx %arg10[%add3A_1032], %add3A_1034 : memref<8192xf32, #tpu.memory_space<vmem>>[vector<16xi32>], vector<16xf32>,
        %gather3A_1035 = tpu.vector_load_idx %arg8[%add3A_15, %and3A_1020] : memref<128x64xf32, #tpu.memory_space<vmem>>[vector<16xi32>, vector<16xi32>], vector<16xf32>,
        %sub3A_1036 = arith.subf %gather3A_1035, %mul3A_294 : vector<16xf32>
        %mul3A_1037 = arith.mulf %sub3A_1036, %mul3A_331 : vector<16xf32>
        %add3A_1038 = arith.addi %mul3A_48, %and3A_1020 : vector<16xi32>
        %mul3A_1039 = arith.mulf %mul3A_1037, %gather3A_1021 : vector<16xf32>
        %add3A_1040 = arith.addf %mul3A_1039, %gather3A_1022 : vector<16xf32>
        tpu.vector_store_idx %arg10[%add3A_1038], %add3A_1040 : memref<8192xf32, #tpu.memory_space<vmem>>[vector<16xi32>], vector<16xf32>,
        %gather3A_1041 = tpu.vector_load_idx %arg8[%add3A_18, %and3A_1020] : memref<128x64xf32, #tpu.memory_space<vmem>>[vector<16xi32>, vector<16xi32>], vector<16xf32>,
        %sub3A_1042 = arith.subf %gather3A_1041, %mul3A_334 : vector<16xf32>
        %mul3A_1043 = arith.mulf %sub3A_1042, %mul3A_371 : vector<16xf32>
        %add3A_1044 = arith.addi %mul3A_54, %and3A_1020 : vector<16xi32>
        %mul3A_1045 = arith.mulf %mul3A_1043, %gather3A_1021 : vector<16xf32>
        %add3A_1046 = arith.addf %mul3A_1045, %gather3A_1022 : vector<16xf32>
        tpu.vector_store_idx %arg10[%add3A_1044], %add3A_1046 : memref<8192xf32, #tpu.memory_space<vmem>>[vector<16xi32>], vector<16xf32>,
        %gather3A_1047 = tpu.vector_load_idx %arg8[%add3A_21, %and3A_1020] : memref<128x64xf32, #tpu.memory_space<vmem>>[vector<16xi32>, vector<16xi32>], vector<16xf32>,
        %sub3A_1048 = arith.subf %gather3A_1047, %mul3A_374 : vector<16xf32>
        %mul3A_1049 = arith.mulf %sub3A_1048, %mul3A_411 : vector<16xf32>
        %add3A_1050 = arith.addi %mul3A_60, %and3A_1020 : vector<16xi32>
        %mul3A_1051 = arith.mulf %mul3A_1049, %gather3A_1021 : vector<16xf32>
        %add3A_1052 = arith.addf %mul3A_1051, %gather3A_1022 : vector<16xf32>
        tpu.vector_store_idx %arg10[%add3A_1050], %add3A_1052 : memref<8192xf32, #tpu.memory_space<vmem>>[vector<16xi32>], vector<16xf32>,
        %gather3A_1053 = tpu.vector_load_idx %arg8[%add3A_24, %and3A_1020] : memref<128x64xf32, #tpu.memory_space<vmem>>[vector<16xi32>, vector<16xi32>], vector<16xf32>,
        %sub3A_1054 = arith.subf %gather3A_1053, %mul3A_414 : vector<16xf32>
        %mul3A_1055 = arith.mulf %sub3A_1054, %mul3A_451 : vector<16xf32>
        %add3A_1056 = arith.addi %mul3A_66, %and3A_1020 : vector<16xi32>
        %mul3A_1057 = arith.mulf %mul3A_1055, %gather3A_1021 : vector<16xf32>
        %add3A_1058 = arith.addf %mul3A_1057, %gather3A_1022 : vector<16xf32>
        tpu.vector_store_idx %arg10[%add3A_1056], %add3A_1058 : memref<8192xf32, #tpu.memory_space<vmem>>[vector<16xi32>], vector<16xf32>,
        %gather3A_1059 = tpu.vector_load_idx %arg8[%add3A_27, %and3A_1020] : memref<128x64xf32, #tpu.memory_space<vmem>>[vector<16xi32>, vector<16xi32>], vector<16xf32>,
        %sub3A_1060 = arith.subf %gather3A_1059, %mul3A_454 : vector<16xf32>
        %mul3A_1061 = arith.mulf %sub3A_1060, %mul3A_491 : vector<16xf32>
        %add3A_1062 = arith.addi %mul3A_72, %and3A_1020 : vector<16xi32>
        %mul3A_1063 = arith.mulf %mul3A_1061, %gather3A_1021 : vector<16xf32>
        %add3A_1064 = arith.addf %mul3A_1063, %gather3A_1022 : vector<16xf32>
        tpu.vector_store_idx %arg10[%add3A_1062], %add3A_1064 : memref<8192xf32, #tpu.memory_space<vmem>>[vector<16xi32>], vector<16xf32>,
        %gather3A_1065 = tpu.vector_load_idx %arg8[%add3A_30, %and3A_1020] : memref<128x64xf32, #tpu.memory_space<vmem>>[vector<16xi32>, vector<16xi32>], vector<16xf32>,
        %sub3A_1066 = arith.subf %gather3A_1065, %mul3A_494 : vector<16xf32>
        %mul3A_1067 = arith.mulf %sub3A_1066, %mul3A_531 : vector<16xf32>
        %add3A_1068 = arith.addi %mul3A_78, %and3A_1020 : vector<16xi32>
        %mul3A_1069 = arith.mulf %mul3A_1067, %gather3A_1021 : vector<16xf32>
        %add3A_1070 = arith.addf %mul3A_1069, %gather3A_1022 : vector<16xf32>
        tpu.vector_store_idx %arg10[%add3A_1068], %add3A_1070 : memref<8192xf32, #tpu.memory_space<vmem>>[vector<16xi32>], vector<16xf32>,
        %mul3A_1071 = arith.constant 4 : i32
        %mul3A_1072 = arith.muli %scan3A_954, %mul3A_1071 : i32
        %add3A_1073 = arith.constant 2 : i32
        %add3A_1074 = arith.addi %mul3A_1072, %add3A_1073 : i32
        %add3A_1075 = vector.broadcast %add3A_1074 : i32 to vector<16xi32>
        %add3A_1076 = arith.addi %iota3A, %add3A_1075 : vector<16xi32>
        %and3A_1077 = arith.constant 63 : i32
        %and3A_1078 = vector.broadcast %and3A_1077 : i32 to vector<16xi32>
        %and3A_1079 = arith.andi %add3A_1076, %and3A_1078 : vector<16xi32>
        %gather3A_1080 = tpu.vector_load_idx %arg12[%broadcast_in_dim3A_4, %and3A_1079] : memref<2x64xf32, #tpu.memory_space<vmem>>[vector<16xi32>, vector<16xi32>], vector<16xf32>,
        %gather3A_1081 = tpu.vector_load_idx %arg12[%broadcast_in_dim3A_6, %and3A_1079] : memref<2x64xf32, #tpu.memory_space<vmem>>[vector<16xi32>, vector<16xi32>], vector<16xf32>,
        %gather3A_1082 = tpu.vector_load_idx %arg8[%add3A_9, %and3A_1079] : memref<128x64xf32, #tpu.memory_space<vmem>>[vector<16xi32>, vector<16xi32>], vector<16xf32>,
        %sub3A_1083 = arith.subf %gather3A_1082, %mul3A_217 : vector<16xf32>
        %mul3A_1084 = arith.mulf %sub3A_1083, %mul3A_251 : vector<16xf32>
        %add3A_1085 = arith.addi %mul3A_36, %and3A_1079 : vector<16xi32>
        %mul3A_1086 = arith.mulf %mul3A_1084, %gather3A_1080 : vector<16xf32>
        %add3A_1087 = arith.addf %mul3A_1086, %gather3A_1081 : vector<16xf32>
        tpu.vector_store_idx %arg10[%add3A_1085], %add3A_1087 : memref<8192xf32, #tpu.memory_space<vmem>>[vector<16xi32>], vector<16xf32>,
        %gather3A_1088 = tpu.vector_load_idx %arg8[%add3A_12, %and3A_1079] : memref<128x64xf32, #tpu.memory_space<vmem>>[vector<16xi32>, vector<16xi32>], vector<16xf32>,
        %sub3A_1089 = arith.subf %gather3A_1088, %mul3A_254 : vector<16xf32>
        %mul3A_1090 = arith.mulf %sub3A_1089, %mul3A_291 : vector<16xf32>
        %add3A_1091 = arith.addi %mul3A_42, %and3A_1079 : vector<16xi32>
        %mul3A_1092 = arith.mulf %mul3A_1090, %gather3A_1080 : vector<16xf32>
        %add3A_1093 = arith.addf %mul3A_1092, %gather3A_1081 : vector<16xf32>
        tpu.vector_store_idx %arg10[%add3A_1091], %add3A_1093 : memref<8192xf32, #tpu.memory_space<vmem>>[vector<16xi32>], vector<16xf32>,
        %gather3A_1094 = tpu.vector_load_idx %arg8[%add3A_15, %and3A_1079] : memref<128x64xf32, #tpu.memory_space<vmem>>[vector<16xi32>, vector<16xi32>], vector<16xf32>,
        %sub3A_1095 = arith.subf %gather3A_1094, %mul3A_294 : vector<16xf32>
        %mul3A_1096 = arith.mulf %sub3A_1095, %mul3A_331 : vector<16xf32>
        %add3A_1097 = arith.addi %mul3A_48, %and3A_1079 : vector<16xi32>
        %mul3A_1098 = arith.mulf %mul3A_1096, %gather3A_1080 : vector<16xf32>
        %add3A_1099 = arith.addf %mul3A_1098, %gather3A_1081 : vector<16xf32>
        tpu.vector_store_idx %arg10[%add3A_1097], %add3A_1099 : memref<8192xf32, #tpu.memory_space<vmem>>[vector<16xi32>], vector<16xf32>,
        %gather3A_1100 = tpu.vector_load_idx %arg8[%add3A_18, %and3A_1079] : memref<128x64xf32, #tpu.memory_space<vmem>>[vector<16xi32>, vector<16xi32>], vector<16xf32>,
        %sub3A_1101 = arith.subf %gather3A_1100, %mul3A_334 : vector<16xf32>
        %mul3A_1102 = arith.mulf %sub3A_1101, %mul3A_371 : vector<16xf32>
        %add3A_1103 = arith.addi %mul3A_54, %and3A_1079 : vector<16xi32>
        %mul3A_1104 = arith.mulf %mul3A_1102, %gather3A_1080 : vector<16xf32>
        %add3A_1105 = arith.addf %mul3A_1104, %gather3A_1081 : vector<16xf32>
        tpu.vector_store_idx %arg10[%add3A_1103], %add3A_1105 : memref<8192xf32, #tpu.memory_space<vmem>>[vector<16xi32>], vector<16xf32>,
        %gather3A_1106 = tpu.vector_load_idx %arg8[%add3A_21, %and3A_1079] : memref<128x64xf32, #tpu.memory_space<vmem>>[vector<16xi32>, vector<16xi32>], vector<16xf32>,
        %sub3A_1107 = arith.subf %gather3A_1106, %mul3A_374 : vector<16xf32>
        %mul3A_1108 = arith.mulf %sub3A_1107, %mul3A_411 : vector<16xf32>
        %add3A_1109 = arith.addi %mul3A_60, %and3A_1079 : vector<16xi32>
        %mul3A_1110 = arith.mulf %mul3A_1108, %gather3A_1080 : vector<16xf32>
        %add3A_1111 = arith.addf %mul3A_1110, %gather3A_1081 : vector<16xf32>
        tpu.vector_store_idx %arg10[%add3A_1109], %add3A_1111 : memref<8192xf32, #tpu.memory_space<vmem>>[vector<16xi32>], vector<16xf32>,
        %gather3A_1112 = tpu.vector_load_idx %arg8[%add3A_24, %and3A_1079] : memref<128x64xf32, #tpu.memory_space<vmem>>[vector<16xi32>, vector<16xi32>], vector<16xf32>,
        %sub3A_1113 = arith.subf %gather3A_1112, %mul3A_414 : vector<16xf32>
        %mul3A_1114 = arith.mulf %sub3A_1113, %mul3A_451 : vector<16xf32>
        %add3A_1115 = arith.addi %mul3A_66, %and3A_1079 : vector<16xi32>
        %mul3A_1116 = arith.mulf %mul3A_1114, %gather3A_1080 : vector<16xf32>
        %add3A_1117 = arith.addf %mul3A_1116, %gather3A_1081 : vector<16xf32>
        tpu.vector_store_idx %arg10[%add3A_1115], %add3A_1117 : memref<8192xf32, #tpu.memory_space<vmem>>[vector<16xi32>], vector<16xf32>,
        %gather3A_1118 = tpu.vector_load_idx %arg8[%add3A_27, %and3A_1079] : memref<128x64xf32, #tpu.memory_space<vmem>>[vector<16xi32>, vector<16xi32>], vector<16xf32>,
        %sub3A_1119 = arith.subf %gather3A_1118, %mul3A_454 : vector<16xf32>
        %mul3A_1120 = arith.mulf %sub3A_1119, %mul3A_491 : vector<16xf32>
        %add3A_1121 = arith.addi %mul3A_72, %and3A_1079 : vector<16xi32>
        %mul3A_1122 = arith.mulf %mul3A_1120, %gather3A_1080 : vector<16xf32>
        %add3A_1123 = arith.addf %mul3A_1122, %gather3A_1081 : vector<16xf32>
        tpu.vector_store_idx %arg10[%add3A_1121], %add3A_1123 : memref<8192xf32, #tpu.memory_space<vmem>>[vector<16xi32>], vector<16xf32>,
        %gather3A_1124 = tpu.vector_load_idx %arg8[%add3A_30, %and3A_1079] : memref<128x64xf32, #tpu.memory_space<vmem>>[vector<16xi32>, vector<16xi32>], vector<16xf32>,
        %sub3A_1125 = arith.subf %gather3A_1124, %mul3A_494 : vector<16xf32>
        %mul3A_1126 = arith.mulf %sub3A_1125, %mul3A_531 : vector<16xf32>
        %add3A_1127 = arith.addi %mul3A_78, %and3A_1079 : vector<16xi32>
        %mul3A_1128 = arith.mulf %mul3A_1126, %gather3A_1080 : vector<16xf32>
        %add3A_1129 = arith.addf %mul3A_1128, %gather3A_1081 : vector<16xf32>
        tpu.vector_store_idx %arg10[%add3A_1127], %add3A_1129 : memref<8192xf32, #tpu.memory_space<vmem>>[vector<16xi32>], vector<16xf32>,
        %mul3A_1130 = arith.constant 4 : i32
        %mul3A_1131 = arith.muli %scan3A_954, %mul3A_1130 : i32
        %add3A_1132 = arith.constant 3 : i32
        %add3A_1133 = arith.addi %mul3A_1131, %add3A_1132 : i32
        %add3A_1134 = vector.broadcast %add3A_1133 : i32 to vector<16xi32>
        %add3A_1135 = arith.addi %iota3A, %add3A_1134 : vector<16xi32>
        %and3A_1136 = arith.constant 63 : i32
        %and3A_1137 = vector.broadcast %and3A_1136 : i32 to vector<16xi32>
        %and3A_1138 = arith.andi %add3A_1135, %and3A_1137 : vector<16xi32>
        %gather3A_1139 = tpu.vector_load_idx %arg12[%broadcast_in_dim3A_4, %and3A_1138] : memref<2x64xf32, #tpu.memory_space<vmem>>[vector<16xi32>, vector<16xi32>], vector<16xf32>,
        %gather3A_1140 = tpu.vector_load_idx %arg12[%broadcast_in_dim3A_6, %and3A_1138] : memref<2x64xf32, #tpu.memory_space<vmem>>[vector<16xi32>, vector<16xi32>], vector<16xf32>,
        %gather3A_1141 = tpu.vector_load_idx %arg8[%add3A_9, %and3A_1138] : memref<128x64xf32, #tpu.memory_space<vmem>>[vector<16xi32>, vector<16xi32>], vector<16xf32>,
        %sub3A_1142 = arith.subf %gather3A_1141, %mul3A_217 : vector<16xf32>
        %mul3A_1143 = arith.mulf %sub3A_1142, %mul3A_251 : vector<16xf32>
        %add3A_1144 = arith.addi %mul3A_36, %and3A_1138 : vector<16xi32>
        %mul3A_1145 = arith.mulf %mul3A_1143, %gather3A_1139 : vector<16xf32>
        %add3A_1146 = arith.addf %mul3A_1145, %gather3A_1140 : vector<16xf32>
        tpu.vector_store_idx %arg10[%add3A_1144], %add3A_1146 : memref<8192xf32, #tpu.memory_space<vmem>>[vector<16xi32>], vector<16xf32>,
        %gather3A_1147 = tpu.vector_load_idx %arg8[%add3A_12, %and3A_1138] : memref<128x64xf32, #tpu.memory_space<vmem>>[vector<16xi32>, vector<16xi32>], vector<16xf32>,
        %sub3A_1148 = arith.subf %gather3A_1147, %mul3A_254 : vector<16xf32>
        %mul3A_1149 = arith.mulf %sub3A_1148, %mul3A_291 : vector<16xf32>
        %add3A_1150 = arith.addi %mul3A_42, %and3A_1138 : vector<16xi32>
        %mul3A_1151 = arith.mulf %mul3A_1149, %gather3A_1139 : vector<16xf32>
        %add3A_1152 = arith.addf %mul3A_1151, %gather3A_1140 : vector<16xf32>
        tpu.vector_store_idx %arg10[%add3A_1150], %add3A_1152 : memref<8192xf32, #tpu.memory_space<vmem>>[vector<16xi32>], vector<16xf32>,
        %gather3A_1153 = tpu.vector_load_idx %arg8[%add3A_15, %and3A_1138] : memref<128x64xf32, #tpu.memory_space<vmem>>[vector<16xi32>, vector<16xi32>], vector<16xf32>,
        %sub3A_1154 = arith.subf %gather3A_1153, %mul3A_294 : vector<16xf32>
        %mul3A_1155 = arith.mulf %sub3A_1154, %mul3A_331 : vector<16xf32>
        %add3A_1156 = arith.addi %mul3A_48, %and3A_1138 : vector<16xi32>
        %mul3A_1157 = arith.mulf %mul3A_1155, %gather3A_1139 : vector<16xf32>
        %add3A_1158 = arith.addf %mul3A_1157, %gather3A_1140 : vector<16xf32>
        tpu.vector_store_idx %arg10[%add3A_1156], %add3A_1158 : memref<8192xf32, #tpu.memory_space<vmem>>[vector<16xi32>], vector<16xf32>,
        %gather3A_1159 = tpu.vector_load_idx %arg8[%add3A_18, %and3A_1138] : memref<128x64xf32, #tpu.memory_space<vmem>>[vector<16xi32>, vector<16xi32>], vector<16xf32>,
        %sub3A_1160 = arith.subf %gather3A_1159, %mul3A_334 : vector<16xf32>
        %mul3A_1161 = arith.mulf %sub3A_1160, %mul3A_371 : vector<16xf32>
        %add3A_1162 = arith.addi %mul3A_54, %and3A_1138 : vector<16xi32>
        %mul3A_1163 = arith.mulf %mul3A_1161, %gather3A_1139 : vector<16xf32>
        %add3A_1164 = arith.addf %mul3A_1163, %gather3A_1140 : vector<16xf32>
        tpu.vector_store_idx %arg10[%add3A_1162], %add3A_1164 : memref<8192xf32, #tpu.memory_space<vmem>>[vector<16xi32>], vector<16xf32>,
        %gather3A_1165 = tpu.vector_load_idx %arg8[%add3A_21, %and3A_1138] : memref<128x64xf32, #tpu.memory_space<vmem>>[vector<16xi32>, vector<16xi32>], vector<16xf32>,
        %sub3A_1166 = arith.subf %gather3A_1165, %mul3A_374 : vector<16xf32>
        %mul3A_1167 = arith.mulf %sub3A_1166, %mul3A_411 : vector<16xf32>
        %add3A_1168 = arith.addi %mul3A_60, %and3A_1138 : vector<16xi32>
        %mul3A_1169 = arith.mulf %mul3A_1167, %gather3A_1139 : vector<16xf32>
        %add3A_1170 = arith.addf %mul3A_1169, %gather3A_1140 : vector<16xf32>
        tpu.vector_store_idx %arg10[%add3A_1168], %add3A_1170 : memref<8192xf32, #tpu.memory_space<vmem>>[vector<16xi32>], vector<16xf32>,
        %gather3A_1171 = tpu.vector_load_idx %arg8[%add3A_24, %and3A_1138] : memref<128x64xf32, #tpu.memory_space<vmem>>[vector<16xi32>, vector<16xi32>], vector<16xf32>,
        %sub3A_1172 = arith.subf %gather3A_1171, %mul3A_414 : vector<16xf32>
        %mul3A_1173 = arith.mulf %sub3A_1172, %mul3A_451 : vector<16xf32>
        %add3A_1174 = arith.addi %mul3A_66, %and3A_1138 : vector<16xi32>
        %mul3A_1175 = arith.mulf %mul3A_1173, %gather3A_1139 : vector<16xf32>
        %add3A_1176 = arith.addf %mul3A_1175, %gather3A_1140 : vector<16xf32>
        tpu.vector_store_idx %arg10[%add3A_1174], %add3A_1176 : memref<8192xf32, #tpu.memory_space<vmem>>[vector<16xi32>], vector<16xf32>,
        %gather3A_1177 = tpu.vector_load_idx %arg8[%add3A_27, %and3A_1138] : memref<128x64xf32, #tpu.memory_space<vmem>>[vector<16xi32>, vector<16xi32>], vector<16xf32>,
        %sub3A_1178 = arith.subf %gather3A_1177, %mul3A_454 : vector<16xf32>
        %mul3A_1179 = arith.mulf %sub3A_1178, %mul3A_491 : vector<16xf32>
        %add3A_1180 = arith.addi %mul3A_72, %and3A_1138 : vector<16xi32>
        %mul3A_1181 = arith.mulf %mul3A_1179, %gather3A_1139 : vector<16xf32>
        %add3A_1182 = arith.addf %mul3A_1181, %gather3A_1140 : vector<16xf32>
        tpu.vector_store_idx %arg10[%add3A_1180], %add3A_1182 : memref<8192xf32, #tpu.memory_space<vmem>>[vector<16xi32>], vector<16xf32>,
        %gather3A_1183 = tpu.vector_load_idx %arg8[%add3A_30, %and3A_1138] : memref<128x64xf32, #tpu.memory_space<vmem>>[vector<16xi32>, vector<16xi32>], vector<16xf32>,
        %sub3A_1184 = arith.subf %gather3A_1183, %mul3A_494 : vector<16xf32>
        %mul3A_1185 = arith.mulf %sub3A_1184, %mul3A_531 : vector<16xf32>
        %add3A_1186 = arith.addi %mul3A_78, %and3A_1138 : vector<16xi32>
        %mul3A_1187 = arith.mulf %mul3A_1185, %gather3A_1139 : vector<16xf32>
        %add3A_1188 = arith.addf %mul3A_1187, %gather3A_1140 : vector<16xf32>
        tpu.vector_store_idx %arg10[%add3A_1186], %add3A_1188 : memref<8192xf32, #tpu.memory_space<vmem>>[vector<16xi32>], vector<16xf32>,
      }
      %scan3A_537 = arith.constant 16 : i32
      %add3A_538 = arith.constant 2 : i32
      %add3A_539 = arith.addi %add3A_162, %add3A_538 : i32
      %lt3A = arith.constant 50 : i32
      %lt3A_540 = arith.cmpi slt, %add3A_539, %lt3A : i32
      %convert_element_type3A = arith.extui %lt3A_540 : i1 to i32
      %cond3A = arith.constant 0 : i32
      %cond3A_541 = arith.cmpi ne, %convert_element_type3A, %cond3A : i32
      scf.if %cond3A_541 {
        %add3A_954 = arith.constant 2 : i32
        %add3A_955 = arith.addi %add3A_162, %add3A_954 : i32
        %mul3A_956 = arith.constant 128 : i32
        %mul3A_957 = arith.muli %add3A_955, %mul3A_956 : i32
        %add3A_958 = arith.constant 0 : i32
        %add3A_959 = arith.addi %mul3A_957, %add3A_958 : i32
        %mul3A_960 = arith.constant 128 : i32
        %mul3A_961 = arith.muli %add3A_955, %mul3A_960 : i32
        %add3A_962 = arith.constant 32 : i32
        %add3A_963 = arith.addi %mul3A_961, %add3A_962 : i32
        %mul3A_964 = arith.constant 128 : i32
        %mul3A_965 = arith.muli %add3A_955, %mul3A_964 : i32
        %add3A_966 = arith.constant 64 : i32
        %add3A_967 = arith.addi %mul3A_965, %add3A_966 : i32
        %mul3A_968 = arith.constant 128 : i32
        %mul3A_969 = arith.muli %add3A_955, %mul3A_968 : i32
        %add3A_970 = arith.constant 96 : i32
        %add3A_971 = arith.addi %mul3A_969, %add3A_970 : i32
        %dma_start3A_972 = arith.constant 0 : i32
        %dma_start3A_973 = arith.constant 0 : i32
        %dma_start3A_974 = tpu.memref_slice %arg8[%dma_start3A_972, %dma_start3A_973] : memref<128x64xf32, #tpu.memory_space<vmem>> -> memref<32x64xf32, #tpu.memory_space<vmem>>
        %dma_start3A_975 = tpu.memref_slice %arg7[%add3A_959] : memref<6400xi32, #tpu.memory_space<vmem>> -> memref<32xi32, #tpu.memory_space<vmem>>
        %dma_start3A_976 = arith.constant 0 : i32
        %dma_start3A_977 = arith.constant 0 : i32
        %dma_start3A_978 = tpu.memref_slice %arg2[%dma_start3A_976, %dma_start3A_977] : memref<1000000x64xf32, #tpu.memory_space<hbm>> -> memref<1000000x64xf32, #tpu.memory_space<hbm>>
        tpu.enqueue_indirect_dma source(%dma_start3A_978 : memref<1000000x64xf32, #tpu.memory_space<hbm>>) target(%dma_start3A_974 : memref<32x64xf32, #tpu.memory_space<vmem>>) offsets(%dma_start3A_975 : memref<32xi32, #tpu.memory_space<vmem>>) semaphore(%arg13 : memref<!tpu.dma_semaphore, #tpu.memory_space<semaphore_mem>>)
        %dma_start3A_979 = arith.constant 32 : i32
        %dma_start3A_980 = arith.constant 0 : i32
        %dma_start3A_981 = tpu.memref_slice %arg8[%dma_start3A_979, %dma_start3A_980] : memref<128x64xf32, #tpu.memory_space<vmem>> -> memref<32x64xf32, #tpu.memory_space<vmem>>
        %dma_start3A_982 = tpu.memref_slice %arg7[%add3A_963] : memref<6400xi32, #tpu.memory_space<vmem>> -> memref<32xi32, #tpu.memory_space<vmem>>
        %dma_start3A_983 = arith.constant 0 : i32
        %dma_start3A_984 = arith.constant 0 : i32
        %dma_start3A_985 = tpu.memref_slice %arg2[%dma_start3A_983, %dma_start3A_984] : memref<1000000x64xf32, #tpu.memory_space<hbm>> -> memref<1000000x64xf32, #tpu.memory_space<hbm>>
        tpu.enqueue_indirect_dma source(%dma_start3A_985 : memref<1000000x64xf32, #tpu.memory_space<hbm>>) target(%dma_start3A_981 : memref<32x64xf32, #tpu.memory_space<vmem>>) offsets(%dma_start3A_982 : memref<32xi32, #tpu.memory_space<vmem>>) semaphore(%arg13 : memref<!tpu.dma_semaphore, #tpu.memory_space<semaphore_mem>>)
        %dma_start3A_986 = arith.constant 64 : i32
        %dma_start3A_987 = arith.constant 0 : i32
        %dma_start3A_988 = tpu.memref_slice %arg8[%dma_start3A_986, %dma_start3A_987] : memref<128x64xf32, #tpu.memory_space<vmem>> -> memref<32x64xf32, #tpu.memory_space<vmem>>
        %dma_start3A_989 = tpu.memref_slice %arg7[%add3A_967] : memref<6400xi32, #tpu.memory_space<vmem>> -> memref<32xi32, #tpu.memory_space<vmem>>
        %dma_start3A_990 = arith.constant 0 : i32
        %dma_start3A_991 = arith.constant 0 : i32
        %dma_start3A_992 = tpu.memref_slice %arg2[%dma_start3A_990, %dma_start3A_991] : memref<1000000x64xf32, #tpu.memory_space<hbm>> -> memref<1000000x64xf32, #tpu.memory_space<hbm>>
        tpu.enqueue_indirect_dma source(%dma_start3A_992 : memref<1000000x64xf32, #tpu.memory_space<hbm>>) target(%dma_start3A_988 : memref<32x64xf32, #tpu.memory_space<vmem>>) offsets(%dma_start3A_989 : memref<32xi32, #tpu.memory_space<vmem>>) semaphore(%arg13 : memref<!tpu.dma_semaphore, #tpu.memory_space<semaphore_mem>>)
        %dma_start3A_993 = arith.constant 96 : i32
        %dma_start3A_994 = arith.constant 0 : i32
        %dma_start3A_995 = tpu.memref_slice %arg8[%dma_start3A_993, %dma_start3A_994] : memref<128x64xf32, #tpu.memory_space<vmem>> -> memref<32x64xf32, #tpu.memory_space<vmem>>
        %dma_start3A_996 = tpu.memref_slice %arg7[%add3A_971] : memref<6400xi32, #tpu.memory_space<vmem>> -> memref<32xi32, #tpu.memory_space<vmem>>
        %dma_start3A_997 = arith.constant 0 : i32
        %dma_start3A_998 = arith.constant 0 : i32
        %dma_start3A_999 = tpu.memref_slice %arg2[%dma_start3A_997, %dma_start3A_998] : memref<1000000x64xf32, #tpu.memory_space<hbm>> -> memref<1000000x64xf32, #tpu.memory_space<hbm>>
        tpu.enqueue_indirect_dma source(%dma_start3A_999 : memref<1000000x64xf32, #tpu.memory_space<hbm>>) target(%dma_start3A_995 : memref<32x64xf32, #tpu.memory_space<vmem>>) offsets(%dma_start3A_996 : memref<32xi32, #tpu.memory_space<vmem>>) semaphore(%arg13 : memref<!tpu.dma_semaphore, #tpu.memory_space<semaphore_mem>>)
      } else {
      }
      %ge3A = arith.constant 2 : i32
      %ge3A_542 = arith.cmpi sge, %add3A_162, %ge3A : i32
      %convert_element_type3A_543 = arith.extui %ge3A_542 : i1 to i32
      %cond3A_544 = arith.constant 0 : i32
      %cond3A_545 = arith.cmpi ne, %convert_element_type3A_543, %cond3A_544 : i32
      scf.if %cond3A_545 {
        %sub3A_954 = arith.constant 2 : i32
        %sub3A_955 = arith.subi %add3A_162, %sub3A_954 : i32
        %mul3A_956 = arith.constant 128 : i32
        %mul3A_957 = arith.muli %sub3A_955, %mul3A_956 : i32
        %add3A_958 = arith.addi %mul3A_2, %mul3A_957 : i32
        %mul3A_959 = arith.constant 64 : i32
        %mul3A_960 = arith.muli %add3A_958, %mul3A_959 : i32
        %dma_wait3A_961 = tpu.memref_slice %arg6[%mul3A_960] : memref<13107200xf32, #tpu.memory_space<hbm>> -> memref<8192xf32, #tpu.memory_space<hbm>>
        %dma_wait3A_962 = tpu.memref_slice %arg6[%mul3A_960] : memref<13107200xf32, #tpu.memory_space<hbm>> -> memref<8192xf32, #tpu.memory_space<hbm>>
        tpu.wait_dma2 semaphore(%arg15 : memref<!tpu.dma_semaphore, #tpu.memory_space<semaphore_mem>>) src(%arg10 : memref<8192xf32, #tpu.memory_space<vmem>>) dst(%dma_wait3A_962 : memref<8192xf32, #tpu.memory_space<hbm>>)
      } else {
      }
      %mul3A_546 = arith.constant 128 : i32
      %mul3A_547 = arith.muli %add3A_162, %mul3A_546 : i32
      %add3A_548 = arith.addi %mul3A_2, %mul3A_547 : i32
      %mul3A_549 = arith.constant 64 : i32
      %mul3A_550 = arith.muli %add3A_548, %mul3A_549 : i32
      %dma_start3A_551 = tpu.memref_slice %arg6[%mul3A_550] : memref<13107200xf32, #tpu.memory_space<hbm>> -> memref<8192xf32, #tpu.memory_space<hbm>>
      %dma_start3A_552 = tpu.memref_slice %arg6[%mul3A_550] : memref<13107200xf32, #tpu.memory_space<hbm>> -> memref<8192xf32, #tpu.memory_space<hbm>>
      tpu.enqueue_dma source(%arg10 : memref<8192xf32, #tpu.memory_space<vmem>>) target(%dma_start3A_552 : memref<8192xf32, #tpu.memory_space<hbm>>) target_semaphore(%arg15 : memref<!tpu.dma_semaphore, #tpu.memory_space<semaphore_mem>>)
      %mul3A_553 = arith.constant 2 : i32
      %mul3A_554 = arith.muli %scan3A_158, %mul3A_553 : i32
      %add3A_555 = arith.constant 1 : i32
      %add3A_556 = arith.addi %mul3A_554, %add3A_555 : i32
      %mul3A_557 = arith.constant 128 : i32
      %mul3A_558 = arith.muli %add3A_556, %mul3A_557 : i32
      %add3A_559 = arith.constant 0 : i32
      %add3A_560 = arith.addi %mul3A_558, %add3A_559 : i32
      %mul3A_561 = arith.constant 128 : i32
      %mul3A_562 = arith.muli %add3A_556, %mul3A_561 : i32
      %add3A_563 = arith.constant 32 : i32
      %add3A_564 = arith.addi %mul3A_562, %add3A_563 : i32
      %mul3A_565 = arith.constant 128 : i32
      %mul3A_566 = arith.muli %add3A_556, %mul3A_565 : i32
      %add3A_567 = arith.constant 64 : i32
      %add3A_568 = arith.addi %mul3A_566, %add3A_567 : i32
      %mul3A_569 = arith.constant 128 : i32
      %mul3A_570 = arith.muli %add3A_556, %mul3A_569 : i32
      %add3A_571 = arith.constant 96 : i32
      %add3A_572 = arith.addi %mul3A_570, %add3A_571 : i32
      %dma_wait3A_573 = arith.constant 0 : i32
      %dma_wait3A_574 = arith.constant 0 : i32
      %dma_wait3A_575 = tpu.memref_slice %arg9[%dma_wait3A_573, %dma_wait3A_574] : memref<128x64xf32, #tpu.memory_space<vmem>> -> memref<32x64xf32, #tpu.memory_space<vmem>>
      %dma_wait3A_576 = tpu.memref_slice %arg7[%add3A_560] : memref<6400xi32, #tpu.memory_space<vmem>> -> memref<32xi32, #tpu.memory_space<vmem>>
      %dma_wait3A_577 = arith.constant 0 : i32
      %dma_wait3A_578 = arith.constant 0 : i32
      %dma_wait3A_579 = tpu.memref_slice %arg2[%dma_wait3A_577, %dma_wait3A_578] : memref<1000000x64xf32, #tpu.memory_space<hbm>> -> memref<1000000x64xf32, #tpu.memory_space<hbm>>
      tpu.wait_indirect_dma semaphore(%arg14 : memref<!tpu.dma_semaphore, #tpu.memory_space<semaphore_mem>>) src(%dma_wait3A_579 : memref<1000000x64xf32, #tpu.memory_space<hbm>>) dst(%dma_wait3A_575 : memref<32x64xf32, #tpu.memory_space<vmem>>)
      %dma_wait3A_580 = arith.constant 32 : i32
      %dma_wait3A_581 = arith.constant 0 : i32
      %dma_wait3A_582 = tpu.memref_slice %arg9[%dma_wait3A_580, %dma_wait3A_581] : memref<128x64xf32, #tpu.memory_space<vmem>> -> memref<32x64xf32, #tpu.memory_space<vmem>>
      %dma_wait3A_583 = tpu.memref_slice %arg7[%add3A_564] : memref<6400xi32, #tpu.memory_space<vmem>> -> memref<32xi32, #tpu.memory_space<vmem>>
      %dma_wait3A_584 = arith.constant 0 : i32
      %dma_wait3A_585 = arith.constant 0 : i32
      %dma_wait3A_586 = tpu.memref_slice %arg2[%dma_wait3A_584, %dma_wait3A_585] : memref<1000000x64xf32, #tpu.memory_space<hbm>> -> memref<1000000x64xf32, #tpu.memory_space<hbm>>
      tpu.wait_indirect_dma semaphore(%arg14 : memref<!tpu.dma_semaphore, #tpu.memory_space<semaphore_mem>>) src(%dma_wait3A_586 : memref<1000000x64xf32, #tpu.memory_space<hbm>>) dst(%dma_wait3A_582 : memref<32x64xf32, #tpu.memory_space<vmem>>)
      %dma_wait3A_587 = arith.constant 64 : i32
      %dma_wait3A_588 = arith.constant 0 : i32
      %dma_wait3A_589 = tpu.memref_slice %arg9[%dma_wait3A_587, %dma_wait3A_588] : memref<128x64xf32, #tpu.memory_space<vmem>> -> memref<32x64xf32, #tpu.memory_space<vmem>>
      %dma_wait3A_590 = tpu.memref_slice %arg7[%add3A_568] : memref<6400xi32, #tpu.memory_space<vmem>> -> memref<32xi32, #tpu.memory_space<vmem>>
      %dma_wait3A_591 = arith.constant 0 : i32
      %dma_wait3A_592 = arith.constant 0 : i32
      %dma_wait3A_593 = tpu.memref_slice %arg2[%dma_wait3A_591, %dma_wait3A_592] : memref<1000000x64xf32, #tpu.memory_space<hbm>> -> memref<1000000x64xf32, #tpu.memory_space<hbm>>
      tpu.wait_indirect_dma semaphore(%arg14 : memref<!tpu.dma_semaphore, #tpu.memory_space<semaphore_mem>>) src(%dma_wait3A_593 : memref<1000000x64xf32, #tpu.memory_space<hbm>>) dst(%dma_wait3A_589 : memref<32x64xf32, #tpu.memory_space<vmem>>)
      %dma_wait3A_594 = arith.constant 96 : i32
      %dma_wait3A_595 = arith.constant 0 : i32
      %dma_wait3A_596 = tpu.memref_slice %arg9[%dma_wait3A_594, %dma_wait3A_595] : memref<128x64xf32, #tpu.memory_space<vmem>> -> memref<32x64xf32, #tpu.memory_space<vmem>>
      %dma_wait3A_597 = tpu.memref_slice %arg7[%add3A_572] : memref<6400xi32, #tpu.memory_space<vmem>> -> memref<32xi32, #tpu.memory_space<vmem>>
      %dma_wait3A_598 = arith.constant 0 : i32
      %dma_wait3A_599 = arith.constant 0 : i32
      %dma_wait3A_600 = tpu.memref_slice %arg2[%dma_wait3A_598, %dma_wait3A_599] : memref<1000000x64xf32, #tpu.memory_space<hbm>> -> memref<1000000x64xf32, #tpu.memory_space<hbm>>
      tpu.wait_indirect_dma semaphore(%arg14 : memref<!tpu.dma_semaphore, #tpu.memory_space<semaphore_mem>>) src(%dma_wait3A_600 : memref<1000000x64xf32, #tpu.memory_space<hbm>>) dst(%dma_wait3A_596 : memref<32x64xf32, #tpu.memory_space<vmem>>)
      %broadcast_in_dim3A_601 = arith.constant 0.000000e+00 : f32
      %broadcast_in_dim3A_602 = vector.broadcast %broadcast_in_dim3A_601 : f32 to vector<16xf32>
      %scan3A_603 = arith.constant 0 : i32
      %scan3A_604 = arith.constant 16 : i32
      %scan3A_605 = arith.addi %scan3A_603, %scan3A_604 : i32
      %scan3A_606 = arith.constant 1 : i32
      %scan3A_607:16 = scf.for %scan3A_954 = %scan3A_603 to %scan3A_605 step %scan3A_606 iter_args(%scan3A_955 = %broadcast_in_dim3A_602, %scan3A_956 = %broadcast_in_dim3A_602, %scan3A_957 = %broadcast_in_dim3A_602, %scan3A_958 = %broadcast_in_dim3A_602, %scan3A_959 = %broadcast_in_dim3A_602, %scan3A_960 = %broadcast_in_dim3A_602, %scan3A_961 = %broadcast_in_dim3A_602, %scan3A_962 = %broadcast_in_dim3A_602, %scan3A_963 = %broadcast_in_dim3A_602, %scan3A_964 = %broadcast_in_dim3A_602, %scan3A_965 = %broadcast_in_dim3A_602, %scan3A_966 = %broadcast_in_dim3A_602, %scan3A_967 = %broadcast_in_dim3A_602, %scan3A_968 = %broadcast_in_dim3A_602, %scan3A_969 = %broadcast_in_dim3A_602, %scan3A_970 = %broadcast_in_dim3A_602) -> (vector<16xf32>, vector<16xf32>, vector<16xf32>, vector<16xf32>, vector<16xf32>, vector<16xf32>, vector<16xf32>, vector<16xf32>, vector<16xf32>, vector<16xf32>, vector<16xf32>, vector<16xf32>, vector<16xf32>, vector<16xf32>, vector<16xf32>, vector<16xf32>)  : i32 {
        %mul3A_971 = arith.constant 4 : i32
        %mul3A_972 = arith.muli %scan3A_954, %mul3A_971 : i32
        %add3A_973 = arith.constant 0 : i32
        %add3A_974 = arith.addi %mul3A_972, %add3A_973 : i32
        %add3A_975 = vector.broadcast %add3A_974 : i32 to vector<16xi32>
        %add3A_976 = arith.addi %iota3A, %add3A_975 : vector<16xi32>
        %and3A = arith.constant 63 : i32
        %and3A_977 = vector.broadcast %and3A : i32 to vector<16xi32>
        %and3A_978 = arith.andi %add3A_976, %and3A_977 : vector<16xi32>
        %gather3A = tpu.vector_load_idx %arg9[%add3A_9, %and3A_978] : memref<128x64xf32, #tpu.memory_space<vmem>>[vector<16xi32>, vector<16xi32>], vector<16xf32>,
        %add3A_979 = arith.addf %scan3A_955, %gather3A : vector<16xf32>
        %mul3A_980 = arith.mulf %gather3A, %gather3A : vector<16xf32>
        %add3A_981 = arith.addf %scan3A_963, %mul3A_980 : vector<16xf32>
        %gather3A_982 = tpu.vector_load_idx %arg9[%add3A_12, %and3A_978] : memref<128x64xf32, #tpu.memory_space<vmem>>[vector<16xi32>, vector<16xi32>], vector<16xf32>,
        %add3A_983 = arith.addf %scan3A_956, %gather3A_982 : vector<16xf32>
        %mul3A_984 = arith.mulf %gather3A_982, %gather3A_982 : vector<16xf32>
        %add3A_985 = arith.addf %scan3A_964, %mul3A_984 : vector<16xf32>
        %gather3A_986 = tpu.vector_load_idx %arg9[%add3A_15, %and3A_978] : memref<128x64xf32, #tpu.memory_space<vmem>>[vector<16xi32>, vector<16xi32>], vector<16xf32>,
        %add3A_987 = arith.addf %scan3A_957, %gather3A_986 : vector<16xf32>
        %mul3A_988 = arith.mulf %gather3A_986, %gather3A_986 : vector<16xf32>
        %add3A_989 = arith.addf %scan3A_965, %mul3A_988 : vector<16xf32>
        %gather3A_990 = tpu.vector_load_idx %arg9[%add3A_18, %and3A_978] : memref<128x64xf32, #tpu.memory_space<vmem>>[vector<16xi32>, vector<16xi32>], vector<16xf32>,
        %add3A_991 = arith.addf %scan3A_958, %gather3A_990 : vector<16xf32>
        %mul3A_992 = arith.mulf %gather3A_990, %gather3A_990 : vector<16xf32>
        %add3A_993 = arith.addf %scan3A_966, %mul3A_992 : vector<16xf32>
        %gather3A_994 = tpu.vector_load_idx %arg9[%add3A_21, %and3A_978] : memref<128x64xf32, #tpu.memory_space<vmem>>[vector<16xi32>, vector<16xi32>], vector<16xf32>,
        %add3A_995 = arith.addf %scan3A_959, %gather3A_994 : vector<16xf32>
        %mul3A_996 = arith.mulf %gather3A_994, %gather3A_994 : vector<16xf32>
        %add3A_997 = arith.addf %scan3A_967, %mul3A_996 : vector<16xf32>
        %gather3A_998 = tpu.vector_load_idx %arg9[%add3A_24, %and3A_978] : memref<128x64xf32, #tpu.memory_space<vmem>>[vector<16xi32>, vector<16xi32>], vector<16xf32>,
        %add3A_999 = arith.addf %scan3A_960, %gather3A_998 : vector<16xf32>
        %mul3A_1000 = arith.mulf %gather3A_998, %gather3A_998 : vector<16xf32>
        %add3A_1001 = arith.addf %scan3A_968, %mul3A_1000 : vector<16xf32>
        %gather3A_1002 = tpu.vector_load_idx %arg9[%add3A_27, %and3A_978] : memref<128x64xf32, #tpu.memory_space<vmem>>[vector<16xi32>, vector<16xi32>], vector<16xf32>,
        %add3A_1003 = arith.addf %scan3A_961, %gather3A_1002 : vector<16xf32>
        %mul3A_1004 = arith.mulf %gather3A_1002, %gather3A_1002 : vector<16xf32>
        %add3A_1005 = arith.addf %scan3A_969, %mul3A_1004 : vector<16xf32>
        %gather3A_1006 = tpu.vector_load_idx %arg9[%add3A_30, %and3A_978] : memref<128x64xf32, #tpu.memory_space<vmem>>[vector<16xi32>, vector<16xi32>], vector<16xf32>,
        %add3A_1007 = arith.addf %scan3A_962, %gather3A_1006 : vector<16xf32>
        %mul3A_1008 = arith.mulf %gather3A_1006, %gather3A_1006 : vector<16xf32>
        %add3A_1009 = arith.addf %scan3A_970, %mul3A_1008 : vector<16xf32>
        %mul3A_1010 = arith.constant 4 : i32
        %mul3A_1011 = arith.muli %scan3A_954, %mul3A_1010 : i32
        %add3A_1012 = arith.constant 1 : i32
        %add3A_1013 = arith.addi %mul3A_1011, %add3A_1012 : i32
        %add3A_1014 = vector.broadcast %add3A_1013 : i32 to vector<16xi32>
        %add3A_1015 = arith.addi %iota3A, %add3A_1014 : vector<16xi32>
        %and3A_1016 = arith.constant 63 : i32
        %and3A_1017 = vector.broadcast %and3A_1016 : i32 to vector<16xi32>
        %and3A_1018 = arith.andi %add3A_1015, %and3A_1017 : vector<16xi32>
        %gather3A_1019 = tpu.vector_load_idx %arg9[%add3A_9, %and3A_1018] : memref<128x64xf32, #tpu.memory_space<vmem>>[vector<16xi32>, vector<16xi32>], vector<16xf32>,
        %add3A_1020 = arith.addf %add3A_979, %gather3A_1019 : vector<16xf32>
        %mul3A_1021 = arith.mulf %gather3A_1019, %gather3A_1019 : vector<16xf32>
        %add3A_1022 = arith.addf %add3A_981, %mul3A_1021 : vector<16xf32>
        %gather3A_1023 = tpu.vector_load_idx %arg9[%add3A_12, %and3A_1018] : memref<128x64xf32, #tpu.memory_space<vmem>>[vector<16xi32>, vector<16xi32>], vector<16xf32>,
        %add3A_1024 = arith.addf %add3A_983, %gather3A_1023 : vector<16xf32>
        %mul3A_1025 = arith.mulf %gather3A_1023, %gather3A_1023 : vector<16xf32>
        %add3A_1026 = arith.addf %add3A_985, %mul3A_1025 : vector<16xf32>
        %gather3A_1027 = tpu.vector_load_idx %arg9[%add3A_15, %and3A_1018] : memref<128x64xf32, #tpu.memory_space<vmem>>[vector<16xi32>, vector<16xi32>], vector<16xf32>,
        %add3A_1028 = arith.addf %add3A_987, %gather3A_1027 : vector<16xf32>
        %mul3A_1029 = arith.mulf %gather3A_1027, %gather3A_1027 : vector<16xf32>
        %add3A_1030 = arith.addf %add3A_989, %mul3A_1029 : vector<16xf32>
        %gather3A_1031 = tpu.vector_load_idx %arg9[%add3A_18, %and3A_1018] : memref<128x64xf32, #tpu.memory_space<vmem>>[vector<16xi32>, vector<16xi32>], vector<16xf32>,
        %add3A_1032 = arith.addf %add3A_991, %gather3A_1031 : vector<16xf32>
        %mul3A_1033 = arith.mulf %gather3A_1031, %gather3A_1031 : vector<16xf32>
        %add3A_1034 = arith.addf %add3A_993, %mul3A_1033 : vector<16xf32>
        %gather3A_1035 = tpu.vector_load_idx %arg9[%add3A_21, %and3A_1018] : memref<128x64xf32, #tpu.memory_space<vmem>>[vector<16xi32>, vector<16xi32>], vector<16xf32>,
        %add3A_1036 = arith.addf %add3A_995, %gather3A_1035 : vector<16xf32>
        %mul3A_1037 = arith.mulf %gather3A_1035, %gather3A_1035 : vector<16xf32>
        %add3A_1038 = arith.addf %add3A_997, %mul3A_1037 : vector<16xf32>
        %gather3A_1039 = tpu.vector_load_idx %arg9[%add3A_24, %and3A_1018] : memref<128x64xf32, #tpu.memory_space<vmem>>[vector<16xi32>, vector<16xi32>], vector<16xf32>,
        %add3A_1040 = arith.addf %add3A_999, %gather3A_1039 : vector<16xf32>
        %mul3A_1041 = arith.mulf %gather3A_1039, %gather3A_1039 : vector<16xf32>
        %add3A_1042 = arith.addf %add3A_1001, %mul3A_1041 : vector<16xf32>
        %gather3A_1043 = tpu.vector_load_idx %arg9[%add3A_27, %and3A_1018] : memref<128x64xf32, #tpu.memory_space<vmem>>[vector<16xi32>, vector<16xi32>], vector<16xf32>,
        %add3A_1044 = arith.addf %add3A_1003, %gather3A_1043 : vector<16xf32>
        %mul3A_1045 = arith.mulf %gather3A_1043, %gather3A_1043 : vector<16xf32>
        %add3A_1046 = arith.addf %add3A_1005, %mul3A_1045 : vector<16xf32>
        %gather3A_1047 = tpu.vector_load_idx %arg9[%add3A_30, %and3A_1018] : memref<128x64xf32, #tpu.memory_space<vmem>>[vector<16xi32>, vector<16xi32>], vector<16xf32>,
        %add3A_1048 = arith.addf %add3A_1007, %gather3A_1047 : vector<16xf32>
        %mul3A_1049 = arith.mulf %gather3A_1047, %gather3A_1047 : vector<16xf32>
        %add3A_1050 = arith.addf %add3A_1009, %mul3A_1049 : vector<16xf32>
        %mul3A_1051 = arith.constant 4 : i32
        %mul3A_1052 = arith.muli %scan3A_954, %mul3A_1051 : i32
        %add3A_1053 = arith.constant 2 : i32
        %add3A_1054 = arith.addi %mul3A_1052, %add3A_1053 : i32
        %add3A_1055 = vector.broadcast %add3A_1054 : i32 to vector<16xi32>
        %add3A_1056 = arith.addi %iota3A, %add3A_1055 : vector<16xi32>
        %and3A_1057 = arith.constant 63 : i32
        %and3A_1058 = vector.broadcast %and3A_1057 : i32 to vector<16xi32>
        %and3A_1059 = arith.andi %add3A_1056, %and3A_1058 : vector<16xi32>
        %gather3A_1060 = tpu.vector_load_idx %arg9[%add3A_9, %and3A_1059] : memref<128x64xf32, #tpu.memory_space<vmem>>[vector<16xi32>, vector<16xi32>], vector<16xf32>,
        %add3A_1061 = arith.addf %add3A_1020, %gather3A_1060 : vector<16xf32>
        %mul3A_1062 = arith.mulf %gather3A_1060, %gather3A_1060 : vector<16xf32>
        %add3A_1063 = arith.addf %add3A_1022, %mul3A_1062 : vector<16xf32>
        %gather3A_1064 = tpu.vector_load_idx %arg9[%add3A_12, %and3A_1059] : memref<128x64xf32, #tpu.memory_space<vmem>>[vector<16xi32>, vector<16xi32>], vector<16xf32>,
        %add3A_1065 = arith.addf %add3A_1024, %gather3A_1064 : vector<16xf32>
        %mul3A_1066 = arith.mulf %gather3A_1064, %gather3A_1064 : vector<16xf32>
        %add3A_1067 = arith.addf %add3A_1026, %mul3A_1066 : vector<16xf32>
        %gather3A_1068 = tpu.vector_load_idx %arg9[%add3A_15, %and3A_1059] : memref<128x64xf32, #tpu.memory_space<vmem>>[vector<16xi32>, vector<16xi32>], vector<16xf32>,
        %add3A_1069 = arith.addf %add3A_1028, %gather3A_1068 : vector<16xf32>
        %mul3A_1070 = arith.mulf %gather3A_1068, %gather3A_1068 : vector<16xf32>
        %add3A_1071 = arith.addf %add3A_1030, %mul3A_1070 : vector<16xf32>
        %gather3A_1072 = tpu.vector_load_idx %arg9[%add3A_18, %and3A_1059] : memref<128x64xf32, #tpu.memory_space<vmem>>[vector<16xi32>, vector<16xi32>], vector<16xf32>,
        %add3A_1073 = arith.addf %add3A_1032, %gather3A_1072 : vector<16xf32>
        %mul3A_1074 = arith.mulf %gather3A_1072, %gather3A_1072 : vector<16xf32>
        %add3A_1075 = arith.addf %add3A_1034, %mul3A_1074 : vector<16xf32>
        %gather3A_1076 = tpu.vector_load_idx %arg9[%add3A_21, %and3A_1059] : memref<128x64xf32, #tpu.memory_space<vmem>>[vector<16xi32>, vector<16xi32>], vector<16xf32>,
        %add3A_1077 = arith.addf %add3A_1036, %gather3A_1076 : vector<16xf32>
        %mul3A_1078 = arith.mulf %gather3A_1076, %gather3A_1076 : vector<16xf32>
        %add3A_1079 = arith.addf %add3A_1038, %mul3A_1078 : vector<16xf32>
        %gather3A_1080 = tpu.vector_load_idx %arg9[%add3A_24, %and3A_1059] : memref<128x64xf32, #tpu.memory_space<vmem>>[vector<16xi32>, vector<16xi32>], vector<16xf32>,
        %add3A_1081 = arith.addf %add3A_1040, %gather3A_1080 : vector<16xf32>
        %mul3A_1082 = arith.mulf %gather3A_1080, %gather3A_1080 : vector<16xf32>
        %add3A_1083 = arith.addf %add3A_1042, %mul3A_1082 : vector<16xf32>
        %gather3A_1084 = tpu.vector_load_idx %arg9[%add3A_27, %and3A_1059] : memref<128x64xf32, #tpu.memory_space<vmem>>[vector<16xi32>, vector<16xi32>], vector<16xf32>,
        %add3A_1085 = arith.addf %add3A_1044, %gather3A_1084 : vector<16xf32>
        %mul3A_1086 = arith.mulf %gather3A_1084, %gather3A_1084 : vector<16xf32>
        %add3A_1087 = arith.addf %add3A_1046, %mul3A_1086 : vector<16xf32>
        %gather3A_1088 = tpu.vector_load_idx %arg9[%add3A_30, %and3A_1059] : memref<128x64xf32, #tpu.memory_space<vmem>>[vector<16xi32>, vector<16xi32>], vector<16xf32>,
        %add3A_1089 = arith.addf %add3A_1048, %gather3A_1088 : vector<16xf32>
        %mul3A_1090 = arith.mulf %gather3A_1088, %gather3A_1088 : vector<16xf32>
        %add3A_1091 = arith.addf %add3A_1050, %mul3A_1090 : vector<16xf32>
        %mul3A_1092 = arith.constant 4 : i32
        %mul3A_1093 = arith.muli %scan3A_954, %mul3A_1092 : i32
        %add3A_1094 = arith.constant 3 : i32
        %add3A_1095 = arith.addi %mul3A_1093, %add3A_1094 : i32
        %add3A_1096 = vector.broadcast %add3A_1095 : i32 to vector<16xi32>
        %add3A_1097 = arith.addi %iota3A, %add3A_1096 : vector<16xi32>
        %and3A_1098 = arith.constant 63 : i32
        %and3A_1099 = vector.broadcast %and3A_1098 : i32 to vector<16xi32>
        %and3A_1100 = arith.andi %add3A_1097, %and3A_1099 : vector<16xi32>
        %gather3A_1101 = tpu.vector_load_idx %arg9[%add3A_9, %and3A_1100] : memref<128x64xf32, #tpu.memory_space<vmem>>[vector<16xi32>, vector<16xi32>], vector<16xf32>,
        %add3A_1102 = arith.addf %add3A_1061, %gather3A_1101 : vector<16xf32>
        %mul3A_1103 = arith.mulf %gather3A_1101, %gather3A_1101 : vector<16xf32>
        %add3A_1104 = arith.addf %add3A_1063, %mul3A_1103 : vector<16xf32>
        %gather3A_1105 = tpu.vector_load_idx %arg9[%add3A_12, %and3A_1100] : memref<128x64xf32, #tpu.memory_space<vmem>>[vector<16xi32>, vector<16xi32>], vector<16xf32>,
        %add3A_1106 = arith.addf %add3A_1065, %gather3A_1105 : vector<16xf32>
        %mul3A_1107 = arith.mulf %gather3A_1105, %gather3A_1105 : vector<16xf32>
        %add3A_1108 = arith.addf %add3A_1067, %mul3A_1107 : vector<16xf32>
        %gather3A_1109 = tpu.vector_load_idx %arg9[%add3A_15, %and3A_1100] : memref<128x64xf32, #tpu.memory_space<vmem>>[vector<16xi32>, vector<16xi32>], vector<16xf32>,
        %add3A_1110 = arith.addf %add3A_1069, %gather3A_1109 : vector<16xf32>
        %mul3A_1111 = arith.mulf %gather3A_1109, %gather3A_1109 : vector<16xf32>
        %add3A_1112 = arith.addf %add3A_1071, %mul3A_1111 : vector<16xf32>
        %gather3A_1113 = tpu.vector_load_idx %arg9[%add3A_18, %and3A_1100] : memref<128x64xf32, #tpu.memory_space<vmem>>[vector<16xi32>, vector<16xi32>], vector<16xf32>,
        %add3A_1114 = arith.addf %add3A_1073, %gather3A_1113 : vector<16xf32>
        %mul3A_1115 = arith.mulf %gather3A_1113, %gather3A_1113 : vector<16xf32>
        %add3A_1116 = arith.addf %add3A_1075, %mul3A_1115 : vector<16xf32>
        %gather3A_1117 = tpu.vector_load_idx %arg9[%add3A_21, %and3A_1100] : memref<128x64xf32, #tpu.memory_space<vmem>>[vector<16xi32>, vector<16xi32>], vector<16xf32>,
        %add3A_1118 = arith.addf %add3A_1077, %gather3A_1117 : vector<16xf32>
        %mul3A_1119 = arith.mulf %gather3A_1117, %gather3A_1117 : vector<16xf32>
        %add3A_1120 = arith.addf %add3A_1079, %mul3A_1119 : vector<16xf32>
        %gather3A_1121 = tpu.vector_load_idx %arg9[%add3A_24, %and3A_1100] : memref<128x64xf32, #tpu.memory_space<vmem>>[vector<16xi32>, vector<16xi32>], vector<16xf32>,
        %add3A_1122 = arith.addf %add3A_1081, %gather3A_1121 : vector<16xf32>
        %mul3A_1123 = arith.mulf %gather3A_1121, %gather3A_1121 : vector<16xf32>
        %add3A_1124 = arith.addf %add3A_1083, %mul3A_1123 : vector<16xf32>
        %gather3A_1125 = tpu.vector_load_idx %arg9[%add3A_27, %and3A_1100] : memref<128x64xf32, #tpu.memory_space<vmem>>[vector<16xi32>, vector<16xi32>], vector<16xf32>,
        %add3A_1126 = arith.addf %add3A_1085, %gather3A_1125 : vector<16xf32>
        %mul3A_1127 = arith.mulf %gather3A_1125, %gather3A_1125 : vector<16xf32>
        %add3A_1128 = arith.addf %add3A_1087, %mul3A_1127 : vector<16xf32>
        %gather3A_1129 = tpu.vector_load_idx %arg9[%add3A_30, %and3A_1100] : memref<128x64xf32, #tpu.memory_space<vmem>>[vector<16xi32>, vector<16xi32>], vector<16xf32>,
        %add3A_1130 = arith.addf %add3A_1089, %gather3A_1129 : vector<16xf32>
        %mul3A_1131 = arith.mulf %gather3A_1129, %gather3A_1129 : vector<16xf32>
        %add3A_1132 = arith.addf %add3A_1091, %mul3A_1131 : vector<16xf32>
        scf.yield %add3A_1102, %add3A_1106, %add3A_1110, %add3A_1114, %add3A_1118, %add3A_1122, %add3A_1126, %add3A_1130, %add3A_1104, %add3A_1108, %add3A_1112, %add3A_1116, %add3A_1120, %add3A_1124, %add3A_1128, %add3A_1132 : vector<16xf32>, vector<16xf32>, vector<16xf32>, vector<16xf32>, vector<16xf32>, vector<16xf32>, vector<16xf32>, vector<16xf32>, vector<16xf32>, vector<16xf32>, vector<16xf32>, vector<16xf32>, vector<16xf32>, vector<16xf32>, vector<16xf32>, vector<16xf32>
      }
      %scan3A_608 = arith.constant 16 : i32
      %mul3A_609 = arith.constant 1.562500e-02 : f32
      %mul3A_610 = vector.broadcast %mul3A_609 : f32 to vector<16xf32>
      %mul3A_611 = arith.mulf %scan3A_607#0, %mul3A_610 : vector<16xf32>
      %mul3A_612 = arith.constant 1.562500e-02 : f32
      %mul3A_613 = vector.broadcast %mul3A_612 : f32 to vector<16xf32>
      %mul3A_614 = arith.mulf %scan3A_607#8, %mul3A_613 : vector<16xf32>
      %mul3A_615 = arith.mulf %mul3A_611, %mul3A_611 : vector<16xf32>
      %sub3A_616 = arith.subf %mul3A_614, %mul3A_615 : vector<16xf32>
      %add3A_617 = arith.constant 9.99999974E-6 : f32
      %add3A_618 = vector.broadcast %add3A_617 : f32 to vector<16xf32>
      %add3A_619 = arith.addf %sub3A_616, %add3A_618 : vector<16xf32>
      %bitcast3A_620 = vector.bitcast %add3A_619 : vector<16xf32> to vector<16xi32>
      %shift_right_arithmetic3A_621 = arith.constant 1 : i32
      %shift_right_arithmetic3A_622 = vector.broadcast %shift_right_arithmetic3A_621 : i32 to vector<16xi32>
      %shift_right_arithmetic3A_623 = arith.shrsi %bitcast3A_620, %shift_right_arithmetic3A_622 : vector<16xi32>
      %sub3A_624 = arith.constant 1597463007 : i32
      %sub3A_625 = vector.broadcast %sub3A_624 : i32 to vector<16xi32>
      %sub3A_626 = arith.subi %sub3A_625, %shift_right_arithmetic3A_623 : vector<16xi32>
      %bitcast3A_627 = vector.bitcast %sub3A_626 : vector<16xi32> to vector<16xf32>
      %mul3A_628 = arith.constant -5.000000e-01 : f32
      %mul3A_629 = vector.broadcast %mul3A_628 : f32 to vector<16xf32>
      %mul3A_630 = arith.mulf %add3A_619, %mul3A_629 : vector<16xf32>
      %mul3A_631 = arith.mulf %mul3A_630, %bitcast3A_627 : vector<16xf32>
      %mul3A_632 = arith.mulf %mul3A_631, %bitcast3A_627 : vector<16xf32>
      %add3A_633 = arith.constant 1.500000e+00 : f32
      %add3A_634 = vector.broadcast %add3A_633 : f32 to vector<16xf32>
      %add3A_635 = arith.addf %add3A_634, %mul3A_632 : vector<16xf32>
      %mul3A_636 = arith.mulf %bitcast3A_627, %add3A_635 : vector<16xf32>
      %mul3A_637 = arith.mulf %mul3A_630, %mul3A_636 : vector<16xf32>
      %mul3A_638 = arith.mulf %mul3A_637, %mul3A_636 : vector<16xf32>
      %add3A_639 = arith.constant 1.500000e+00 : f32
      %add3A_640 = vector.broadcast %add3A_639 : f32 to vector<16xf32>
      %add3A_641 = arith.addf %add3A_640, %mul3A_638 : vector<16xf32>
      %mul3A_642 = arith.mulf %mul3A_636, %add3A_641 : vector<16xf32>
      %mul3A_643 = arith.mulf %mul3A_630, %mul3A_642 : vector<16xf32>
      %mul3A_644 = arith.mulf %mul3A_643, %mul3A_642 : vector<16xf32>
      %add3A_645 = arith.constant 1.500000e+00 : f32
      %add3A_646 = vector.broadcast %add3A_645 : f32 to vector<16xf32>
      %add3A_647 = arith.addf %add3A_646, %mul3A_644 : vector<16xf32>
      %mul3A_648 = arith.mulf %mul3A_642, %add3A_647 : vector<16xf32>
      %mul3A_649 = arith.constant 1.562500e-02 : f32
      %mul3A_650 = vector.broadcast %mul3A_649 : f32 to vector<16xf32>
      %mul3A_651 = arith.mulf %scan3A_607#1, %mul3A_650 : vector<16xf32>
      %mul3A_652 = arith.constant 1.562500e-02 : f32
      %mul3A_653 = vector.broadcast %mul3A_652 : f32 to vector<16xf32>
      %mul3A_654 = arith.mulf %scan3A_607#9, %mul3A_653 : vector<16xf32>
      %mul3A_655 = arith.mulf %mul3A_651, %mul3A_651 : vector<16xf32>
      %sub3A_656 = arith.subf %mul3A_654, %mul3A_655 : vector<16xf32>
      %add3A_657 = arith.constant 9.99999974E-6 : f32
      %add3A_658 = vector.broadcast %add3A_657 : f32 to vector<16xf32>
      %add3A_659 = arith.addf %sub3A_656, %add3A_658 : vector<16xf32>
      %bitcast3A_660 = vector.bitcast %add3A_659 : vector<16xf32> to vector<16xi32>
      %shift_right_arithmetic3A_661 = arith.constant 1 : i32
      %shift_right_arithmetic3A_662 = vector.broadcast %shift_right_arithmetic3A_661 : i32 to vector<16xi32>
      %shift_right_arithmetic3A_663 = arith.shrsi %bitcast3A_660, %shift_right_arithmetic3A_662 : vector<16xi32>
      %sub3A_664 = arith.constant 1597463007 : i32
      %sub3A_665 = vector.broadcast %sub3A_664 : i32 to vector<16xi32>
      %sub3A_666 = arith.subi %sub3A_665, %shift_right_arithmetic3A_663 : vector<16xi32>
      %bitcast3A_667 = vector.bitcast %sub3A_666 : vector<16xi32> to vector<16xf32>
      %mul3A_668 = arith.constant -5.000000e-01 : f32
      %mul3A_669 = vector.broadcast %mul3A_668 : f32 to vector<16xf32>
      %mul3A_670 = arith.mulf %add3A_659, %mul3A_669 : vector<16xf32>
      %mul3A_671 = arith.mulf %mul3A_670, %bitcast3A_667 : vector<16xf32>
      %mul3A_672 = arith.mulf %mul3A_671, %bitcast3A_667 : vector<16xf32>
      %add3A_673 = arith.constant 1.500000e+00 : f32
      %add3A_674 = vector.broadcast %add3A_673 : f32 to vector<16xf32>
      %add3A_675 = arith.addf %add3A_674, %mul3A_672 : vector<16xf32>
      %mul3A_676 = arith.mulf %bitcast3A_667, %add3A_675 : vector<16xf32>
      %mul3A_677 = arith.mulf %mul3A_670, %mul3A_676 : vector<16xf32>
      %mul3A_678 = arith.mulf %mul3A_677, %mul3A_676 : vector<16xf32>
      %add3A_679 = arith.constant 1.500000e+00 : f32
      %add3A_680 = vector.broadcast %add3A_679 : f32 to vector<16xf32>
      %add3A_681 = arith.addf %add3A_680, %mul3A_678 : vector<16xf32>
      %mul3A_682 = arith.mulf %mul3A_676, %add3A_681 : vector<16xf32>
      %mul3A_683 = arith.mulf %mul3A_670, %mul3A_682 : vector<16xf32>
      %mul3A_684 = arith.mulf %mul3A_683, %mul3A_682 : vector<16xf32>
      %add3A_685 = arith.constant 1.500000e+00 : f32
      %add3A_686 = vector.broadcast %add3A_685 : f32 to vector<16xf32>
      %add3A_687 = arith.addf %add3A_686, %mul3A_684 : vector<16xf32>
      %mul3A_688 = arith.mulf %mul3A_682, %add3A_687 : vector<16xf32>
      %mul3A_689 = arith.constant 1.562500e-02 : f32
      %mul3A_690 = vector.broadcast %mul3A_689 : f32 to vector<16xf32>
      %mul3A_691 = arith.mulf %scan3A_607#2, %mul3A_690 : vector<16xf32>
      %mul3A_692 = arith.constant 1.562500e-02 : f32
      %mul3A_693 = vector.broadcast %mul3A_692 : f32 to vector<16xf32>
      %mul3A_694 = arith.mulf %scan3A_607#10, %mul3A_693 : vector<16xf32>
      %mul3A_695 = arith.mulf %mul3A_691, %mul3A_691 : vector<16xf32>
      %sub3A_696 = arith.subf %mul3A_694, %mul3A_695 : vector<16xf32>
      %add3A_697 = arith.constant 9.99999974E-6 : f32
      %add3A_698 = vector.broadcast %add3A_697 : f32 to vector<16xf32>
      %add3A_699 = arith.addf %sub3A_696, %add3A_698 : vector<16xf32>
      %bitcast3A_700 = vector.bitcast %add3A_699 : vector<16xf32> to vector<16xi32>
      %shift_right_arithmetic3A_701 = arith.constant 1 : i32
      %shift_right_arithmetic3A_702 = vector.broadcast %shift_right_arithmetic3A_701 : i32 to vector<16xi32>
      %shift_right_arithmetic3A_703 = arith.shrsi %bitcast3A_700, %shift_right_arithmetic3A_702 : vector<16xi32>
      %sub3A_704 = arith.constant 1597463007 : i32
      %sub3A_705 = vector.broadcast %sub3A_704 : i32 to vector<16xi32>
      %sub3A_706 = arith.subi %sub3A_705, %shift_right_arithmetic3A_703 : vector<16xi32>
      %bitcast3A_707 = vector.bitcast %sub3A_706 : vector<16xi32> to vector<16xf32>
      %mul3A_708 = arith.constant -5.000000e-01 : f32
      %mul3A_709 = vector.broadcast %mul3A_708 : f32 to vector<16xf32>
      %mul3A_710 = arith.mulf %add3A_699, %mul3A_709 : vector<16xf32>
      %mul3A_711 = arith.mulf %mul3A_710, %bitcast3A_707 : vector<16xf32>
      %mul3A_712 = arith.mulf %mul3A_711, %bitcast3A_707 : vector<16xf32>
      %add3A_713 = arith.constant 1.500000e+00 : f32
      %add3A_714 = vector.broadcast %add3A_713 : f32 to vector<16xf32>
      %add3A_715 = arith.addf %add3A_714, %mul3A_712 : vector<16xf32>
      %mul3A_716 = arith.mulf %bitcast3A_707, %add3A_715 : vector<16xf32>
      %mul3A_717 = arith.mulf %mul3A_710, %mul3A_716 : vector<16xf32>
      %mul3A_718 = arith.mulf %mul3A_717, %mul3A_716 : vector<16xf32>
      %add3A_719 = arith.constant 1.500000e+00 : f32
      %add3A_720 = vector.broadcast %add3A_719 : f32 to vector<16xf32>
      %add3A_721 = arith.addf %add3A_720, %mul3A_718 : vector<16xf32>
      %mul3A_722 = arith.mulf %mul3A_716, %add3A_721 : vector<16xf32>
      %mul3A_723 = arith.mulf %mul3A_710, %mul3A_722 : vector<16xf32>
      %mul3A_724 = arith.mulf %mul3A_723, %mul3A_722 : vector<16xf32>
      %add3A_725 = arith.constant 1.500000e+00 : f32
      %add3A_726 = vector.broadcast %add3A_725 : f32 to vector<16xf32>
      %add3A_727 = arith.addf %add3A_726, %mul3A_724 : vector<16xf32>
      %mul3A_728 = arith.mulf %mul3A_722, %add3A_727 : vector<16xf32>
      %mul3A_729 = arith.constant 1.562500e-02 : f32
      %mul3A_730 = vector.broadcast %mul3A_729 : f32 to vector<16xf32>
      %mul3A_731 = arith.mulf %scan3A_607#3, %mul3A_730 : vector<16xf32>
      %mul3A_732 = arith.constant 1.562500e-02 : f32
      %mul3A_733 = vector.broadcast %mul3A_732 : f32 to vector<16xf32>
      %mul3A_734 = arith.mulf %scan3A_607#11, %mul3A_733 : vector<16xf32>
      %mul3A_735 = arith.mulf %mul3A_731, %mul3A_731 : vector<16xf32>
      %sub3A_736 = arith.subf %mul3A_734, %mul3A_735 : vector<16xf32>
      %add3A_737 = arith.constant 9.99999974E-6 : f32
      %add3A_738 = vector.broadcast %add3A_737 : f32 to vector<16xf32>
      %add3A_739 = arith.addf %sub3A_736, %add3A_738 : vector<16xf32>
      %bitcast3A_740 = vector.bitcast %add3A_739 : vector<16xf32> to vector<16xi32>
      %shift_right_arithmetic3A_741 = arith.constant 1 : i32
      %shift_right_arithmetic3A_742 = vector.broadcast %shift_right_arithmetic3A_741 : i32 to vector<16xi32>
      %shift_right_arithmetic3A_743 = arith.shrsi %bitcast3A_740, %shift_right_arithmetic3A_742 : vector<16xi32>
      %sub3A_744 = arith.constant 1597463007 : i32
      %sub3A_745 = vector.broadcast %sub3A_744 : i32 to vector<16xi32>
      %sub3A_746 = arith.subi %sub3A_745, %shift_right_arithmetic3A_743 : vector<16xi32>
      %bitcast3A_747 = vector.bitcast %sub3A_746 : vector<16xi32> to vector<16xf32>
      %mul3A_748 = arith.constant -5.000000e-01 : f32
      %mul3A_749 = vector.broadcast %mul3A_748 : f32 to vector<16xf32>
      %mul3A_750 = arith.mulf %add3A_739, %mul3A_749 : vector<16xf32>
      %mul3A_751 = arith.mulf %mul3A_750, %bitcast3A_747 : vector<16xf32>
      %mul3A_752 = arith.mulf %mul3A_751, %bitcast3A_747 : vector<16xf32>
      %add3A_753 = arith.constant 1.500000e+00 : f32
      %add3A_754 = vector.broadcast %add3A_753 : f32 to vector<16xf32>
      %add3A_755 = arith.addf %add3A_754, %mul3A_752 : vector<16xf32>
      %mul3A_756 = arith.mulf %bitcast3A_747, %add3A_755 : vector<16xf32>
      %mul3A_757 = arith.mulf %mul3A_750, %mul3A_756 : vector<16xf32>
      %mul3A_758 = arith.mulf %mul3A_757, %mul3A_756 : vector<16xf32>
      %add3A_759 = arith.constant 1.500000e+00 : f32
      %add3A_760 = vector.broadcast %add3A_759 : f32 to vector<16xf32>
      %add3A_761 = arith.addf %add3A_760, %mul3A_758 : vector<16xf32>
      %mul3A_762 = arith.mulf %mul3A_756, %add3A_761 : vector<16xf32>
      %mul3A_763 = arith.mulf %mul3A_750, %mul3A_762 : vector<16xf32>
      %mul3A_764 = arith.mulf %mul3A_763, %mul3A_762 : vector<16xf32>
      %add3A_765 = arith.constant 1.500000e+00 : f32
      %add3A_766 = vector.broadcast %add3A_765 : f32 to vector<16xf32>
      %add3A_767 = arith.addf %add3A_766, %mul3A_764 : vector<16xf32>
      %mul3A_768 = arith.mulf %mul3A_762, %add3A_767 : vector<16xf32>
      %mul3A_769 = arith.constant 1.562500e-02 : f32
      %mul3A_770 = vector.broadcast %mul3A_769 : f32 to vector<16xf32>
      %mul3A_771 = arith.mulf %scan3A_607#4, %mul3A_770 : vector<16xf32>
      %mul3A_772 = arith.constant 1.562500e-02 : f32
      %mul3A_773 = vector.broadcast %mul3A_772 : f32 to vector<16xf32>
      %mul3A_774 = arith.mulf %scan3A_607#12, %mul3A_773 : vector<16xf32>
      %mul3A_775 = arith.mulf %mul3A_771, %mul3A_771 : vector<16xf32>
      %sub3A_776 = arith.subf %mul3A_774, %mul3A_775 : vector<16xf32>
      %add3A_777 = arith.constant 9.99999974E-6 : f32
      %add3A_778 = vector.broadcast %add3A_777 : f32 to vector<16xf32>
      %add3A_779 = arith.addf %sub3A_776, %add3A_778 : vector<16xf32>
      %bitcast3A_780 = vector.bitcast %add3A_779 : vector<16xf32> to vector<16xi32>
      %shift_right_arithmetic3A_781 = arith.constant 1 : i32
      %shift_right_arithmetic3A_782 = vector.broadcast %shift_right_arithmetic3A_781 : i32 to vector<16xi32>
      %shift_right_arithmetic3A_783 = arith.shrsi %bitcast3A_780, %shift_right_arithmetic3A_782 : vector<16xi32>
      %sub3A_784 = arith.constant 1597463007 : i32
      %sub3A_785 = vector.broadcast %sub3A_784 : i32 to vector<16xi32>
      %sub3A_786 = arith.subi %sub3A_785, %shift_right_arithmetic3A_783 : vector<16xi32>
      %bitcast3A_787 = vector.bitcast %sub3A_786 : vector<16xi32> to vector<16xf32>
      %mul3A_788 = arith.constant -5.000000e-01 : f32
      %mul3A_789 = vector.broadcast %mul3A_788 : f32 to vector<16xf32>
      %mul3A_790 = arith.mulf %add3A_779, %mul3A_789 : vector<16xf32>
      %mul3A_791 = arith.mulf %mul3A_790, %bitcast3A_787 : vector<16xf32>
      %mul3A_792 = arith.mulf %mul3A_791, %bitcast3A_787 : vector<16xf32>
      %add3A_793 = arith.constant 1.500000e+00 : f32
      %add3A_794 = vector.broadcast %add3A_793 : f32 to vector<16xf32>
      %add3A_795 = arith.addf %add3A_794, %mul3A_792 : vector<16xf32>
      %mul3A_796 = arith.mulf %bitcast3A_787, %add3A_795 : vector<16xf32>
      %mul3A_797 = arith.mulf %mul3A_790, %mul3A_796 : vector<16xf32>
      %mul3A_798 = arith.mulf %mul3A_797, %mul3A_796 : vector<16xf32>
      %add3A_799 = arith.constant 1.500000e+00 : f32
      %add3A_800 = vector.broadcast %add3A_799 : f32 to vector<16xf32>
      %add3A_801 = arith.addf %add3A_800, %mul3A_798 : vector<16xf32>
      %mul3A_802 = arith.mulf %mul3A_796, %add3A_801 : vector<16xf32>
      %mul3A_803 = arith.mulf %mul3A_790, %mul3A_802 : vector<16xf32>
      %mul3A_804 = arith.mulf %mul3A_803, %mul3A_802 : vector<16xf32>
      %add3A_805 = arith.constant 1.500000e+00 : f32
      %add3A_806 = vector.broadcast %add3A_805 : f32 to vector<16xf32>
      %add3A_807 = arith.addf %add3A_806, %mul3A_804 : vector<16xf32>
      %mul3A_808 = arith.mulf %mul3A_802, %add3A_807 : vector<16xf32>
      %mul3A_809 = arith.constant 1.562500e-02 : f32
      %mul3A_810 = vector.broadcast %mul3A_809 : f32 to vector<16xf32>
      %mul3A_811 = arith.mulf %scan3A_607#5, %mul3A_810 : vector<16xf32>
      %mul3A_812 = arith.constant 1.562500e-02 : f32
      %mul3A_813 = vector.broadcast %mul3A_812 : f32 to vector<16xf32>
      %mul3A_814 = arith.mulf %scan3A_607#13, %mul3A_813 : vector<16xf32>
      %mul3A_815 = arith.mulf %mul3A_811, %mul3A_811 : vector<16xf32>
      %sub3A_816 = arith.subf %mul3A_814, %mul3A_815 : vector<16xf32>
      %add3A_817 = arith.constant 9.99999974E-6 : f32
      %add3A_818 = vector.broadcast %add3A_817 : f32 to vector<16xf32>
      %add3A_819 = arith.addf %sub3A_816, %add3A_818 : vector<16xf32>
      %bitcast3A_820 = vector.bitcast %add3A_819 : vector<16xf32> to vector<16xi32>
      %shift_right_arithmetic3A_821 = arith.constant 1 : i32
      %shift_right_arithmetic3A_822 = vector.broadcast %shift_right_arithmetic3A_821 : i32 to vector<16xi32>
      %shift_right_arithmetic3A_823 = arith.shrsi %bitcast3A_820, %shift_right_arithmetic3A_822 : vector<16xi32>
      %sub3A_824 = arith.constant 1597463007 : i32
      %sub3A_825 = vector.broadcast %sub3A_824 : i32 to vector<16xi32>
      %sub3A_826 = arith.subi %sub3A_825, %shift_right_arithmetic3A_823 : vector<16xi32>
      %bitcast3A_827 = vector.bitcast %sub3A_826 : vector<16xi32> to vector<16xf32>
      %mul3A_828 = arith.constant -5.000000e-01 : f32
      %mul3A_829 = vector.broadcast %mul3A_828 : f32 to vector<16xf32>
      %mul3A_830 = arith.mulf %add3A_819, %mul3A_829 : vector<16xf32>
      %mul3A_831 = arith.mulf %mul3A_830, %bitcast3A_827 : vector<16xf32>
      %mul3A_832 = arith.mulf %mul3A_831, %bitcast3A_827 : vector<16xf32>
      %add3A_833 = arith.constant 1.500000e+00 : f32
      %add3A_834 = vector.broadcast %add3A_833 : f32 to vector<16xf32>
      %add3A_835 = arith.addf %add3A_834, %mul3A_832 : vector<16xf32>
      %mul3A_836 = arith.mulf %bitcast3A_827, %add3A_835 : vector<16xf32>
      %mul3A_837 = arith.mulf %mul3A_830, %mul3A_836 : vector<16xf32>
      %mul3A_838 = arith.mulf %mul3A_837, %mul3A_836 : vector<16xf32>
      %add3A_839 = arith.constant 1.500000e+00 : f32
      %add3A_840 = vector.broadcast %add3A_839 : f32 to vector<16xf32>
      %add3A_841 = arith.addf %add3A_840, %mul3A_838 : vector<16xf32>
      %mul3A_842 = arith.mulf %mul3A_836, %add3A_841 : vector<16xf32>
      %mul3A_843 = arith.mulf %mul3A_830, %mul3A_842 : vector<16xf32>
      %mul3A_844 = arith.mulf %mul3A_843, %mul3A_842 : vector<16xf32>
      %add3A_845 = arith.constant 1.500000e+00 : f32
      %add3A_846 = vector.broadcast %add3A_845 : f32 to vector<16xf32>
      %add3A_847 = arith.addf %add3A_846, %mul3A_844 : vector<16xf32>
      %mul3A_848 = arith.mulf %mul3A_842, %add3A_847 : vector<16xf32>
      %mul3A_849 = arith.constant 1.562500e-02 : f32
      %mul3A_850 = vector.broadcast %mul3A_849 : f32 to vector<16xf32>
      %mul3A_851 = arith.mulf %scan3A_607#6, %mul3A_850 : vector<16xf32>
      %mul3A_852 = arith.constant 1.562500e-02 : f32
      %mul3A_853 = vector.broadcast %mul3A_852 : f32 to vector<16xf32>
      %mul3A_854 = arith.mulf %scan3A_607#14, %mul3A_853 : vector<16xf32>
      %mul3A_855 = arith.mulf %mul3A_851, %mul3A_851 : vector<16xf32>
      %sub3A_856 = arith.subf %mul3A_854, %mul3A_855 : vector<16xf32>
      %add3A_857 = arith.constant 9.99999974E-6 : f32
      %add3A_858 = vector.broadcast %add3A_857 : f32 to vector<16xf32>
      %add3A_859 = arith.addf %sub3A_856, %add3A_858 : vector<16xf32>
      %bitcast3A_860 = vector.bitcast %add3A_859 : vector<16xf32> to vector<16xi32>
      %shift_right_arithmetic3A_861 = arith.constant 1 : i32
      %shift_right_arithmetic3A_862 = vector.broadcast %shift_right_arithmetic3A_861 : i32 to vector<16xi32>
      %shift_right_arithmetic3A_863 = arith.shrsi %bitcast3A_860, %shift_right_arithmetic3A_862 : vector<16xi32>
      %sub3A_864 = arith.constant 1597463007 : i32
      %sub3A_865 = vector.broadcast %sub3A_864 : i32 to vector<16xi32>
      %sub3A_866 = arith.subi %sub3A_865, %shift_right_arithmetic3A_863 : vector<16xi32>
      %bitcast3A_867 = vector.bitcast %sub3A_866 : vector<16xi32> to vector<16xf32>
      %mul3A_868 = arith.constant -5.000000e-01 : f32
      %mul3A_869 = vector.broadcast %mul3A_868 : f32 to vector<16xf32>
      %mul3A_870 = arith.mulf %add3A_859, %mul3A_869 : vector<16xf32>
      %mul3A_871 = arith.mulf %mul3A_870, %bitcast3A_867 : vector<16xf32>
      %mul3A_872 = arith.mulf %mul3A_871, %bitcast3A_867 : vector<16xf32>
      %add3A_873 = arith.constant 1.500000e+00 : f32
      %add3A_874 = vector.broadcast %add3A_873 : f32 to vector<16xf32>
      %add3A_875 = arith.addf %add3A_874, %mul3A_872 : vector<16xf32>
      %mul3A_876 = arith.mulf %bitcast3A_867, %add3A_875 : vector<16xf32>
      %mul3A_877 = arith.mulf %mul3A_870, %mul3A_876 : vector<16xf32>
      %mul3A_878 = arith.mulf %mul3A_877, %mul3A_876 : vector<16xf32>
      %add3A_879 = arith.constant 1.500000e+00 : f32
      %add3A_880 = vector.broadcast %add3A_879 : f32 to vector<16xf32>
      %add3A_881 = arith.addf %add3A_880, %mul3A_878 : vector<16xf32>
      %mul3A_882 = arith.mulf %mul3A_876, %add3A_881 : vector<16xf32>
      %mul3A_883 = arith.mulf %mul3A_870, %mul3A_882 : vector<16xf32>
      %mul3A_884 = arith.mulf %mul3A_883, %mul3A_882 : vector<16xf32>
      %add3A_885 = arith.constant 1.500000e+00 : f32
      %add3A_886 = vector.broadcast %add3A_885 : f32 to vector<16xf32>
      %add3A_887 = arith.addf %add3A_886, %mul3A_884 : vector<16xf32>
      %mul3A_888 = arith.mulf %mul3A_882, %add3A_887 : vector<16xf32>
      %mul3A_889 = arith.constant 1.562500e-02 : f32
      %mul3A_890 = vector.broadcast %mul3A_889 : f32 to vector<16xf32>
      %mul3A_891 = arith.mulf %scan3A_607#7, %mul3A_890 : vector<16xf32>
      %mul3A_892 = arith.constant 1.562500e-02 : f32
      %mul3A_893 = vector.broadcast %mul3A_892 : f32 to vector<16xf32>
      %mul3A_894 = arith.mulf %scan3A_607#15, %mul3A_893 : vector<16xf32>
      %mul3A_895 = arith.mulf %mul3A_891, %mul3A_891 : vector<16xf32>
      %sub3A_896 = arith.subf %mul3A_894, %mul3A_895 : vector<16xf32>
      %add3A_897 = arith.constant 9.99999974E-6 : f32
      %add3A_898 = vector.broadcast %add3A_897 : f32 to vector<16xf32>
      %add3A_899 = arith.addf %sub3A_896, %add3A_898 : vector<16xf32>
      %bitcast3A_900 = vector.bitcast %add3A_899 : vector<16xf32> to vector<16xi32>
      %shift_right_arithmetic3A_901 = arith.constant 1 : i32
      %shift_right_arithmetic3A_902 = vector.broadcast %shift_right_arithmetic3A_901 : i32 to vector<16xi32>
      %shift_right_arithmetic3A_903 = arith.shrsi %bitcast3A_900, %shift_right_arithmetic3A_902 : vector<16xi32>
      %sub3A_904 = arith.constant 1597463007 : i32
      %sub3A_905 = vector.broadcast %sub3A_904 : i32 to vector<16xi32>
      %sub3A_906 = arith.subi %sub3A_905, %shift_right_arithmetic3A_903 : vector<16xi32>
      %bitcast3A_907 = vector.bitcast %sub3A_906 : vector<16xi32> to vector<16xf32>
      %mul3A_908 = arith.constant -5.000000e-01 : f32
      %mul3A_909 = vector.broadcast %mul3A_908 : f32 to vector<16xf32>
      %mul3A_910 = arith.mulf %add3A_899, %mul3A_909 : vector<16xf32>
      %mul3A_911 = arith.mulf %mul3A_910, %bitcast3A_907 : vector<16xf32>
      %mul3A_912 = arith.mulf %mul3A_911, %bitcast3A_907 : vector<16xf32>
      %add3A_913 = arith.constant 1.500000e+00 : f32
      %add3A_914 = vector.broadcast %add3A_913 : f32 to vector<16xf32>
      %add3A_915 = arith.addf %add3A_914, %mul3A_912 : vector<16xf32>
      %mul3A_916 = arith.mulf %bitcast3A_907, %add3A_915 : vector<16xf32>
      %mul3A_917 = arith.mulf %mul3A_910, %mul3A_916 : vector<16xf32>
      %mul3A_918 = arith.mulf %mul3A_917, %mul3A_916 : vector<16xf32>
      %add3A_919 = arith.constant 1.500000e+00 : f32
      %add3A_920 = vector.broadcast %add3A_919 : f32 to vector<16xf32>
      %add3A_921 = arith.addf %add3A_920, %mul3A_918 : vector<16xf32>
      %mul3A_922 = arith.mulf %mul3A_916, %add3A_921 : vector<16xf32>
      %mul3A_923 = arith.mulf %mul3A_910, %mul3A_922 : vector<16xf32>
      %mul3A_924 = arith.mulf %mul3A_923, %mul3A_922 : vector<16xf32>
      %add3A_925 = arith.constant 1.500000e+00 : f32
      %add3A_926 = vector.broadcast %add3A_925 : f32 to vector<16xf32>
      %add3A_927 = arith.addf %add3A_926, %mul3A_924 : vector<16xf32>
      %mul3A_928 = arith.mulf %mul3A_922, %add3A_927 : vector<16xf32>
      %scan3A_929 = arith.constant 0 : i32
      %scan3A_930 = arith.constant 0 : i32
      %scan3A_931 = arith.constant 16 : i32
      %scan3A_932 = arith.addi %scan3A_930, %scan3A_931 : i32
      %scan3A_933 = arith.constant 1 : i32
      scf.for %scan3A_954 = %scan3A_930 to %scan3A_932 step %scan3A_933  : i32 {
        %mul3A_955 = arith.constant 4 : i32
        %mul3A_956 = arith.muli %scan3A_954, %mul3A_955 : i32
        %add3A_957 = arith.constant 0 : i32
        %add3A_958 = arith.addi %mul3A_956, %add3A_957 : i32
        %add3A_959 = vector.broadcast %add3A_958 : i32 to vector<16xi32>
        %add3A_960 = arith.addi %iota3A, %add3A_959 : vector<16xi32>
        %and3A = arith.constant 63 : i32
        %and3A_961 = vector.broadcast %and3A : i32 to vector<16xi32>
        %and3A_962 = arith.andi %add3A_960, %and3A_961 : vector<16xi32>
        %gather3A = tpu.vector_load_idx %arg12[%broadcast_in_dim3A_4, %and3A_962] : memref<2x64xf32, #tpu.memory_space<vmem>>[vector<16xi32>, vector<16xi32>], vector<16xf32>,
        %gather3A_963 = tpu.vector_load_idx %arg12[%broadcast_in_dim3A_6, %and3A_962] : memref<2x64xf32, #tpu.memory_space<vmem>>[vector<16xi32>, vector<16xi32>], vector<16xf32>,
        %gather3A_964 = tpu.vector_load_idx %arg9[%add3A_9, %and3A_962] : memref<128x64xf32, #tpu.memory_space<vmem>>[vector<16xi32>, vector<16xi32>], vector<16xf32>,
        %sub3A_965 = arith.subf %gather3A_964, %mul3A_611 : vector<16xf32>
        %mul3A_966 = arith.mulf %sub3A_965, %mul3A_648 : vector<16xf32>
        %add3A_967 = arith.addi %mul3A_36, %and3A_962 : vector<16xi32>
        %mul3A_968 = arith.mulf %mul3A_966, %gather3A : vector<16xf32>
        %add3A_969 = arith.addf %mul3A_968, %gather3A_963 : vector<16xf32>
        tpu.vector_store_idx %arg11[%add3A_967], %add3A_969 : memref<8192xf32, #tpu.memory_space<vmem>>[vector<16xi32>], vector<16xf32>,
        %gather3A_970 = tpu.vector_load_idx %arg9[%add3A_12, %and3A_962] : memref<128x64xf32, #tpu.memory_space<vmem>>[vector<16xi32>, vector<16xi32>], vector<16xf32>,
        %sub3A_971 = arith.subf %gather3A_970, %mul3A_651 : vector<16xf32>
        %mul3A_972 = arith.mulf %sub3A_971, %mul3A_688 : vector<16xf32>
        %add3A_973 = arith.addi %mul3A_42, %and3A_962 : vector<16xi32>
        %mul3A_974 = arith.mulf %mul3A_972, %gather3A : vector<16xf32>
        %add3A_975 = arith.addf %mul3A_974, %gather3A_963 : vector<16xf32>
        tpu.vector_store_idx %arg11[%add3A_973], %add3A_975 : memref<8192xf32, #tpu.memory_space<vmem>>[vector<16xi32>], vector<16xf32>,
        %gather3A_976 = tpu.vector_load_idx %arg9[%add3A_15, %and3A_962] : memref<128x64xf32, #tpu.memory_space<vmem>>[vector<16xi32>, vector<16xi32>], vector<16xf32>,
        %sub3A_977 = arith.subf %gather3A_976, %mul3A_691 : vector<16xf32>
        %mul3A_978 = arith.mulf %sub3A_977, %mul3A_728 : vector<16xf32>
        %add3A_979 = arith.addi %mul3A_48, %and3A_962 : vector<16xi32>
        %mul3A_980 = arith.mulf %mul3A_978, %gather3A : vector<16xf32>
        %add3A_981 = arith.addf %mul3A_980, %gather3A_963 : vector<16xf32>
        tpu.vector_store_idx %arg11[%add3A_979], %add3A_981 : memref<8192xf32, #tpu.memory_space<vmem>>[vector<16xi32>], vector<16xf32>,
        %gather3A_982 = tpu.vector_load_idx %arg9[%add3A_18, %and3A_962] : memref<128x64xf32, #tpu.memory_space<vmem>>[vector<16xi32>, vector<16xi32>], vector<16xf32>,
        %sub3A_983 = arith.subf %gather3A_982, %mul3A_731 : vector<16xf32>
        %mul3A_984 = arith.mulf %sub3A_983, %mul3A_768 : vector<16xf32>
        %add3A_985 = arith.addi %mul3A_54, %and3A_962 : vector<16xi32>
        %mul3A_986 = arith.mulf %mul3A_984, %gather3A : vector<16xf32>
        %add3A_987 = arith.addf %mul3A_986, %gather3A_963 : vector<16xf32>
        tpu.vector_store_idx %arg11[%add3A_985], %add3A_987 : memref<8192xf32, #tpu.memory_space<vmem>>[vector<16xi32>], vector<16xf32>,
        %gather3A_988 = tpu.vector_load_idx %arg9[%add3A_21, %and3A_962] : memref<128x64xf32, #tpu.memory_space<vmem>>[vector<16xi32>, vector<16xi32>], vector<16xf32>,
        %sub3A_989 = arith.subf %gather3A_988, %mul3A_771 : vector<16xf32>
        %mul3A_990 = arith.mulf %sub3A_989, %mul3A_808 : vector<16xf32>
        %add3A_991 = arith.addi %mul3A_60, %and3A_962 : vector<16xi32>
        %mul3A_992 = arith.mulf %mul3A_990, %gather3A : vector<16xf32>
        %add3A_993 = arith.addf %mul3A_992, %gather3A_963 : vector<16xf32>
        tpu.vector_store_idx %arg11[%add3A_991], %add3A_993 : memref<8192xf32, #tpu.memory_space<vmem>>[vector<16xi32>], vector<16xf32>,
        %gather3A_994 = tpu.vector_load_idx %arg9[%add3A_24, %and3A_962] : memref<128x64xf32, #tpu.memory_space<vmem>>[vector<16xi32>, vector<16xi32>], vector<16xf32>,
        %sub3A_995 = arith.subf %gather3A_994, %mul3A_811 : vector<16xf32>
        %mul3A_996 = arith.mulf %sub3A_995, %mul3A_848 : vector<16xf32>
        %add3A_997 = arith.addi %mul3A_66, %and3A_962 : vector<16xi32>
        %mul3A_998 = arith.mulf %mul3A_996, %gather3A : vector<16xf32>
        %add3A_999 = arith.addf %mul3A_998, %gather3A_963 : vector<16xf32>
        tpu.vector_store_idx %arg11[%add3A_997], %add3A_999 : memref<8192xf32, #tpu.memory_space<vmem>>[vector<16xi32>], vector<16xf32>,
        %gather3A_1000 = tpu.vector_load_idx %arg9[%add3A_27, %and3A_962] : memref<128x64xf32, #tpu.memory_space<vmem>>[vector<16xi32>, vector<16xi32>], vector<16xf32>,
        %sub3A_1001 = arith.subf %gather3A_1000, %mul3A_851 : vector<16xf32>
        %mul3A_1002 = arith.mulf %sub3A_1001, %mul3A_888 : vector<16xf32>
        %add3A_1003 = arith.addi %mul3A_72, %and3A_962 : vector<16xi32>
        %mul3A_1004 = arith.mulf %mul3A_1002, %gather3A : vector<16xf32>
        %add3A_1005 = arith.addf %mul3A_1004, %gather3A_963 : vector<16xf32>
        tpu.vector_store_idx %arg11[%add3A_1003], %add3A_1005 : memref<8192xf32, #tpu.memory_space<vmem>>[vector<16xi32>], vector<16xf32>,
        %gather3A_1006 = tpu.vector_load_idx %arg9[%add3A_30, %and3A_962] : memref<128x64xf32, #tpu.memory_space<vmem>>[vector<16xi32>, vector<16xi32>], vector<16xf32>,
        %sub3A_1007 = arith.subf %gather3A_1006, %mul3A_891 : vector<16xf32>
        %mul3A_1008 = arith.mulf %sub3A_1007, %mul3A_928 : vector<16xf32>
        %add3A_1009 = arith.addi %mul3A_78, %and3A_962 : vector<16xi32>
        %mul3A_1010 = arith.mulf %mul3A_1008, %gather3A : vector<16xf32>
        %add3A_1011 = arith.addf %mul3A_1010, %gather3A_963 : vector<16xf32>
        tpu.vector_store_idx %arg11[%add3A_1009], %add3A_1011 : memref<8192xf32, #tpu.memory_space<vmem>>[vector<16xi32>], vector<16xf32>,
        %mul3A_1012 = arith.constant 4 : i32
        %mul3A_1013 = arith.muli %scan3A_954, %mul3A_1012 : i32
        %add3A_1014 = arith.constant 1 : i32
        %add3A_1015 = arith.addi %mul3A_1013, %add3A_1014 : i32
        %add3A_1016 = vector.broadcast %add3A_1015 : i32 to vector<16xi32>
        %add3A_1017 = arith.addi %iota3A, %add3A_1016 : vector<16xi32>
        %and3A_1018 = arith.constant 63 : i32
        %and3A_1019 = vector.broadcast %and3A_1018 : i32 to vector<16xi32>
        %and3A_1020 = arith.andi %add3A_1017, %and3A_1019 : vector<16xi32>
        %gather3A_1021 = tpu.vector_load_idx %arg12[%broadcast_in_dim3A_4, %and3A_1020] : memref<2x64xf32, #tpu.memory_space<vmem>>[vector<16xi32>, vector<16xi32>], vector<16xf32>,
        %gather3A_1022 = tpu.vector_load_idx %arg12[%broadcast_in_dim3A_6, %and3A_1020] : memref<2x64xf32, #tpu.memory_space<vmem>>[vector<16xi32>, vector<16xi32>], vector<16xf32>,
        %gather3A_1023 = tpu.vector_load_idx %arg9[%add3A_9, %and3A_1020] : memref<128x64xf32, #tpu.memory_space<vmem>>[vector<16xi32>, vector<16xi32>], vector<16xf32>,
        %sub3A_1024 = arith.subf %gather3A_1023, %mul3A_611 : vector<16xf32>
        %mul3A_1025 = arith.mulf %sub3A_1024, %mul3A_648 : vector<16xf32>
        %add3A_1026 = arith.addi %mul3A_36, %and3A_1020 : vector<16xi32>
        %mul3A_1027 = arith.mulf %mul3A_1025, %gather3A_1021 : vector<16xf32>
        %add3A_1028 = arith.addf %mul3A_1027, %gather3A_1022 : vector<16xf32>
        tpu.vector_store_idx %arg11[%add3A_1026], %add3A_1028 : memref<8192xf32, #tpu.memory_space<vmem>>[vector<16xi32>], vector<16xf32>,
        %gather3A_1029 = tpu.vector_load_idx %arg9[%add3A_12, %and3A_1020] : memref<128x64xf32, #tpu.memory_space<vmem>>[vector<16xi32>, vector<16xi32>], vector<16xf32>,
        %sub3A_1030 = arith.subf %gather3A_1029, %mul3A_651 : vector<16xf32>
        %mul3A_1031 = arith.mulf %sub3A_1030, %mul3A_688 : vector<16xf32>
        %add3A_1032 = arith.addi %mul3A_42, %and3A_1020 : vector<16xi32>
        %mul3A_1033 = arith.mulf %mul3A_1031, %gather3A_1021 : vector<16xf32>
        %add3A_1034 = arith.addf %mul3A_1033, %gather3A_1022 : vector<16xf32>
        tpu.vector_store_idx %arg11[%add3A_1032], %add3A_1034 : memref<8192xf32, #tpu.memory_space<vmem>>[vector<16xi32>], vector<16xf32>,
        %gather3A_1035 = tpu.vector_load_idx %arg9[%add3A_15, %and3A_1020] : memref<128x64xf32, #tpu.memory_space<vmem>>[vector<16xi32>, vector<16xi32>], vector<16xf32>,
        %sub3A_1036 = arith.subf %gather3A_1035, %mul3A_691 : vector<16xf32>
        %mul3A_1037 = arith.mulf %sub3A_1036, %mul3A_728 : vector<16xf32>
        %add3A_1038 = arith.addi %mul3A_48, %and3A_1020 : vector<16xi32>
        %mul3A_1039 = arith.mulf %mul3A_1037, %gather3A_1021 : vector<16xf32>
        %add3A_1040 = arith.addf %mul3A_1039, %gather3A_1022 : vector<16xf32>
        tpu.vector_store_idx %arg11[%add3A_1038], %add3A_1040 : memref<8192xf32, #tpu.memory_space<vmem>>[vector<16xi32>], vector<16xf32>,
        %gather3A_1041 = tpu.vector_load_idx %arg9[%add3A_18, %and3A_1020] : memref<128x64xf32, #tpu.memory_space<vmem>>[vector<16xi32>, vector<16xi32>], vector<16xf32>,
        %sub3A_1042 = arith.subf %gather3A_1041, %mul3A_731 : vector<16xf32>
        %mul3A_1043 = arith.mulf %sub3A_1042, %mul3A_768 : vector<16xf32>
        %add3A_1044 = arith.addi %mul3A_54, %and3A_1020 : vector<16xi32>
        %mul3A_1045 = arith.mulf %mul3A_1043, %gather3A_1021 : vector<16xf32>
        %add3A_1046 = arith.addf %mul3A_1045, %gather3A_1022 : vector<16xf32>
        tpu.vector_store_idx %arg11[%add3A_1044], %add3A_1046 : memref<8192xf32, #tpu.memory_space<vmem>>[vector<16xi32>], vector<16xf32>,
        %gather3A_1047 = tpu.vector_load_idx %arg9[%add3A_21, %and3A_1020] : memref<128x64xf32, #tpu.memory_space<vmem>>[vector<16xi32>, vector<16xi32>], vector<16xf32>,
        %sub3A_1048 = arith.subf %gather3A_1047, %mul3A_771 : vector<16xf32>
        %mul3A_1049 = arith.mulf %sub3A_1048, %mul3A_808 : vector<16xf32>
        %add3A_1050 = arith.addi %mul3A_60, %and3A_1020 : vector<16xi32>
        %mul3A_1051 = arith.mulf %mul3A_1049, %gather3A_1021 : vector<16xf32>
        %add3A_1052 = arith.addf %mul3A_1051, %gather3A_1022 : vector<16xf32>
        tpu.vector_store_idx %arg11[%add3A_1050], %add3A_1052 : memref<8192xf32, #tpu.memory_space<vmem>>[vector<16xi32>], vector<16xf32>,
        %gather3A_1053 = tpu.vector_load_idx %arg9[%add3A_24, %and3A_1020] : memref<128x64xf32, #tpu.memory_space<vmem>>[vector<16xi32>, vector<16xi32>], vector<16xf32>,
        %sub3A_1054 = arith.subf %gather3A_1053, %mul3A_811 : vector<16xf32>
        %mul3A_1055 = arith.mulf %sub3A_1054, %mul3A_848 : vector<16xf32>
        %add3A_1056 = arith.addi %mul3A_66, %and3A_1020 : vector<16xi32>
        %mul3A_1057 = arith.mulf %mul3A_1055, %gather3A_1021 : vector<16xf32>
        %add3A_1058 = arith.addf %mul3A_1057, %gather3A_1022 : vector<16xf32>
        tpu.vector_store_idx %arg11[%add3A_1056], %add3A_1058 : memref<8192xf32, #tpu.memory_space<vmem>>[vector<16xi32>], vector<16xf32>,
        %gather3A_1059 = tpu.vector_load_idx %arg9[%add3A_27, %and3A_1020] : memref<128x64xf32, #tpu.memory_space<vmem>>[vector<16xi32>, vector<16xi32>], vector<16xf32>,
        %sub3A_1060 = arith.subf %gather3A_1059, %mul3A_851 : vector<16xf32>
        %mul3A_1061 = arith.mulf %sub3A_1060, %mul3A_888 : vector<16xf32>
        %add3A_1062 = arith.addi %mul3A_72, %and3A_1020 : vector<16xi32>
        %mul3A_1063 = arith.mulf %mul3A_1061, %gather3A_1021 : vector<16xf32>
        %add3A_1064 = arith.addf %mul3A_1063, %gather3A_1022 : vector<16xf32>
        tpu.vector_store_idx %arg11[%add3A_1062], %add3A_1064 : memref<8192xf32, #tpu.memory_space<vmem>>[vector<16xi32>], vector<16xf32>,
        %gather3A_1065 = tpu.vector_load_idx %arg9[%add3A_30, %and3A_1020] : memref<128x64xf32, #tpu.memory_space<vmem>>[vector<16xi32>, vector<16xi32>], vector<16xf32>,
        %sub3A_1066 = arith.subf %gather3A_1065, %mul3A_891 : vector<16xf32>
        %mul3A_1067 = arith.mulf %sub3A_1066, %mul3A_928 : vector<16xf32>
        %add3A_1068 = arith.addi %mul3A_78, %and3A_1020 : vector<16xi32>
        %mul3A_1069 = arith.mulf %mul3A_1067, %gather3A_1021 : vector<16xf32>
        %add3A_1070 = arith.addf %mul3A_1069, %gather3A_1022 : vector<16xf32>
        tpu.vector_store_idx %arg11[%add3A_1068], %add3A_1070 : memref<8192xf32, #tpu.memory_space<vmem>>[vector<16xi32>], vector<16xf32>,
        %mul3A_1071 = arith.constant 4 : i32
        %mul3A_1072 = arith.muli %scan3A_954, %mul3A_1071 : i32
        %add3A_1073 = arith.constant 2 : i32
        %add3A_1074 = arith.addi %mul3A_1072, %add3A_1073 : i32
        %add3A_1075 = vector.broadcast %add3A_1074 : i32 to vector<16xi32>
        %add3A_1076 = arith.addi %iota3A, %add3A_1075 : vector<16xi32>
        %and3A_1077 = arith.constant 63 : i32
        %and3A_1078 = vector.broadcast %and3A_1077 : i32 to vector<16xi32>
        %and3A_1079 = arith.andi %add3A_1076, %and3A_1078 : vector<16xi32>
        %gather3A_1080 = tpu.vector_load_idx %arg12[%broadcast_in_dim3A_4, %and3A_1079] : memref<2x64xf32, #tpu.memory_space<vmem>>[vector<16xi32>, vector<16xi32>], vector<16xf32>,
        %gather3A_1081 = tpu.vector_load_idx %arg12[%broadcast_in_dim3A_6, %and3A_1079] : memref<2x64xf32, #tpu.memory_space<vmem>>[vector<16xi32>, vector<16xi32>], vector<16xf32>,
        %gather3A_1082 = tpu.vector_load_idx %arg9[%add3A_9, %and3A_1079] : memref<128x64xf32, #tpu.memory_space<vmem>>[vector<16xi32>, vector<16xi32>], vector<16xf32>,
        %sub3A_1083 = arith.subf %gather3A_1082, %mul3A_611 : vector<16xf32>
        %mul3A_1084 = arith.mulf %sub3A_1083, %mul3A_648 : vector<16xf32>
        %add3A_1085 = arith.addi %mul3A_36, %and3A_1079 : vector<16xi32>
        %mul3A_1086 = arith.mulf %mul3A_1084, %gather3A_1080 : vector<16xf32>
        %add3A_1087 = arith.addf %mul3A_1086, %gather3A_1081 : vector<16xf32>
        tpu.vector_store_idx %arg11[%add3A_1085], %add3A_1087 : memref<8192xf32, #tpu.memory_space<vmem>>[vector<16xi32>], vector<16xf32>,
        %gather3A_1088 = tpu.vector_load_idx %arg9[%add3A_12, %and3A_1079] : memref<128x64xf32, #tpu.memory_space<vmem>>[vector<16xi32>, vector<16xi32>], vector<16xf32>,
        %sub3A_1089 = arith.subf %gather3A_1088, %mul3A_651 : vector<16xf32>
        %mul3A_1090 = arith.mulf %sub3A_1089, %mul3A_688 : vector<16xf32>
        %add3A_1091 = arith.addi %mul3A_42, %and3A_1079 : vector<16xi32>
        %mul3A_1092 = arith.mulf %mul3A_1090, %gather3A_1080 : vector<16xf32>
        %add3A_1093 = arith.addf %mul3A_1092, %gather3A_1081 : vector<16xf32>
        tpu.vector_store_idx %arg11[%add3A_1091], %add3A_1093 : memref<8192xf32, #tpu.memory_space<vmem>>[vector<16xi32>], vector<16xf32>,
        %gather3A_1094 = tpu.vector_load_idx %arg9[%add3A_15, %and3A_1079] : memref<128x64xf32, #tpu.memory_space<vmem>>[vector<16xi32>, vector<16xi32>], vector<16xf32>,
        %sub3A_1095 = arith.subf %gather3A_1094, %mul3A_691 : vector<16xf32>
        %mul3A_1096 = arith.mulf %sub3A_1095, %mul3A_728 : vector<16xf32>
        %add3A_1097 = arith.addi %mul3A_48, %and3A_1079 : vector<16xi32>
        %mul3A_1098 = arith.mulf %mul3A_1096, %gather3A_1080 : vector<16xf32>
        %add3A_1099 = arith.addf %mul3A_1098, %gather3A_1081 : vector<16xf32>
        tpu.vector_store_idx %arg11[%add3A_1097], %add3A_1099 : memref<8192xf32, #tpu.memory_space<vmem>>[vector<16xi32>], vector<16xf32>,
        %gather3A_1100 = tpu.vector_load_idx %arg9[%add3A_18, %and3A_1079] : memref<128x64xf32, #tpu.memory_space<vmem>>[vector<16xi32>, vector<16xi32>], vector<16xf32>,
        %sub3A_1101 = arith.subf %gather3A_1100, %mul3A_731 : vector<16xf32>
        %mul3A_1102 = arith.mulf %sub3A_1101, %mul3A_768 : vector<16xf32>
        %add3A_1103 = arith.addi %mul3A_54, %and3A_1079 : vector<16xi32>
        %mul3A_1104 = arith.mulf %mul3A_1102, %gather3A_1080 : vector<16xf32>
        %add3A_1105 = arith.addf %mul3A_1104, %gather3A_1081 : vector<16xf32>
        tpu.vector_store_idx %arg11[%add3A_1103], %add3A_1105 : memref<8192xf32, #tpu.memory_space<vmem>>[vector<16xi32>], vector<16xf32>,
        %gather3A_1106 = tpu.vector_load_idx %arg9[%add3A_21, %and3A_1079] : memref<128x64xf32, #tpu.memory_space<vmem>>[vector<16xi32>, vector<16xi32>], vector<16xf32>,
        %sub3A_1107 = arith.subf %gather3A_1106, %mul3A_771 : vector<16xf32>
        %mul3A_1108 = arith.mulf %sub3A_1107, %mul3A_808 : vector<16xf32>
        %add3A_1109 = arith.addi %mul3A_60, %and3A_1079 : vector<16xi32>
        %mul3A_1110 = arith.mulf %mul3A_1108, %gather3A_1080 : vector<16xf32>
        %add3A_1111 = arith.addf %mul3A_1110, %gather3A_1081 : vector<16xf32>
        tpu.vector_store_idx %arg11[%add3A_1109], %add3A_1111 : memref<8192xf32, #tpu.memory_space<vmem>>[vector<16xi32>], vector<16xf32>,
        %gather3A_1112 = tpu.vector_load_idx %arg9[%add3A_24, %and3A_1079] : memref<128x64xf32, #tpu.memory_space<vmem>>[vector<16xi32>, vector<16xi32>], vector<16xf32>,
        %sub3A_1113 = arith.subf %gather3A_1112, %mul3A_811 : vector<16xf32>
        %mul3A_1114 = arith.mulf %sub3A_1113, %mul3A_848 : vector<16xf32>
        %add3A_1115 = arith.addi %mul3A_66, %and3A_1079 : vector<16xi32>
        %mul3A_1116 = arith.mulf %mul3A_1114, %gather3A_1080 : vector<16xf32>
        %add3A_1117 = arith.addf %mul3A_1116, %gather3A_1081 : vector<16xf32>
        tpu.vector_store_idx %arg11[%add3A_1115], %add3A_1117 : memref<8192xf32, #tpu.memory_space<vmem>>[vector<16xi32>], vector<16xf32>,
        %gather3A_1118 = tpu.vector_load_idx %arg9[%add3A_27, %and3A_1079] : memref<128x64xf32, #tpu.memory_space<vmem>>[vector<16xi32>, vector<16xi32>], vector<16xf32>,
        %sub3A_1119 = arith.subf %gather3A_1118, %mul3A_851 : vector<16xf32>
        %mul3A_1120 = arith.mulf %sub3A_1119, %mul3A_888 : vector<16xf32>
        %add3A_1121 = arith.addi %mul3A_72, %and3A_1079 : vector<16xi32>
        %mul3A_1122 = arith.mulf %mul3A_1120, %gather3A_1080 : vector<16xf32>
        %add3A_1123 = arith.addf %mul3A_1122, %gather3A_1081 : vector<16xf32>
        tpu.vector_store_idx %arg11[%add3A_1121], %add3A_1123 : memref<8192xf32, #tpu.memory_space<vmem>>[vector<16xi32>], vector<16xf32>,
        %gather3A_1124 = tpu.vector_load_idx %arg9[%add3A_30, %and3A_1079] : memref<128x64xf32, #tpu.memory_space<vmem>>[vector<16xi32>, vector<16xi32>], vector<16xf32>,
        %sub3A_1125 = arith.subf %gather3A_1124, %mul3A_891 : vector<16xf32>
        %mul3A_1126 = arith.mulf %sub3A_1125, %mul3A_928 : vector<16xf32>
        %add3A_1127 = arith.addi %mul3A_78, %and3A_1079 : vector<16xi32>
        %mul3A_1128 = arith.mulf %mul3A_1126, %gather3A_1080 : vector<16xf32>
        %add3A_1129 = arith.addf %mul3A_1128, %gather3A_1081 : vector<16xf32>
        tpu.vector_store_idx %arg11[%add3A_1127], %add3A_1129 : memref<8192xf32, #tpu.memory_space<vmem>>[vector<16xi32>], vector<16xf32>,
        %mul3A_1130 = arith.constant 4 : i32
        %mul3A_1131 = arith.muli %scan3A_954, %mul3A_1130 : i32
        %add3A_1132 = arith.constant 3 : i32
        %add3A_1133 = arith.addi %mul3A_1131, %add3A_1132 : i32
        %add3A_1134 = vector.broadcast %add3A_1133 : i32 to vector<16xi32>
        %add3A_1135 = arith.addi %iota3A, %add3A_1134 : vector<16xi32>
        %and3A_1136 = arith.constant 63 : i32
        %and3A_1137 = vector.broadcast %and3A_1136 : i32 to vector<16xi32>
        %and3A_1138 = arith.andi %add3A_1135, %and3A_1137 : vector<16xi32>
        %gather3A_1139 = tpu.vector_load_idx %arg12[%broadcast_in_dim3A_4, %and3A_1138] : memref<2x64xf32, #tpu.memory_space<vmem>>[vector<16xi32>, vector<16xi32>], vector<16xf32>,
        %gather3A_1140 = tpu.vector_load_idx %arg12[%broadcast_in_dim3A_6, %and3A_1138] : memref<2x64xf32, #tpu.memory_space<vmem>>[vector<16xi32>, vector<16xi32>], vector<16xf32>,
        %gather3A_1141 = tpu.vector_load_idx %arg9[%add3A_9, %and3A_1138] : memref<128x64xf32, #tpu.memory_space<vmem>>[vector<16xi32>, vector<16xi32>], vector<16xf32>,
        %sub3A_1142 = arith.subf %gather3A_1141, %mul3A_611 : vector<16xf32>
        %mul3A_1143 = arith.mulf %sub3A_1142, %mul3A_648 : vector<16xf32>
        %add3A_1144 = arith.addi %mul3A_36, %and3A_1138 : vector<16xi32>
        %mul3A_1145 = arith.mulf %mul3A_1143, %gather3A_1139 : vector<16xf32>
        %add3A_1146 = arith.addf %mul3A_1145, %gather3A_1140 : vector<16xf32>
        tpu.vector_store_idx %arg11[%add3A_1144], %add3A_1146 : memref<8192xf32, #tpu.memory_space<vmem>>[vector<16xi32>], vector<16xf32>,
        %gather3A_1147 = tpu.vector_load_idx %arg9[%add3A_12, %and3A_1138] : memref<128x64xf32, #tpu.memory_space<vmem>>[vector<16xi32>, vector<16xi32>], vector<16xf32>,
        %sub3A_1148 = arith.subf %gather3A_1147, %mul3A_651 : vector<16xf32>
        %mul3A_1149 = arith.mulf %sub3A_1148, %mul3A_688 : vector<16xf32>
        %add3A_1150 = arith.addi %mul3A_42, %and3A_1138 : vector<16xi32>
        %mul3A_1151 = arith.mulf %mul3A_1149, %gather3A_1139 : vector<16xf32>
        %add3A_1152 = arith.addf %mul3A_1151, %gather3A_1140 : vector<16xf32>
        tpu.vector_store_idx %arg11[%add3A_1150], %add3A_1152 : memref<8192xf32, #tpu.memory_space<vmem>>[vector<16xi32>], vector<16xf32>,
        %gather3A_1153 = tpu.vector_load_idx %arg9[%add3A_15, %and3A_1138] : memref<128x64xf32, #tpu.memory_space<vmem>>[vector<16xi32>, vector<16xi32>], vector<16xf32>,
        %sub3A_1154 = arith.subf %gather3A_1153, %mul3A_691 : vector<16xf32>
        %mul3A_1155 = arith.mulf %sub3A_1154, %mul3A_728 : vector<16xf32>
        %add3A_1156 = arith.addi %mul3A_48, %and3A_1138 : vector<16xi32>
        %mul3A_1157 = arith.mulf %mul3A_1155, %gather3A_1139 : vector<16xf32>
        %add3A_1158 = arith.addf %mul3A_1157, %gather3A_1140 : vector<16xf32>
        tpu.vector_store_idx %arg11[%add3A_1156], %add3A_1158 : memref<8192xf32, #tpu.memory_space<vmem>>[vector<16xi32>], vector<16xf32>,
        %gather3A_1159 = tpu.vector_load_idx %arg9[%add3A_18, %and3A_1138] : memref<128x64xf32, #tpu.memory_space<vmem>>[vector<16xi32>, vector<16xi32>], vector<16xf32>,
        %sub3A_1160 = arith.subf %gather3A_1159, %mul3A_731 : vector<16xf32>
        %mul3A_1161 = arith.mulf %sub3A_1160, %mul3A_768 : vector<16xf32>
        %add3A_1162 = arith.addi %mul3A_54, %and3A_1138 : vector<16xi32>
        %mul3A_1163 = arith.mulf %mul3A_1161, %gather3A_1139 : vector<16xf32>
        %add3A_1164 = arith.addf %mul3A_1163, %gather3A_1140 : vector<16xf32>
        tpu.vector_store_idx %arg11[%add3A_1162], %add3A_1164 : memref<8192xf32, #tpu.memory_space<vmem>>[vector<16xi32>], vector<16xf32>,
        %gather3A_1165 = tpu.vector_load_idx %arg9[%add3A_21, %and3A_1138] : memref<128x64xf32, #tpu.memory_space<vmem>>[vector<16xi32>, vector<16xi32>], vector<16xf32>,
        %sub3A_1166 = arith.subf %gather3A_1165, %mul3A_771 : vector<16xf32>
        %mul3A_1167 = arith.mulf %sub3A_1166, %mul3A_808 : vector<16xf32>
        %add3A_1168 = arith.addi %mul3A_60, %and3A_1138 : vector<16xi32>
        %mul3A_1169 = arith.mulf %mul3A_1167, %gather3A_1139 : vector<16xf32>
        %add3A_1170 = arith.addf %mul3A_1169, %gather3A_1140 : vector<16xf32>
        tpu.vector_store_idx %arg11[%add3A_1168], %add3A_1170 : memref<8192xf32, #tpu.memory_space<vmem>>[vector<16xi32>], vector<16xf32>,
        %gather3A_1171 = tpu.vector_load_idx %arg9[%add3A_24, %and3A_1138] : memref<128x64xf32, #tpu.memory_space<vmem>>[vector<16xi32>, vector<16xi32>], vector<16xf32>,
        %sub3A_1172 = arith.subf %gather3A_1171, %mul3A_811 : vector<16xf32>
        %mul3A_1173 = arith.mulf %sub3A_1172, %mul3A_848 : vector<16xf32>
        %add3A_1174 = arith.addi %mul3A_66, %and3A_1138 : vector<16xi32>
        %mul3A_1175 = arith.mulf %mul3A_1173, %gather3A_1139 : vector<16xf32>
        %add3A_1176 = arith.addf %mul3A_1175, %gather3A_1140 : vector<16xf32>
        tpu.vector_store_idx %arg11[%add3A_1174], %add3A_1176 : memref<8192xf32, #tpu.memory_space<vmem>>[vector<16xi32>], vector<16xf32>,
        %gather3A_1177 = tpu.vector_load_idx %arg9[%add3A_27, %and3A_1138] : memref<128x64xf32, #tpu.memory_space<vmem>>[vector<16xi32>, vector<16xi32>], vector<16xf32>,
        %sub3A_1178 = arith.subf %gather3A_1177, %mul3A_851 : vector<16xf32>
        %mul3A_1179 = arith.mulf %sub3A_1178, %mul3A_888 : vector<16xf32>
        %add3A_1180 = arith.addi %mul3A_72, %and3A_1138 : vector<16xi32>
        %mul3A_1181 = arith.mulf %mul3A_1179, %gather3A_1139 : vector<16xf32>
        %add3A_1182 = arith.addf %mul3A_1181, %gather3A_1140 : vector<16xf32>
        tpu.vector_store_idx %arg11[%add3A_1180], %add3A_1182 : memref<8192xf32, #tpu.memory_space<vmem>>[vector<16xi32>], vector<16xf32>,
        %gather3A_1183 = tpu.vector_load_idx %arg9[%add3A_30, %and3A_1138] : memref<128x64xf32, #tpu.memory_space<vmem>>[vector<16xi32>, vector<16xi32>], vector<16xf32>,
        %sub3A_1184 = arith.subf %gather3A_1183, %mul3A_891 : vector<16xf32>
        %mul3A_1185 = arith.mulf %sub3A_1184, %mul3A_928 : vector<16xf32>
        %add3A_1186 = arith.addi %mul3A_78, %and3A_1138 : vector<16xi32>
        %mul3A_1187 = arith.mulf %mul3A_1185, %gather3A_1139 : vector<16xf32>
        %add3A_1188 = arith.addf %mul3A_1187, %gather3A_1140 : vector<16xf32>
        tpu.vector_store_idx %arg11[%add3A_1186], %add3A_1188 : memref<8192xf32, #tpu.memory_space<vmem>>[vector<16xi32>], vector<16xf32>,
      }
      %scan3A_934 = arith.constant 16 : i32
      %add3A_935 = arith.constant 2 : i32
      %add3A_936 = arith.addi %add3A_556, %add3A_935 : i32
      %lt3A_937 = arith.constant 50 : i32
      %lt3A_938 = arith.cmpi slt, %add3A_936, %lt3A_937 : i32
      %convert_element_type3A_939 = arith.extui %lt3A_938 : i1 to i32
      %cond3A_940 = arith.constant 0 : i32
      %cond3A_941 = arith.cmpi ne, %convert_element_type3A_939, %cond3A_940 : i32
      scf.if %cond3A_941 {
        %add3A_954 = arith.constant 2 : i32
        %add3A_955 = arith.addi %add3A_556, %add3A_954 : i32
        %mul3A_956 = arith.constant 128 : i32
        %mul3A_957 = arith.muli %add3A_955, %mul3A_956 : i32
        %add3A_958 = arith.constant 0 : i32
        %add3A_959 = arith.addi %mul3A_957, %add3A_958 : i32
        %mul3A_960 = arith.constant 128 : i32
        %mul3A_961 = arith.muli %add3A_955, %mul3A_960 : i32
        %add3A_962 = arith.constant 32 : i32
        %add3A_963 = arith.addi %mul3A_961, %add3A_962 : i32
        %mul3A_964 = arith.constant 128 : i32
        %mul3A_965 = arith.muli %add3A_955, %mul3A_964 : i32
        %add3A_966 = arith.constant 64 : i32
        %add3A_967 = arith.addi %mul3A_965, %add3A_966 : i32
        %mul3A_968 = arith.constant 128 : i32
        %mul3A_969 = arith.muli %add3A_955, %mul3A_968 : i32
        %add3A_970 = arith.constant 96 : i32
        %add3A_971 = arith.addi %mul3A_969, %add3A_970 : i32
        %dma_start3A_972 = arith.constant 0 : i32
        %dma_start3A_973 = arith.constant 0 : i32
        %dma_start3A_974 = tpu.memref_slice %arg9[%dma_start3A_972, %dma_start3A_973] : memref<128x64xf32, #tpu.memory_space<vmem>> -> memref<32x64xf32, #tpu.memory_space<vmem>>
        %dma_start3A_975 = tpu.memref_slice %arg7[%add3A_959] : memref<6400xi32, #tpu.memory_space<vmem>> -> memref<32xi32, #tpu.memory_space<vmem>>
        %dma_start3A_976 = arith.constant 0 : i32
        %dma_start3A_977 = arith.constant 0 : i32
        %dma_start3A_978 = tpu.memref_slice %arg2[%dma_start3A_976, %dma_start3A_977] : memref<1000000x64xf32, #tpu.memory_space<hbm>> -> memref<1000000x64xf32, #tpu.memory_space<hbm>>
        tpu.enqueue_indirect_dma source(%dma_start3A_978 : memref<1000000x64xf32, #tpu.memory_space<hbm>>) target(%dma_start3A_974 : memref<32x64xf32, #tpu.memory_space<vmem>>) offsets(%dma_start3A_975 : memref<32xi32, #tpu.memory_space<vmem>>) semaphore(%arg14 : memref<!tpu.dma_semaphore, #tpu.memory_space<semaphore_mem>>)
        %dma_start3A_979 = arith.constant 32 : i32
        %dma_start3A_980 = arith.constant 0 : i32
        %dma_start3A_981 = tpu.memref_slice %arg9[%dma_start3A_979, %dma_start3A_980] : memref<128x64xf32, #tpu.memory_space<vmem>> -> memref<32x64xf32, #tpu.memory_space<vmem>>
        %dma_start3A_982 = tpu.memref_slice %arg7[%add3A_963] : memref<6400xi32, #tpu.memory_space<vmem>> -> memref<32xi32, #tpu.memory_space<vmem>>
        %dma_start3A_983 = arith.constant 0 : i32
        %dma_start3A_984 = arith.constant 0 : i32
        %dma_start3A_985 = tpu.memref_slice %arg2[%dma_start3A_983, %dma_start3A_984] : memref<1000000x64xf32, #tpu.memory_space<hbm>> -> memref<1000000x64xf32, #tpu.memory_space<hbm>>
        tpu.enqueue_indirect_dma source(%dma_start3A_985 : memref<1000000x64xf32, #tpu.memory_space<hbm>>) target(%dma_start3A_981 : memref<32x64xf32, #tpu.memory_space<vmem>>) offsets(%dma_start3A_982 : memref<32xi32, #tpu.memory_space<vmem>>) semaphore(%arg14 : memref<!tpu.dma_semaphore, #tpu.memory_space<semaphore_mem>>)
        %dma_start3A_986 = arith.constant 64 : i32
        %dma_start3A_987 = arith.constant 0 : i32
        %dma_start3A_988 = tpu.memref_slice %arg9[%dma_start3A_986, %dma_start3A_987] : memref<128x64xf32, #tpu.memory_space<vmem>> -> memref<32x64xf32, #tpu.memory_space<vmem>>
        %dma_start3A_989 = tpu.memref_slice %arg7[%add3A_967] : memref<6400xi32, #tpu.memory_space<vmem>> -> memref<32xi32, #tpu.memory_space<vmem>>
        %dma_start3A_990 = arith.constant 0 : i32
        %dma_start3A_991 = arith.constant 0 : i32
        %dma_start3A_992 = tpu.memref_slice %arg2[%dma_start3A_990, %dma_start3A_991] : memref<1000000x64xf32, #tpu.memory_space<hbm>> -> memref<1000000x64xf32, #tpu.memory_space<hbm>>
        tpu.enqueue_indirect_dma source(%dma_start3A_992 : memref<1000000x64xf32, #tpu.memory_space<hbm>>) target(%dma_start3A_988 : memref<32x64xf32, #tpu.memory_space<vmem>>) offsets(%dma_start3A_989 : memref<32xi32, #tpu.memory_space<vmem>>) semaphore(%arg14 : memref<!tpu.dma_semaphore, #tpu.memory_space<semaphore_mem>>)
        %dma_start3A_993 = arith.constant 96 : i32
        %dma_start3A_994 = arith.constant 0 : i32
        %dma_start3A_995 = tpu.memref_slice %arg9[%dma_start3A_993, %dma_start3A_994] : memref<128x64xf32, #tpu.memory_space<vmem>> -> memref<32x64xf32, #tpu.memory_space<vmem>>
        %dma_start3A_996 = tpu.memref_slice %arg7[%add3A_971] : memref<6400xi32, #tpu.memory_space<vmem>> -> memref<32xi32, #tpu.memory_space<vmem>>
        %dma_start3A_997 = arith.constant 0 : i32
        %dma_start3A_998 = arith.constant 0 : i32
        %dma_start3A_999 = tpu.memref_slice %arg2[%dma_start3A_997, %dma_start3A_998] : memref<1000000x64xf32, #tpu.memory_space<hbm>> -> memref<1000000x64xf32, #tpu.memory_space<hbm>>
        tpu.enqueue_indirect_dma source(%dma_start3A_999 : memref<1000000x64xf32, #tpu.memory_space<hbm>>) target(%dma_start3A_995 : memref<32x64xf32, #tpu.memory_space<vmem>>) offsets(%dma_start3A_996 : memref<32xi32, #tpu.memory_space<vmem>>) semaphore(%arg14 : memref<!tpu.dma_semaphore, #tpu.memory_space<semaphore_mem>>)
      } else {
      }
      %ge3A_942 = arith.constant 2 : i32
      %ge3A_943 = arith.cmpi sge, %add3A_556, %ge3A_942 : i32
      %convert_element_type3A_944 = arith.extui %ge3A_943 : i1 to i32
      %cond3A_945 = arith.constant 0 : i32
      %cond3A_946 = arith.cmpi ne, %convert_element_type3A_944, %cond3A_945 : i32
      scf.if %cond3A_946 {
        %sub3A_954 = arith.constant 2 : i32
        %sub3A_955 = arith.subi %add3A_556, %sub3A_954 : i32
        %mul3A_956 = arith.constant 128 : i32
        %mul3A_957 = arith.muli %sub3A_955, %mul3A_956 : i32
        %add3A_958 = arith.addi %mul3A_2, %mul3A_957 : i32
        %mul3A_959 = arith.constant 64 : i32
        %mul3A_960 = arith.muli %add3A_958, %mul3A_959 : i32
        %dma_wait3A_961 = tpu.memref_slice %arg6[%mul3A_960] : memref<13107200xf32, #tpu.memory_space<hbm>> -> memref<8192xf32, #tpu.memory_space<hbm>>
        %dma_wait3A_962 = tpu.memref_slice %arg6[%mul3A_960] : memref<13107200xf32, #tpu.memory_space<hbm>> -> memref<8192xf32, #tpu.memory_space<hbm>>
        tpu.wait_dma2 semaphore(%arg16 : memref<!tpu.dma_semaphore, #tpu.memory_space<semaphore_mem>>) src(%arg11 : memref<8192xf32, #tpu.memory_space<vmem>>) dst(%dma_wait3A_962 : memref<8192xf32, #tpu.memory_space<hbm>>)
      } else {
      }
      %mul3A_947 = arith.constant 128 : i32
      %mul3A_948 = arith.muli %add3A_556, %mul3A_947 : i32
      %add3A_949 = arith.addi %mul3A_2, %mul3A_948 : i32
      %mul3A_950 = arith.constant 64 : i32
      %mul3A_951 = arith.muli %add3A_949, %mul3A_950 : i32
      %dma_start3A_952 = tpu.memref_slice %arg6[%mul3A_951] : memref<13107200xf32, #tpu.memory_space<hbm>> -> memref<8192xf32, #tpu.memory_space<hbm>>
      %dma_start3A_953 = tpu.memref_slice %arg6[%mul3A_951] : memref<13107200xf32, #tpu.memory_space<hbm>> -> memref<8192xf32, #tpu.memory_space<hbm>>
      tpu.enqueue_dma source(%arg11 : memref<8192xf32, #tpu.memory_space<vmem>>) target(%dma_start3A_953 : memref<8192xf32, #tpu.memory_space<hbm>>) target_semaphore(%arg16 : memref<!tpu.dma_semaphore, #tpu.memory_space<semaphore_mem>>)
    }
    %scan3A_146 = arith.constant 25 : i32
    %add3A_147 = arith.constant 6144 : i32
    %add3A_148 = arith.addi %mul3A_2, %add3A_147 : i32
    %mul3A_149 = arith.constant 64 : i32
    %mul3A_150 = arith.muli %add3A_148, %mul3A_149 : i32
    %dma_wait3A = tpu.memref_slice %arg6[%mul3A_150] : memref<13107200xf32, #tpu.memory_space<hbm>> -> memref<8192xf32, #tpu.memory_space<hbm>>
    %dma_wait3A_151 = tpu.memref_slice %arg6[%mul3A_150] : memref<13107200xf32, #tpu.memory_space<hbm>> -> memref<8192xf32, #tpu.memory_space<hbm>>
    tpu.wait_dma2 semaphore(%arg15 : memref<!tpu.dma_semaphore, #tpu.memory_space<semaphore_mem>>) src(%arg10 : memref<8192xf32, #tpu.memory_space<vmem>>) dst(%dma_wait3A_151 : memref<8192xf32, #tpu.memory_space<hbm>>)
    %add3A_152 = arith.constant 6272 : i32
    %add3A_153 = arith.addi %mul3A_2, %add3A_152 : i32
    %mul3A_154 = arith.constant 64 : i32
    %mul3A_155 = arith.muli %add3A_153, %mul3A_154 : i32
    %dma_wait3A_156 = tpu.memref_slice %arg6[%mul3A_155] : memref<13107200xf32, #tpu.memory_space<hbm>> -> memref<8192xf32, #tpu.memory_space<hbm>>
    %dma_wait3A_157 = tpu.memref_slice %arg6[%mul3A_155] : memref<13107200xf32, #tpu.memory_space<hbm>> -> memref<8192xf32, #tpu.memory_space<hbm>>
    tpu.wait_dma2 semaphore(%arg16 : memref<!tpu.dma_semaphore, #tpu.memory_space<semaphore_mem>>) src(%arg11 : memref<8192xf32, #tpu.memory_space<vmem>>) dst(%dma_wait3A_157 : memref<8192xf32, #tpu.memory_space<hbm>>)
    return
  }
}

</mosaic_0001>

<sc_bundles>
// kernel: kernel.3.cloned.1.call-start
scs
__scs_entry_jumppad:
0x0: {  	(pc) =	sbr.rel $0x88, $3  }
0x1: {  	(tag) =	ssettag $0x0;
	lr =	simm.s32 $0x1  }
0x2: {  	[smem:$0x3F9D] =	sst lr;
	_ =	strace $0xD0000000  }
0x3: {  	_ = 	snop  }
0x4: {  	_ = 	snop  }
0x5: {  	_ = 	snop  }
0x6: {  	_ = 	snop  }
0x7: {  	_ = 	snop  }
__scs_overlays_trampoline_lowered:
0x8: {  	[smem:$0x3FAC] =	sst s0  }
0x9: {  	[smem:$0x3FAD] =	sst s1  }
0xa: {  	[smem:$0x3FAE] =	sst s2  }
0xb: {  	[smem:$0x3FAF] =	sst s3  }
0xc: {  	[smem:$0x3FB0] =	sst s4  }
0xd: {  	[smem:$0x3FB1] =	sst s5  }
0xe: {  	[smem:$0x3FB2] =	sst s6  }
0xf: {  	[smem:$0x3FB3] =	sst s7  }
0x10: {  	[smem:$0x3FB4] =	sst s8  }
0x11: {  	[smem:$0x3FB5] =	sst s9;
	s0 =	simm.s32 @!p0 $0x0  }
0x12: {  	s1 =	sld [smem:$0x3F9B];
	s0 =	simm.s32 @p0 $0x1  }
0x13: {  	[smem:$0x3FB6] =	sst s0;
	s0 =	simm.s32 @!p1 $0x0  }
0x14: {  	s2 =	sld [smem:$0x3F9A];
	s0 =	simm.s32 @p1 $0x1  }
0x15: {  	[smem:$0x3FB7] =	sst s0;
	s0 =	simm.s32 @!p2 $0x0  }
0x16: {  	s3 =	sld [smem:$0x3FDB];
	s0 =	simm.s32 @p2 $0x1  }
0x17: {  	s4 =	simm.s32 $0x1BF5;
	[smem:$0x3FB9] =	sst s0  }
0x18: {  	s0 =	sld [smem:$0x3F9C];
	_ =	swait.ge [sflag:s4], $0x0  }
0x19: {  	s7 =	sld [smem:$0x3F9D]  }
0x1a: {  	s8 =	sadd.s32 $0xFFFFE003, lr  }
0x1b: {  	s9 =	sadd.s32 $0xFFFFFEF7, lr;
	s5 =	simm.s32 $0xFFFFFFFF;
	p2 =	slt.u32 s8, $0xFFFFF086  }
0x1c: {  	p1 =	slt.u32 s9, $0xF7A;
	s5 =	simm.s32 @!p2 $0x0  }
0x1d: {  	s5 =	simm.s32 @p1 $0x1;
	p0 =	seq.s32 s7, s2  }
0x1e: {  	s7 =	smul.u32 @!p0 $0xF7A, s2;
	p2 =	seq.s32 @!p0 s5, $0x0  }
0x1f: {  	s9 =	smul.u32 $0xF7A, s1;
	s8 =	simm.s32 @!p0 $0x1BF5;
	p2 =	por !p2, p0  }
0x20: {  	[sflag:s8] =	ssyncset.s32 @!p0 $0xFFFFF086;
	s6 =	sadd.s32 @!p0 s3, s7;
	s7 =	simm.s32 @!p0 $0x108  }
0x21: {  	s3 =	sadd.s32 s3, s9;
	s6 =	sadd.s32 @!p0 $0x88, s6;
	s7 =	simm.s32 @p2 $0x1082  }
0x22: {  	[simem:s7], [sflag:s8] =	dma.local @!p0 [hbm:s6], $0xF7A  }
0x23: {  	s9 =	sor.u32 $0xD0000000, s2;
	s6 =	simm.s32 $0x108;
	_ =	swait.ge @!p0 [sflag:s8], $0x0  }
0x24: {  	s3 =	sadd.s32 $0x88, s3;
	s6 =	simm.s32 @!p1 $0x1082;
	[sflag:s4] =	ssyncset.s32 $0xFFFFF086  }
0x25: {  	[simem:s6], [sflag:s4] =	dma.local [hbm:s3], $0xF7A  }
0x26: {  	[smem:$0x3F9D] =	sst s1;
	(tag) =	ssettag s2;
	_ =	strace s9  }
0x27: {  	s1 =	sld [smem:$0x3FAD]  }
0x28: {  	s2 =	sld [smem:$0x3FAE]  }
0x29: {  	s4 =	sld [smem:$0x3FB0]  }
0x2a: {  	p0 =	seq.s32 s5, $0x0;
	s5 =	sld [smem:$0x3FB1]  }
0x2b: {  	s6 =	sld [smem:$0x3FB2]  }
0x2c: {  	s7 =	sld [smem:$0x3FB3]  }
0x2d: {  	s3 =	simm.s32 $0x108;
	s8 =	sld [smem:$0x3FB4]  }
0x2e: {  	s3 =	simm.s32 @!p0 $0x1082;
	s9 =	sld [smem:$0x3FB5]  }
0x2f: {  	lr =	sadd.s32 s0, s3;
	s0 =	sld [smem:$0x3FAC]  }
0x30: {  	s3 =	sld [smem:$0x3FAF]  }
0x31: {  	[smem:$0x3FB8] =	sst s10  }
0x32: {  	s10 =	sld [smem:$0x3FB6];
	_ =	sdelay $0x3  }
0x33: {  	p0 =	seq.s32 s10, $0x1;
	s10 =	sld [smem:$0x3FB8];
	_ =	sdelay $0x3  }
0x34: {  	[smem:$0x3FB8] =	sst s10  }
0x35: {  	s10 =	sld [smem:$0x3FB7];
	_ =	sdelay $0x3  }
0x36: {  	p1 =	seq.s32 s10, $0x1;
	s10 =	sld [smem:$0x3FB8];
	_ =	sdelay $0x3  }
0x37: {  	[smem:$0x3FB8] =	sst s10  }
0x38: {  	s10 =	sld [smem:$0x3FB9]  }
0x39: {  	_ = 	snop;
	(pc) =	sbr.ind lr, $3  }
0x3a: {  	_ = 	snop  }
0x3b: {  	_ = 	snop  }
0x3c: {  	p2 =	seq.s32 s10, $0x1;
	s10 =	sld [smem:$0x3FB8]  }
0x3d: {  	_ =	shalt  }
0x3e: {  	_ =	shalt  }
0x3f: {  	_ =	shalt  }
0x40: {  	_ =	shalt  }
0x41: {  	_ =	shalt  }
0x42: {  	_ =	shalt  }
0x43: {  	_ =	shalt  }
0x44: {  	_ =	shalt  }
0x45: {  	_ =	shalt  }
0x46: {  	_ =	shalt  }
0x47: {  	_ =	shalt  }
0x48: {  	_ =	shalt  }
0x49: {  	_ =	shalt  }
0x4a: {  	_ =	shalt  }
0x4b: {  	_ =	shalt  }
0x4c: {  	_ =	shalt  }
0x4d: {  	_ =	shalt  }
0x4e: {  	_ =	shalt  }
0x4f: {  	_ =	shalt  }
0x50: {  	_ =	shalt  }
0x51: {  	_ =	shalt  }
0x52: {  	_ =	shalt  }
0x53: {  	_ =	shalt  }
0x54: {  	_ =	shalt  }
0x55: {  	_ =	shalt  }
0x56: {  	_ =	shalt  }
0x57: {  	_ =	shalt  }
0x58: {  	_ =	shalt  }
0x59: {  	_ =	shalt  }
0x5a: {  	_ =	shalt  }
0x5b: {  	_ =	shalt  }
0x5c: {  	_ =	shalt  }
0x5d: {  	_ =	shalt  }
0x5e: {  	_ =	shalt  }
0x5f: {  	_ =	shalt  }
0x60: {  	_ =	shalt  }
0x61: {  	_ =	shalt  }
0x62: {  	_ =	shalt  }
0x63: {  	_ =	shalt  }
0x64: {  	_ =	shalt  }
0x65: {  	_ =	shalt  }
0x66: {  	_ =	shalt  }
0x67: {  	_ =	shalt  }
0x68: {  	_ =	shalt  }
0x69: {  	_ =	shalt  }
0x6a: {  	_ =	shalt  }
0x6b: {  	_ =	shalt  }
0x6c: {  	_ =	shalt  }
0x6d: {  	_ =	shalt  }
0x6e: {  	_ =	shalt  }
0x6f: {  	_ =	shalt  }
0x70: {  	_ =	shalt  }
0x71: {  	_ =	shalt  }
0x72: {  	_ =	shalt  }
0x73: {  	_ =	shalt  }
0x74: {  	_ =	shalt  }
0x75: {  	_ =	shalt  }
0x76: {  	_ =	shalt  }
0x77: {  	_ =	shalt  }
0x78: {  	_ =	shalt  }
0x79: {  	_ =	shalt  }
0x7a: {  	_ =	shalt  }
0x7b: {  	_ =	shalt  }
0x7c: {  	_ =	shalt  }
0x7d: {  	_ =	shalt  }
0x7e: {  	_ =	shalt  }
0x7f: {  	_ =	shalt  }
0x80: {  	_ =	shalt  }
0x81: {  	_ =	shalt  }
0x82: {  	_ =	shalt  }
0x83: {  	_ =	shalt  }
0x84: {  	_ =	shalt  }
0x85: {  	_ =	shalt  }
0x86: {  	_ =	shalt  }
0x87: {  	_ =	shalt  }
.Lfunc_end0:
.L_simem_size_0:
called_computation.1_lowered:
.L_overlay_start_0:
0x88: {  	s2 =	sld [smem:$0x3FD9]  }
0x89: {  	s3 =	sld [smem:$0x3FFE];
	_ =	sdelay $0x1  }
0x8a: {  	s1 =	srdreg.scid  }
0x8b: {  	s0 =	sand.u32 $0x1, s1  }
0x8c: {  	s17 =	sshll.u32 s0, $0xA;
	s2 =	sadd.s32 s3, s2  }
0x8d: {  	s2 =	sadd.s32 s2, s17  }
0x8e: {  	[smem:$0x3FC4] =	sst s2  }
0x8f: {  	_ = 	snop  }
0x90: {  	s2 =	sld [smem:$0x3FC7]  }
0x91: {  	s18 =	sld [smem:$0x3FC6]  }
0x92: {  	s4 =	sld [smem:$0x3FD0];
	(tm) =	ssettm $0x1  }
0x93: {  	s5 =	sld [smem:$0x3FFB];
	_ =	sdelay $0x3  }
0x94: {  	_ =	strace s5  }
0x95: {  	s5 =	sld [smem:$0x3FFC];
	_ =	sdelay $0x3  }
0x96: {  	_ =	strace s5  }
0x97: {  	s5 =	sld [smem:$0x3FFD];
	_ =	sdelay $0x3  }
0x98: {  	_ =	strace s5  }
0x99: {  	_ =	strace $0x8FFFFFFF  }
0x9a: {  	s19 =	sld [smem:$0x3FDB];
	_ =	sdelay $0x1  }
0x9b: {  	s6 =	simm.s32 $_scs_section_size  }
0x9c: {  	s7 =	simm.s32 $_size__tile_overlayer_lowered;
	s8 =	simm.s32 $_tile_overlayer_lowered  }
0x9d: {  	s22 =	simm.s32 $0x1BFF;
	s21 =	sshll.u32 s8, $0x1;
	s5 =	sadd.s32 s6, s19  }
0x9e: {  	s9 =	simm.s32 $0x0;
	s20 =	sshll.u32 s7, $0x1;
	s7 =	sadd.s32 s21, s5  }
0x9f: {  	[timem:s9], [sflag:s22] =	dma.local [hbm:s7], s20  }
0xa0: {  	_ =	swait.ge [sflag:s22], s20  }
0xa1: {  	s6 =	ssub.s32 $0x0, s20;
	[sflag:s22] =	ssyncset.done $0x0  }
0xa2: {  	[sflag:s22] =	ssyncadd.s32 s6;
	_ =	sdelay $0x1  }
0xa3: {  	s23 =	simm.s32 $0x1B8B  }
0xa4: {  	_ =	swait.ge [sflag:s23], $0x1  }
0xa5: {  	[sflag:s23] =	ssyncset.done $0x0  }
0xa6: {  	s25 =	simm.s32 $0x1B8E;
	s24 =	sld [smem:$0x3FFE];
	[sflag:s23] =	ssyncadd.s32 $0xFFFFFFFF  }
0xa7: {  	s26 =	simm.s32 $execute0_lowered;
	[smem:$0x3FD2] =	sst s25  }
0xa8: {  	s7 =	sshll.u32 s26, $0x1;
	_ =	strace $0x80000046;
	[dreg:$0x1] =	wrdreg $0xFFFFFFFF  }
0xa9: {  	s28 =	simm.s32 $_size_execute0_lowered;
	s5 =	sadd.s32 s5, s7;
	[dreg:$0x0] =	wrdreg $0x0  }
0xaa: {  	s7 =	sshll.u32 s28, $0x1;
	[dreg:$0x2] =	wrdreg s5  }
0xab: {  	[dreg:$0x3] =	wrdreg s7  }
0xac: {  	[dreg:$0x4] =	wrdreg $0xC0  }
0xad: {  	_ =	task [dreg:s9], $0x5FFFF  }
0xae: {  	[dreg:$0x1] =	wrdreg $0xFFFFFFFF  }
0xaf: {  	[dreg:$0x0] =	wrdreg $0x60  }
0xb0: {  	[dreg:$0x2] =	wrdreg s24  }
0xb1: {  	[dreg:$0x3] =	wrdreg s2  }
0xb2: {  	[dreg:$0x4] =	wrdreg s18  }
0xb3: {  	[dreg:$0x5] =	wrdreg s4  }
0xb4: {  	[dreg:$0x6] =	wrdreg $0x9  }
0xb5: {  	_ =	task.clear_ibuf [dreg:s9], $0x7FFFF;
	_ =	strace $0x90000046  }
0xb6: {  	s29 =	simm.s32 $0x9;
	_ =	strace $0x80000048  }
0xb7: {  	_ =	swait.ge [sflag:s29], $0x1  }
0xb8: {  	[sflag:s29] =	ssyncadd.s32 $0xFFFFFFFF  }
0xb9: {  	_ =	strace $0x90000048  }
0xba: {  	_ =	sfence  }
0xbb: {  	s30 =	sld [smem:$0x0];
	_ =	sdelay $0x2  }
0xbc: {  	s31 =	sshll.u32 s1, $0xD;
	s1 =	sshrl.u32 s1, $0x2  }
0xbd: {  	s3 =	sand.u32 $0x4000, s31;
	s1 =	sadd.s32 s1, s30  }
0xbe: {  	s0 =	sor.u32 s3, s0;
	s1 =	sshll.u32 s1, $0x11  }
0xbf: {  	s0 =	sor.u32 s1, s0  }
0xc0: {  	s0 =	sadd.s32 $0x8F2B, s0  }
0xc1: {  	[sflag:s0] =	ssyncadd.remote.s32 $0x1  }
0xc2: {  	_ =	sfence.sel $0xFFFF  }
0xc3: {  	[dreg:$0x0] =	wrdreg $0xFFFFFFFF;
	(pc) =	sbr.abs _section_cstart, $3  }
0xc4: {  	[dreg:$0x1] =	wrdreg $0xFFFFFFFF  }
0xc5: {  	_ =	task.clear_ibuf [dreg:s9], $0x2FFFF;
	_ =	strace $0x9FFFFFFF  }
0xc6: {  	(tm) =	ssettm $0x7FFFFFFF  }
0xc7: {  	_ =	shalt  }
tec
execute0_lowered:
.L_overlay_start_1:
0x0: {  	(tag) =	ssettag $0x1  }
0x1: {  	s0 =	rddreg [dreg:$0x0];
	s1 =	srdreg.scid  }
0x2: {  	s2 =	stileid.u32;
	s4 =	rddreg [dreg:$0x3]  }
0x3: {  	s5 =	simm.s32 $0x0;
	s11 =	simm.s32 $0x5;
	s12 =	simm.s32 $0x9900  }
0x4: {  	s14 =	simm.s32 $0x20;
	s15 =	simm.s32 $0x1900;
	s22 =	simm.s32 $0x3900  }
0x5: {  	s23 =	simm.s32 $0xA0;
	s24 =	simm.s32 $0x4100;
	s25 =	simm.s32 $0xC0  }
0x6: {  	s28 =	simm.s32 $0xE0;
	s29 =	simm.s32 $0x5100;
	s30 =	simm.s32 $0x1  }
0x7: {  	s31 =	simm.s32 $0x5900;
	s1 =	sand.u32 $0x1, s1;
	s2 =	sshll.u32 s2, $0x1  }
0x8: {  	s13 =	simm.s32 $0x0;
	[smem:$0x7FF] =	sst s5;
	s2 =	sor.u32 s1, s2  }
0x9: {  	v0 =	vlaneseq.u32;
	s6 =	sadd.s32 $0xF42E00, s0;
	s1 =	ssub.s32 $0x2, s1;
	s3 =	smul.u32 $0x320, s2  }
0xa: {  	v1 =	vmul.u32 $0x40, v0;
	_ =	strace $0x80000047;
	s7 =	sshrl.u32 s1, $0x1;
	s9 =	smul.u32 $0xC800, s2  }
0xb: {  	s8 =	smul.u32 $0x64000, s2;
	s2 =	simm.s32 $0x2;
	s1 =	ssub.s32 s1, s7  }
0xc: {  	v2 =	vor.u32 $0x400, v1;
	s0 =	sadd.s32 s3, s0;
	s26 =	sadd.s32 s9, s4;
	s9 =	smax.u32 s1, $0x1  }
0xd: {  	v3 =	vor.u32 $0x800, v1;
	v4 =	vor.u32 $0xC00, v1;
	v5 =	vor.u32 $0x1000, v1;
	s1 =	simm.s32 $0x3;
	s3 =	simm.s32 $0x4;
	s7 =	sadd.s32 $0xA00, s0  }
0xe: {  	v6 =	vor.u32 $0x1400, v1;
	v7 =	vor.u32 $0x1800, v1;
	v8 =	vor.u32 $0x1C00, v1;
	s10 =	sadd.s32 $0x400, s26;
	s26 =	simm.s32 $0x4900;
	s0 =	simm.s32 $0x7900  }
.LBB2_1:
0xf: {  	[tilespmem:s5], [sflag:$0x5] =	stream.linear.gather [hbm4b:s7+s5], $0x1900, $0x38;
	[tilespmem:$0x9980] =	vst v63  }
0x10: {  	_ =	swait.ge [sflag:s11], $0x1900  }
0x11: {  	[sflag:s11] =	ssyncset.done $0x0  }
0x12: {  	[sflag:s11] =	ssyncadd.s32 $0xFFFFE700  }
0x13: {  	s16 =	rddreg [dreg:$0x1]  }
0x14: {  	[tilespmem:s12], [sflag:$0x5] =	stream.linear.gather [hbm4b:s16+s5], $0x40, $0x38;
	[tilespmem:$0x9980] =	vst v63  }
0x15: {  	_ =	swait.ge [sflag:s11], $0x40  }
0x16: {  	[sflag:s11] =	ssyncset.done $0x0  }
0x17: {  	[sflag:s11] =	ssyncadd.s32 $0xFFFFFFC0  }
0x18: {  	s17 =	simm.s32 $0x9940;
	s20 =	rddreg [dreg:$0x2]  }
0x19: {  	[tilespmem:s17], [sflag:$0x5] =	stream.linear.gather [hbm4b:s20+s5], $0x40, $0x38;
	[tilespmem:$0x9980] =	vst v63  }
0x1a: {  	_ =	swait.ge [sflag:s11], $0x40  }
0x1b: {  	[sflag:s11] =	ssyncset.done $0x0  }
0x1c: {  	[sflag:s11] =	ssyncadd.s32 $0xFFFFFFC0  }
0x1d: {  	[tilespmem:s15], [sflag:$0x1] =	stream.indirect.gather [hbm4b:s6+s14], $0x40, s5, s14, $0xb8;
	[tilespmem:$0x9980] =	vst v63  }
0x1e: {  	s21 =	simm.s32 $0x2100  }
0x1f: {  	[tilespmem:s21], [sflag:$0x1] =	stream.indirect.gather [hbm4b:s6+s14], $0x40, s14, s14, $0xb8;
	[tilespmem:$0x9980] =	vst v63  }
0x20: {  	s18 =	simm.s32 $0x2900;
	s17 =	simm.s32 $0x40  }
0x21: {  	[tilespmem:s18], [sflag:$0x1] =	stream.indirect.gather [hbm4b:s6+s14], $0x40, s17, s14, $0xb8;
	[tilespmem:$0x9980] =	vst v63  }
0x22: {  	s19 =	simm.s32 $0x60;
	s20 =	simm.s32 $0x3100  }
0x23: {  	[tilespmem:s20], [sflag:$0x1] =	stream.indirect.gather [hbm4b:s6+s14], $0x40, s19, s14, $0xb8;
	[tilespmem:$0x9980] =	vst v63  }
0x24: {  	s21 =	simm.s32 $0x80  }
0x25: {  	[tilespmem:s22], [sflag:$0x2] =	stream.indirect.gather [hbm4b:s6+s14], $0x40, s21, s14, $0xb8;
	[tilespmem:$0x9980] =	vst v63  }
0x26: {  	_ = 	snop  }
0x27: {  	[tilespmem:s24], [sflag:$0x2] =	stream.indirect.gather [hbm4b:s6+s14], $0x40, s23, s14, $0xb8;
	[tilespmem:$0x9980] =	vst v63  }
0x28: {  	_ = 	snop  }
0x29: {  	[tilespmem:s26], [sflag:$0x2] =	stream.indirect.gather [hbm4b:s6+s14], $0x40, s25, s14, $0xb8;
	[tilespmem:$0x9980] =	vst v63  }
0x2a: {  	s16 =	simm.s32 $0x0  }
0x2b: {  	[tilespmem:s29], [sflag:$0x2] =	stream.indirect.gather [hbm4b:s6+s14], $0x40, s28, s14, $0xb8;
	[tilespmem:$0x9980] =	vst v63  }
.LBB2_2:
0x2c: {  	_ =	swait.ge [sflag:s30], $0x800  }
0x2d: {  	[sflag:s30] =	ssyncset.done $0x0  }
0x2e: {  	[sflag:s30] =	ssyncadd.s32 $0xFFFFF800  }
0x2f: {  	_ =	swait.ge [sflag:s30], $0x800  }
0x30: {  	s17 =	simm.s32 $0x0;
	[sflag:s30] =	ssyncset.done $0x0  }
0x31: {  	v9 =	vadd.s32 s17, v0;
	[sflag:s30] =	ssyncadd.s32 $0xFFFFF800  }
0x32: {  	s18 =	simm.s32 $0x1;
	v10 =	vand.u32 $0x3F, v9;
	_ =	swait.ge [sflag:s30], $0x800  }
0x33: {  	s21 =	simm.s32 $0x3;
	v13 =	vadd.s32 s18, v0;
	v12 =	vor.u32 v1, v10;
	[sflag:s30] =	ssyncset.done $0x0  }
0x34: {  	v11 =	vadd.s32 s21, v0;
	v16 =	vand.u32 $0x3F, v13;
	v15 =	vor.u32 v2, v10;
	[sflag:s30] =	ssyncadd.s32 $0xFFFFF800  }
0x35: {  	v13 =	vand.u32 $0x3F, v11;
	v18 =	vor.u32 v1, v16;
	_ =	swait.ge [sflag:s30], $0x800  }
0x36: {  	v17 =	vor.u32 v3, v10;
	v21 =	vor.u32 v4, v10;
	v22 =	vor.u32 v2, v16;
	[sflag:s30] =	ssyncset.done $0x0  }
0x37: {  	v24 =	vor.u32 v5, v10;
	v25 =	vor.u32 v6, v10;
	v26 =	vor.u32 v1, v13;
	[sflag:s30] =	ssyncadd.s32 $0xFFFFF800  }
0x38: {  	s19 =	simm.s32 $0x2;
	v20 =	vor.u32 v7, v10;
	v11 =	vor.u32 v8, v10;
	v27 =	vor.u32 v2, v13;
	v10 =	vld.idx.msk [tilespmem:v12+s15+$0x0], $0xffff  }
0x39: {  	v14 =	vadd.s32 s19, v0;
	v15 =	vld.idx.msk [tilespmem:v15+s15+$0x0], $0xffff  }
0x3a: {  	v19 =	vand.u32 $0x3F, v14;
	v34 =	vld.idx.msk [tilespmem:v18+s15+$0x0], $0xffff  }
0x3b: {  	v9 =	vimm.f32 $0.0e+00;
	v23 =	vor.u32 v1, v19;
	v38 =	vor.u32 v3, v16;
	v22 =	vld.idx.msk [tilespmem:v22+s15+$0x0], $0xffff  }
0x3c: {  	v31 =	vor.u32 v3, v13;
	v39 =	vor.u32 v4, v16;
	v45 =	vor.u32 v5, v16;
	v43 =	vld.idx.msk [tilespmem:v26+s15+$0x0], $0xffff  }
0x3d: {  	v37 =	vor.u32 v6, v16;
	v29 =	vor.u32 v7, v16;
	v26 =	vor.u32 v8, v16;
	v16 =	vld.idx.msk [tilespmem:v27+s15+$0x0], $0xffff  }
0x3e: {  	v32 =	vor.u32 v4, v13;
	v30 =	vor.u32 v5, v13;
	v12 =	vor.u32 v2, v19;
	v17 =	vld.idx.msk [tilespmem:v17+s15+$0x0], $0xffff  }
0x3f: {  	v28 =	vor.u32 v6, v13;
	v14 =	vor.u32 v7, v13;
	v33 =	vor.u32 v3, v19;
	v60 =	vld.idx.msk [tilespmem:v21+s15+$0x0], $0xffff  }
0x40: {  	v40 =	vor.u32 v4, v19;
	v13 =	vor.u32 v8, v13;
	v36 =	vor.u32 v5, v19;
	v47 =	vld.idx.msk [tilespmem:v38+s15+$0x0], $0xffff  }
0x41: {  	v35 =	vor.u32 v6, v19;
	v18 =	vor.u32 v7, v19;
	v19 =	vor.u32 v8, v19;
	v38 =	vld.idx.msk [tilespmem:v39+s15+$0x0], $0xffff  }
0x42: {  	v23 =	vld.idx.msk [tilespmem:v23+s15+$0x0], $0xffff;
	v41 =	vmul.f32 v10, v10;
	v42 =	vmul.f32 v15, v15;
	v10 =	vadd.f32 v10, v9  }
0x43: {  	v12 =	vld.idx.msk [tilespmem:v12+s15+$0x0], $0xffff;
	v59 =	vmul.f32 v34, v34;
	v15 =	vadd.f32 v15, v9;
	v44 =	vmul.f32 v22, v22  }
0x44: {  	v62 =	vmul.f32 v16, v16;
	v27 =	vadd.f32 v41, v9;
	v42 =	vadd.f32 v42, v9  }
0x45: {  	v63 =	vmul.f32 v17, v17;
	v10 =	vadd.f32 v34, v10;
	v15 =	vadd.f32 v22, v15  }
0x46: {  	v46 =	vmul.f32 v38, v38;
	v41 =	vld.idx.msk [tilespmem:v31+s15+$0x0], $0xffff;
	v31 =	vadd.f32 v60, v9;
	v21 =	vadd.f32 v59, v27  }
0x47: {  	v27 =	vmul.f32 v23, v23;
	v22 =	vadd.f32 v44, v42;
	v10 =	vadd.f32 v23, v10  }
0x48: {  	v44 =	vld.idx.msk [tilespmem:v25+s15+$0x0], $0xffff;
	v25 =	vimm.f32 $0.0e+00;
	v61 =	vmul.f32 v12, v12;
	v12 =	vadd.f32 v12, v15  }
0x49: {  	v39 =	vld.idx.msk [tilespmem:v33+s15+$0x0], $0xffff;
	v21 =	vadd.f32 v27, v21;
	v27 =	vmul.f32 v43, v43;
	v23 =	vadd.f32 v43, v10  }
0x4a: {  	v43 =	vld.idx.msk [tilespmem:v24+s15+$0x0], $0xffff;
	v24 =	vimm.f32 $0.0e+00;
	v15 =	vadd.f32 v61, v22;
	v10 =	vadd.f32 v16, v12  }
0x4b: {  	v40 =	vld.idx.msk [tilespmem:v40+s15+$0x0], $0xffff;
	v12 =	vmul.f32 v60, v60;
	v16 =	vadd.f32 v63, v9;
	v22 =	vadd.f32 v27, v21  }
0x4c: {  	v21 =	vadd.f32 v62, v15;
	v15 =	vadd.f32 v17, v9;
	v17 =	vmul.f32 v47, v47  }
0x4d: {  	v42 =	vld.idx.msk [tilespmem:v32+s15+$0x0], $0xffff;
	v27 =	vimm.f32 $0.0e+00;
	v32 =	vadd.f32 v12, v9;
	v12 =	vimm.f32 $0.0e+00  }
0x4e: {  	v33 =	vadd.f32 v47, v15;
	v34 =	vadd.f32 v17, v16;
	v47 =	vmul.f32 v39, v39  }
0x4f: {  	s17 =	simm.s32 $0x4;
	v45 =	vld.idx.msk [tilespmem:v45+s15+$0x0], $0xffff;
	v16 =	vimm.f32 $0.0e+00;
	v17 =	vimm.f32 $0.0e+00;
	v15 =	vimm.f32 $0.0e+00  }
.LBB2_3:
0x50: {  	p0 =	sne.s32 s17, $0x3C;
	v31 =	vadd.f32 v38, v31;
	v32 =	vadd.f32 v46, v32;
	v37 =	vld.idx.msk [tilespmem:v37+s15+$0x0], $0xffff;
	v38 =	vmul.f32 v40, v40  }
0x51: {  	v33 =	vadd.f32 v39, v33;
	v34 =	vadd.f32 v47, v34;
	v36 =	vld.idx.msk [tilespmem:v36+s15+$0x0], $0xffff;
	v39 =	vmul.f32 v41, v41  }
0x52: {  	v46 =	vmul.f32 v42, v42;
	v40 =	vadd.f32 v40, v31;
	v38 =	vadd.f32 v38, v32;
	v35 =	vld.idx.msk [tilespmem:v35+s15+$0x0], $0xffff  }
0x53: {  	v47 =	vmul.f32 v43, v43;
	v31 =	vadd.f32 v41, v33;
	v32 =	vadd.f32 v39, v34;
	v30 =	vld.idx.msk [tilespmem:v30+s15+$0x0], $0xffff  }
0x54: {  	v39 =	vmul.f32 v44, v44;
	v33 =	vadd.f32 v42, v40;
	v34 =	vadd.f32 v46, v38;
	v28 =	vld.idx.msk [tilespmem:v28+s15+$0x0], $0xffff  }
0x55: {  	v9 =	vadd.f32 v43, v9;
	v27 =	vadd.f32 v47, v27;
	v38 =	vmul.f32 v45, v45;
	v20 =	vld.idx.msk [tilespmem:v20+s15+$0x0], $0xffff  }
0x56: {  	v24 =	vadd.f32 v44, v24;
	v25 =	vadd.f32 v39, v25;
	v39 =	vmul.f32 v37, v37;
	v11 =	vld.idx.msk [tilespmem:v11+s15+$0x0], $0xffff  }
0x57: {  	v9 =	vadd.f32 v45, v9;
	v27 =	vadd.f32 v38, v27;
	v38 =	vmul.f32 v36, v36;
	v29 =	vld.idx.msk [tilespmem:v29+s15+$0x0], $0xffff  }
0x58: {  	v24 =	vadd.f32 v37, v24;
	v25 =	vadd.f32 v39, v25;
	v37 =	vmul.f32 v35, v35;
	v26 =	vld.idx.msk [tilespmem:v26+s15+$0x0], $0xffff  }
0x59: {  	v9 =	vadd.f32 v36, v9;
	v27 =	vadd.f32 v38, v27;
	v36 =	vmul.f32 v30, v30;
	v18 =	vld.idx.msk [tilespmem:v18+s15+$0x0], $0xffff  }
0x5a: {  	v24 =	vadd.f32 v35, v24;
	v25 =	vadd.f32 v37, v25;
	v35 =	vmul.f32 v28, v28;
	v19 =	vld.idx.msk [tilespmem:v19+s15+$0x0], $0xffff  }
0x5b: {  	v9 =	vadd.f32 v30, v9;
	v37 =	vmul.f32 v20, v20;
	v27 =	vadd.f32 v36, v27;
	v14 =	vld.idx.msk [tilespmem:v14+s15+$0x0], $0xffff  }
0x5c: {  	v24 =	vadd.f32 v28, v24;
	v30 =	vmul.f32 v11, v11;
	v25 =	vadd.f32 v35, v25;
	v13 =	vld.idx.msk [tilespmem:v13+s15+$0x0], $0xffff  }
0x5d: {  	v16 =	vadd.f32 v20, v16;
	v17 =	vadd.f32 v37, v17;
	v20 =	vmul.f32 v29, v29  }
0x5e: {  	v11 =	vadd.f32 v11, v12;
	v12 =	vadd.f32 v30, v15;
	v15 =	vmul.f32 v26, v26  }
0x5f: {  	v16 =	vadd.f32 v29, v16;
	v17 =	vadd.f32 v20, v17;
	v20 =	vmul.f32 v18, v18  }
0x60: {  	v11 =	vadd.f32 v26, v11;
	v12 =	vadd.f32 v15, v12;
	v15 =	vmul.f32 v19, v19  }
0x61: {  	v16 =	vadd.f32 v18, v16;
	v17 =	vadd.f32 v20, v17;
	v18 =	vmul.f32 v14, v14  }
0x62: {  	v11 =	vadd.f32 v19, v11;
	v15 =	vadd.f32 v15, v12;
	v19 =	vmul.f32 v13, v13  }
0x63: {  	v16 =	vadd.f32 v14, v16;
	v17 =	vadd.f32 v18, v17  }
0x64: {  	s18 =	sadd.s32 $0x3, s17;
	v14 =	vadd.s32 s17, v0;
	v12 =	vadd.f32 v13, v11;
	v15 =	vadd.f32 v19, v15  }
0x65: {  	s19 =	sadd.s32 $0x1, s17;
	s20 =	sadd.s32 $0x2, s17;
	v11 =	vand.u32 $0x3F, v14;
	v13 =	vadd.s32 s18, v0  }
0x66: {  	v14 =	vor.u32 v1, v11;
	v18 =	vadd.s32 s19, v0;
	v19 =	vadd.s32 s20, v0  }
0x67: {  	v26 =	vor.u32 v2, v11;
	v13 =	vand.u32 $0x3F, v13;
	v38 =	vand.u32 $0x3F, v18  }
0x68: {  	v39 =	vor.u32 v3, v11;
	v18 =	vor.u32 v1, v38;
	v19 =	vand.u32 $0x3F, v19  }
0x69: {  	v40 =	vor.u32 v4, v11;
	v43 =	vor.u32 v5, v11;
	v29 =	vor.u32 v2, v38  }
0x6a: {  	v44 =	vor.u32 v6, v11;
	v20 =	vor.u32 v7, v11;
	v35 =	vor.u32 v1, v19  }
0x6b: {  	v11 =	vor.u32 v8, v11;
	v42 =	vor.u32 v1, v13;
	v37 =	vor.u32 v2, v19;
	v41 =	vld.idx.msk [tilespmem:v14+s15+$0x0], $0xffff  }
0x6c: {  	v46 =	vor.u32 v2, v13;
	v47 =	vor.u32 v3, v13;
	v48 =	vor.u32 v4, v13;
	v45 =	vld.idx.msk [tilespmem:v26+s15+$0x0], $0xffff  }
0x6d: {  	v30 =	vor.u32 v5, v13;
	v28 =	vor.u32 v6, v13;
	v14 =	vor.u32 v7, v13;
	v49 =	vld.idx.msk [tilespmem:v18+s15+$0x0], $0xffff  }
0x6e: {  	v51 =	vor.u32 v3, v19;
	v52 =	vor.u32 v4, v19;
	v13 =	vor.u32 v8, v13;
	v50 =	vld.idx.msk [tilespmem:v29+s15+$0x0], $0xffff  }
0x6f: {  	v36 =	vor.u32 v5, v19;
	v18 =	vor.u32 v7, v19;
	v53 =	vld.idx.msk [tilespmem:v35+s15+$0x0], $0xffff;
	v35 =	vor.u32 v6, v19  }
0x70: {  	v54 =	vor.u32 v3, v38;
	v55 =	vor.u32 v4, v38;
	v19 =	vor.u32 v8, v19;
	v56 =	vld.idx.msk [tilespmem:v37+s15+$0x0], $0xffff  }
0x71: {  	v58 =	vor.u32 v5, v38;
	v57 =	vmul.f32 v41, v41;
	v37 =	vor.u32 v6, v38;
	v42 =	vld.idx.msk [tilespmem:v42+s15+$0x0], $0xffff  }
0x72: {  	v26 =	vor.u32 v8, v38;
	v29 =	vor.u32 v7, v38;
	v59 =	vmul.f32 v45, v45;
	v46 =	vld.idx.msk [tilespmem:v46+s15+$0x0], $0xffff  }
0x73: {  	v23 =	vadd.f32 v41, v23;
	v22 =	vadd.f32 v57, v22;
	v38 =	vmul.f32 v49, v49;
	v57 =	vld.idx.msk [tilespmem:v39+s15+$0x0], $0xffff  }
0x74: {  	v10 =	vadd.f32 v45, v10;
	v21 =	vadd.f32 v59, v21;
	v39 =	vmul.f32 v50, v50;
	v45 =	vld.idx.msk [tilespmem:v40+s15+$0x0], $0xffff  }
0x75: {  	v23 =	vadd.f32 v49, v23;
	v22 =	vadd.f32 v38, v22;
	v40 =	vmul.f32 v53, v53;
	v49 =	vld.idx.msk [tilespmem:v54+s15+$0x0], $0xffff  }
0x76: {  	v10 =	vadd.f32 v50, v10;
	v21 =	vadd.f32 v39, v21;
	v41 =	vmul.f32 v56, v56;
	v38 =	vld.idx.msk [tilespmem:v55+s15+$0x0], $0xffff  }
0x77: {  	v23 =	vadd.f32 v53, v23;
	v22 =	vadd.f32 v40, v22;
	v50 =	vmul.f32 v42, v42;
	v39 =	vld.idx.msk [tilespmem:v51+s15+$0x0], $0xffff  }
0x78: {  	v10 =	vadd.f32 v56, v10;
	v21 =	vadd.f32 v41, v21;
	v51 =	vmul.f32 v46, v46;
	v40 =	vld.idx.msk [tilespmem:v52+s15+$0x0], $0xffff  }
.Ltmp0:
0x79: {  	v23 =	vadd.f32 v42, v23;
	v52 =	vmul.f32 v57, v57;
	v22 =	vadd.f32 v50, v22;
	v41 =	vld.idx.msk [tilespmem:v47+s15+$0x0], $0xffff;
	(pc) =	sbr.rel @p0 .LBB2_3-.Ltmp0, $4  }
0x7a: {  	v10 =	vadd.f32 v46, v10;
	v47 =	vmul.f32 v45, v45;
	v21 =	vadd.f32 v51, v21;
	v42 =	vld.idx.msk [tilespmem:v48+s15+$0x0], $0xffff  }
0x7b: {  	v48 =	vadd.f32 v57, v31;
	v50 =	vadd.f32 v52, v32;
	v51 =	vmul.f32 v49, v49;
	v43 =	vld.idx.msk [tilespmem:v43+s15+$0x0], $0xffff  }
0x7c: {  	v31 =	vadd.f32 v45, v33;
	v32 =	vadd.f32 v47, v34;
	v46 =	vmul.f32 v38, v38;
	v44 =	vld.idx.msk [tilespmem:v44+s15+$0x0], $0xffff  }
0x7d: {  	s17 =	sadd.s32 $0x4, s17;
	v33 =	vadd.f32 v49, v48;
	v34 =	vadd.f32 v51, v50;
	v47 =	vmul.f32 v39, v39;
	v45 =	vld.idx.msk [tilespmem:v58+s15+$0x0], $0xffff  }
0x7e: {  	_ =	sdelay $0x2  }
0x7f: {  	v31 =	vadd.f32 v38, v31;
	v57 =	vmul.f32 v40, v40  }
0x80: {  	v32 =	vadd.f32 v46, v32;
	v58 =	vmul.f32 v41, v41;
	v37 =	vld.idx.msk [tilespmem:v37+s15+$0x0], $0xffff;
	v22 =	vmul.f32 $1.562500000e-02, v22  }
0x81: {  	v36 =	vld.idx.msk [tilespmem:v36+s15+$0x0], $0xffff;
	v10 =	vmul.f32 $1.562500000e-02, v10;
	v21 =	vmul.f32 $1.562500000e-02, v21;
	v33 =	vadd.f32 v39, v33  }
0x82: {  	v35 =	vld.idx.msk [tilespmem:v35+s15+$0x0], $0xffff;
	v34 =	vadd.f32 v47, v34;
	v59 =	vmul.f32 v42, v42;
	v31 =	vadd.f32 v40, v31  }
0x83: {  	v28 =	vld.idx.msk [tilespmem:v28+s15+$0x0], $0xffff;
	v32 =	vadd.f32 v57, v32;
	v60 =	vmul.f32 v43, v43;
	v62 =	vadd.f32 v43, v9  }
0x84: {  	v20 =	vld.idx.msk [tilespmem:v20+s15+$0x0], $0xffff;
	v9 =	vmul.f32 $1.562500000e-02, v23;
	v33 =	vadd.f32 v41, v33;
	v34 =	vadd.f32 v58, v34  }
0x85: {  	v61 =	vmul.f32 v44, v44;
	v24 =	vadd.f32 v44, v24;
	v31 =	vadd.f32 v42, v31  }
0x86: {  	v48 =	vld.idx.msk [tilespmem:v11+s15+$0x0], $0xffff;
	v32 =	vadd.f32 v59, v32;
	v27 =	vadd.f32 v60, v27;
	v63 =	vmul.f32 v45, v45  }
0x87: {  	v29 =	vld.idx.msk [tilespmem:v29+s15+$0x0], $0xffff;
	v38 =	vadd.f32 v45, v62;
	v44 =	vmul.f32 v9, v9;
	v23 =	vmul.f32 v37, v37  }
0x88: {  	v26 =	vld.idx.msk [tilespmem:v26+s15+$0x0], $0xffff;
	v25 =	vadd.f32 v61, v25;
	v45 =	vmul.f32 v36, v36;
	v46 =	vmul.f32 v35, v35  }
0x89: {  	v24 =	vadd.f32 v37, v24;
	v49 =	vmul.f32 v28, v28;
	v50 =	vmul.f32 v20, v20  }
0x8a: {  	v30 =	vld.idx.msk [tilespmem:v30+s15+$0x0], $0xffff;
	v22 =	vsub.f32 v22, v44;
	v23 =	vadd.f32 v23, v25;
	v25 =	vmul.f32 v10, v10  }
0x8b: {  	v54 =	vmul.f32 $1.562500000e-02, v34;
	v56 =	vmul.f32 v48, v48;
	v16 =	vadd.f32 v20, v16  }
0x8c: {  	v57 =	vmul.f32 v29, v29;
	v22 =	vadd.f32 $9.999999740e-06, v22;
	v21 =	vsub.f32 v21, v25  }
0x8d: {  	v58 =	vmul.f32 v26, v26;
	v27 =	vadd.f32 v63, v27;
	v24 =	vadd.f32 v35, v24  }
0x8e: {  	v18 =	vld.idx.msk [tilespmem:v18+s15+$0x0], $0xffff;
	v47 =	vshra.s32 v22, $0x1;
	v22 =	vmul.f32 $-5.000000000e-01, v22;
	v21 =	vadd.f32 $9.999999740e-06, v21  }
0x8f: {  	v27 =	vadd.f32 v45, v27;
	v25 =	vmul.f32 v30, v30;
	v35 =	vsub.s32 $0x5F3759DF, v47  }
0x90: {  	v51 =	vmul.f32 v35, v22;
	v11 =	vshra.s32 v21, $0x1;
	v21 =	vmul.f32 $-5.000000000e-01, v21  }
0x91: {  	v59 =	vadd.f32 v48, v12;
	v52 =	vsub.s32 $0x5F3759DF, v11;
	v11 =	vmul.f32 $1.562500000e-02, v33  }
0x92: {  	v19 =	vld.idx.msk [tilespmem:v19+s15+$0x0], $0xffff;
	v25 =	vadd.f32 v25, v27;
	v27 =	vmul.f32 v35, v51;
	v53 =	vmul.f32 v52, v21  }
0x93: {  	v43 =	vmul.f32 v18, v18;
	v36 =	vadd.f32 v36, v38;
	v55 =	vmul.f32 v11, v11  }
0x94: {  	v12 =	vmul.f32 $1.562500000e-02, v31;
	v27 =	vadd.f32 $1.500000000e+00, v27;
	v20 =	vmul.f32 v52, v53  }
0x95: {  	v32 =	vmul.f32 $1.562500000e-02, v32;
	v24 =	vadd.f32 v28, v24;
	v28 =	vsub.f32 v54, v55  }
0x96: {  	v17 =	vadd.f32 v50, v17;
	v27 =	vmul.f32 v35, v27;
	v20 =	vadd.f32 $1.500000000e+00, v20  }
0x97: {  	v44 =	vmul.f32 v19, v19;
	v15 =	vadd.f32 v56, v15;
	v28 =	vadd.f32 $9.999999740e-06, v28  }
0x98: {  	v16 =	vadd.f32 v29, v16;
	v60 =	vmul.f32 v27, v22;
	v20 =	vmul.f32 v52, v20  }
0x99: {  	v62 =	vmul.f32 v12, v12;
	v61 =	vmul.f32 $-5.000000000e-01, v28;
	v28 =	vshra.s32 v28, $0x1  }
0x9a: {  	v37 =	vmul.f32 v60, v27;
	v63 =	vmul.f32 v20, v21;
	v28 =	vsub.s32 $0x5F3759DF, v28  }
0x9b: {  	v48 =	vld.idx.msk [tilespmem:v13+s15+$0x0], $0xffff;
	v13 =	vadd.f32 v26, v59;
	v32 =	vsub.f32 v32, v62;
	v40 =	vmul.f32 v28, v61  }
0x9c: {  	v23 =	vadd.f32 v46, v23;
	v41 =	vadd.f32 $1.500000000e+00, v37;
	v42 =	vmul.f32 v63, v20  }
0x9d: {  	v30 =	vadd.f32 v30, v36;
	v32 =	vadd.f32 $9.999999740e-06, v32;
	v29 =	vmul.f32 v28, v40  }
0x9e: {  	v17 =	vadd.f32 v57, v17;
	v27 =	vmul.f32 v41, v27;
	v45 =	vadd.f32 $1.500000000e+00, v42  }
0x9f: {  	v46 =	vld.idx.msk [tilespmem:v14+s15+$0x0], $0xffff;
	v47 =	vshra.s32 v32, $0x1;
	v32 =	vmul.f32 $-5.000000000e-01, v32;
	v14 =	vadd.f32 $1.500000000e+00, v29  }
0xa0: {  	v22 =	vmul.f32 v27, v22;
	v29 =	vsub.s32 $0x5F3759DF, v47;
	v20 =	vmul.f32 v45, v20  }
0xa1: {  	v15 =	vadd.f32 v58, v15;
	v26 =	vmul.f32 v28, v14;
	v14 =	vmul.f32 v29, v32  }
0xa2: {  	v16 =	vadd.f32 v18, v16;
	v22 =	vmul.f32 v22, v27;
	v21 =	vmul.f32 v20, v21  }
0xa3: {  	v19 =	vadd.f32 v19, v13;
	v18 =	vmul.f32 v26, v61;
	v14 =	vmul.f32 v29, v14  }
0xa4: {  	v50 =	vmul.f32 v48, v48;
	v23 =	vadd.f32 v49, v23;
	v21 =	vmul.f32 v21, v20  }
0xa5: {  	v22 =	vadd.f32 $1.500000000e+00, v22;
	v18 =	vmul.f32 v18, v26;
	v14 =	vadd.f32 $1.500000000e+00, v14  }
0xa6: {  	v17 =	vadd.f32 v43, v17;
	v49 =	vmul.f32 v46, v46;
	v21 =	vadd.f32 $1.500000000e+00, v21  }
0xa7: {  	v13 =	vmul.f32 v22, v27;
	v18 =	vadd.f32 $1.500000000e+00, v18;
	v22 =	vmul.f32 v29, v14  }
0xa8: {  	v27 =	vadd.f32 v44, v15;
	v15 =	vmul.f32 $1.562500000e-02, v30;
	v14 =	vmul.f32 v21, v20  }
0xa9: {  	v20 =	vadd.f32 v46, v16;
	v21 =	vmul.f32 v18, v26;
	v16 =	vmul.f32 v22, v32  }
0xaa: {  	v26 =	vadd.f32 v49, v17;
	v17 =	vmul.f32 $1.562500000e-02, v25;
	v18 =	vmul.f32 v15, v15  }
0xab: {  	v19 =	vadd.f32 v48, v19;
	v25 =	vmul.f32 v16, v22;
	v16 =	vmul.f32 $1.562500000e-02, v24  }
0xac: {  	v23 =	vmul.f32 $1.562500000e-02, v23;
	v24 =	vsub.f32 v17, v18;
	v17 =	vmul.f32 $1.562500000e-02, v20  }
0xad: {  	v20 =	vadd.f32 v50, v27;
	v18 =	vmul.f32 $1.562500000e-02, v19;
	v27 =	vmul.f32 v16, v16  }
0xae: {  	v19 =	vadd.f32 $9.999999740e-06, v24;
	v24 =	vmul.f32 $1.562500000e-02, v26;
	v26 =	vmul.f32 v17, v17  }
0xaf: {  	v20 =	vmul.f32 $1.562500000e-02, v20;
	v23 =	vsub.f32 v23, v27;
	v27 =	vmul.f32 v18, v18  }
0xb0: {  	v25 =	vadd.f32 $1.500000000e+00, v25;
	v51 =	vshra.s32 v19, $0x1;
	v24 =	vsub.f32 v24, v26  }
0xb1: {  	v19 =	vmul.f32 $-5.000000000e-01, v19;
	v23 =	vadd.f32 $9.999999740e-06, v23;
	v20 =	vsub.f32 v20, v27  }
0xb2: {  	v22 =	vmul.f32 v25, v22;
	v25 =	vsub.s32 $0x5F3759DF, v51;
	v24 =	vadd.f32 $9.999999740e-06, v24  }
0xb3: {  	v26 =	vmul.f32 v25, v19;
	v27 =	vshra.s32 v23, $0x1;
	v20 =	vadd.f32 $9.999999740e-06, v20  }
0xb4: {  	v23 =	vmul.f32 $-5.000000000e-01, v23;
	v52 =	vshra.s32 v24, $0x1;
	v24 =	vmul.f32 $-5.000000000e-01, v24  }
0xb5: {  	v27 =	vsub.s32 $0x5F3759DF, v27;
	v53 =	vshra.s32 v20, $0x1;
	v20 =	vmul.f32 $-5.000000000e-01, v20  }
0xb6: {  	v28 =	vsub.s32 $0x5F3759DF, v52;
	v54 =	vmul.f32 v27, v23;
	v29 =	vsub.s32 $0x5F3759DF, v53  }
0xb7: {  	v55 =	vmul.f32 v28, v24;
	v56 =	vmul.f32 v29, v20  }
0xb8: {  	v26 =	vmul.f32 v25, v26;
	v30 =	vmul.f32 v27, v54  }
0xb9: {  	v33 =	vmul.f32 v28, v55;
	v34 =	vmul.f32 v29, v56  }
0xba: {  	v31 =	vmul.f32 v21, v61;
	v26 =	vadd.f32 $1.500000000e+00, v26;
	v30 =	vadd.f32 $1.500000000e+00, v30  }
0xbb: {  	v32 =	vmul.f32 v22, v32;
	v33 =	vadd.f32 $1.500000000e+00, v33;
	v34 =	vadd.f32 $1.500000000e+00, v34  }
0xbc: {  	v25 =	vmul.f32 v25, v26;
	v26 =	vmul.f32 v27, v30  }
0xbd: {  	v27 =	vmul.f32 v28, v33;
	v57 =	vmul.f32 v29, v34  }
0xbe: {  	v58 =	vmul.f32 v25, v19;
	v30 =	vmul.f32 v26, v23  }
0xbf: {  	v33 =	vmul.f32 v27, v24;
	v34 =	vmul.f32 v57, v20  }
0xc0: {  	v29 =	vmul.f32 v58, v25;
	v30 =	vmul.f32 v30, v26  }
0xc1: {  	v33 =	vmul.f32 v33, v27;
	v34 =	vmul.f32 v34, v57  }
0xc2: {  	v31 =	vmul.f32 v31, v21;
	v29 =	vadd.f32 $1.500000000e+00, v29;
	v30 =	vadd.f32 $1.500000000e+00, v30  }
0xc3: {  	v32 =	vmul.f32 v32, v22;
	v33 =	vadd.f32 $1.500000000e+00, v33;
	v34 =	vadd.f32 $1.500000000e+00, v34  }
0xc4: {  	v25 =	vmul.f32 v29, v25;
	v26 =	vmul.f32 v30, v26  }
0xc5: {  	v27 =	vmul.f32 v33, v27;
	v28 =	vmul.f32 v34, v57  }
0xc6: {  	v19 =	vmul.f32 v25, v19;
	v23 =	vmul.f32 v26, v23  }
0xc7: {  	v24 =	vmul.f32 v27, v24;
	v20 =	vmul.f32 v28, v20  }
0xc8: {  	v59 =	vadd.f32 $1.500000000e+00, v31;
	v60 =	vmul.f32 v19, v25;
	v23 =	vmul.f32 v23, v26  }
0xc9: {  	v61 =	vadd.f32 $1.500000000e+00, v32;
	v24 =	vmul.f32 v24, v27;
	v62 =	vmul.f32 v20, v28  }
0xca: {  	v19 =	vmul.f32 v59, v21;
	v21 =	vadd.f32 $1.500000000e+00, v60;
	v23 =	vadd.f32 $1.500000000e+00, v23  }
0xcb: {  	v20 =	vmul.f32 v61, v22;
	v24 =	vadd.f32 $1.500000000e+00, v24;
	v63 =	vadd.f32 $1.500000000e+00, v62  }
0xcc: {  	v21 =	vmul.f32 v21, v25;
	v22 =	vmul.f32 v23, v26  }
0xcd: {  	s17 =	simm.s32 $0x0;
	v23 =	vmul.f32 v24, v27;
	v24 =	vmul.f32 v63, v28  }
.LBB2_5:
0xce: {  	v25 =	vadd.s32 s17, v0  }
0xcf: {  	v26 =	vand.u32 $0x3F, v25  }
0xd0: {  	v27 =	vor.u32 v1, v26;
	_ =	sdelay $0x4  }
0xd1: {  	v28 =	vld.idx.msk [tilespmem:v27+s15+$0x0], $0xffff  }
0xd2: {  	v29 =	vor.u32 $0x40, v26;
	_ =	sdelay $0x2  }
0xd3: {  	v30 =	vld.idx.msk [tilespmem:v26+s12+$0x0], $0xffff  }
0xd4: {  	v28 =	vsub.f32 v28, v9  }
0xd5: {  	v29 =	vld.idx.msk [tilespmem:v29+s12+$0x0], $0xffff  }
0xd6: {  	v25 =	vand.u32 $0x7, v25;
	v27 =	vand.u32 $0x3F8, v27;
	v28 =	vmul.f32 v28, v13  }
0xd7: {  	v27 =	vor.u32 v25, v27  }
0xd8: {  	v31 =	vor.u32 v2, v26;
	v28 =	vmul.f32 v28, v30;
	_ =	sdelay $0x1  }
0xd9: {  	v28 =	vadd.f32 v28, v29;
	_ =	sdelay $0x1  }
0xda: {  	[tilespmem:v27+s31+$0x0] =	vst.idx.msk $0xffff, v28  }
0xdb: {  	v27 =	vld.idx.msk [tilespmem:v31+s15+$0x0], $0xffff;
	_ =	sdelay $0x4  }
0xdc: {  	v27 =	vsub.f32 v27, v10;
	_ =	sdelay $0x1  }
0xdd: {  	v46 =	vand.u32 $0x7F8, v31;
	v27 =	vmul.f32 v27, v14  }
0xde: {  	v28 =	vor.u32 v25, v46  }
0xdf: {  	v47 =	vor.u32 v3, v26;
	v27 =	vmul.f32 v27, v30;
	_ =	sdelay $0x1  }
0xe0: {  	v27 =	vadd.f32 v27, v29;
	_ =	sdelay $0x1  }
0xe1: {  	[tilespmem:v28+s31+$0x0] =	vst.idx.msk $0xffff, v27  }
0xe2: {  	v27 =	vld.idx.msk [tilespmem:v47+s15+$0x0], $0xffff;
	_ =	sdelay $0x4  }
0xe3: {  	v27 =	vsub.f32 v27, v11;
	_ =	sdelay $0x1  }
0xe4: {  	v48 =	vand.u32 $0xBF8, v47;
	v27 =	vmul.f32 v27, v19  }
0xe5: {  	v28 =	vor.u32 v25, v48  }
0xe6: {  	v49 =	vor.u32 v4, v26;
	v27 =	vmul.f32 v27, v30;
	_ =	sdelay $0x1  }
0xe7: {  	v27 =	vadd.f32 v27, v29;
	_ =	sdelay $0x1  }
0xe8: {  	[tilespmem:v28+s31+$0x0] =	vst.idx.msk $0xffff, v27  }
0xe9: {  	v27 =	vld.idx.msk [tilespmem:v49+s15+$0x0], $0xffff;
	_ =	sdelay $0x4  }
0xea: {  	v27 =	vsub.f32 v27, v12;
	_ =	sdelay $0x1  }
0xeb: {  	v50 =	vand.u32 $0xFF8, v49;
	v27 =	vmul.f32 v27, v20  }
0xec: {  	v28 =	vor.u32 v25, v50  }
0xed: {  	v51 =	vor.u32 v5, v26;
	v27 =	vmul.f32 v27, v30;
	_ =	sdelay $0x1  }
0xee: {  	v27 =	vadd.f32 v27, v29;
	_ =	sdelay $0x1  }
0xef: {  	[tilespmem:v28+s31+$0x0] =	vst.idx.msk $0xffff, v27  }
0xf0: {  	v27 =	vld.idx.msk [tilespmem:v51+s15+$0x0], $0xffff;
	_ =	sdelay $0x4  }
0xf1: {  	v27 =	vsub.f32 v27, v15;
	_ =	sdelay $0x1  }
0xf2: {  	v52 =	vand.u32 $0x13F8, v51;
	v27 =	vmul.f32 v27, v21  }
0xf3: {  	v28 =	vor.u32 v25, v52  }
0xf4: {  	v53 =	vor.u32 v6, v26;
	v27 =	vmul.f32 v27, v30;
	_ =	sdelay $0x1  }
0xf5: {  	v27 =	vadd.f32 v27, v29;
	_ =	sdelay $0x1  }
0xf6: {  	[tilespmem:v28+s31+$0x0] =	vst.idx.msk $0xffff, v27  }
0xf7: {  	v27 =	vld.idx.msk [tilespmem:v53+s15+$0x0], $0xffff;
	_ =	sdelay $0x4  }
0xf8: {  	v27 =	vsub.f32 v27, v16;
	_ =	sdelay $0x1  }
0xf9: {  	v54 =	vand.u32 $0x17F8, v53;
	v27 =	vmul.f32 v27, v22  }
0xfa: {  	v28 =	vor.u32 v25, v54  }
0xfb: {  	v55 =	vor.u32 v7, v26;
	v27 =	vmul.f32 v27, v30;
	_ =	sdelay $0x1  }
0xfc: {  	v27 =	vadd.f32 v27, v29;
	_ =	sdelay $0x1  }
0xfd: {  	[tilespmem:v28+s31+$0x0] =	vst.idx.msk $0xffff, v27  }
0xfe: {  	v27 =	vld.idx.msk [tilespmem:v55+s15+$0x0], $0xffff;
	_ =	sdelay $0x4  }
0xff: {  	v27 =	vsub.f32 v27, v17;
	_ =	sdelay $0x1  }
0x100: {  	v56 =	vand.u32 $0x1BF8, v55;
	v27 =	vmul.f32 v27, v23  }
0x101: {  	v28 =	vor.u32 v25, v56  }
0x102: {  	v26 =	vor.u32 v8, v26;
	v27 =	vmul.f32 v27, v30;
	_ =	sdelay $0x1  }
0x103: {  	v27 =	vadd.f32 v27, v29;
	_ =	sdelay $0x1  }
0x104: {  	[tilespmem:v28+s31+$0x0] =	vst.idx.msk $0xffff, v27  }
0x105: {  	v27 =	vld.idx.msk [tilespmem:v26+s15+$0x0], $0xffff;
	_ =	sdelay $0x4  }
0x106: {  	v27 =	vsub.f32 v27, v18  }
0x107: {  	s18 =	sadd.s32 $0x1, s17  }
0x108: {  	v57 =	vadd.s32 s18, v0;
	v26 =	vand.u32 $0x1FF8, v26;
	v27 =	vmul.f32 v27, v24  }
0x109: {  	v25 =	vor.u32 v25, v26;
	v26 =	vand.u32 $0x3F, v57  }
0x10a: {  	v58 =	vor.u32 v1, v26;
	v27 =	vmul.f32 v27, v30;
	_ =	sdelay $0x1  }
0x10b: {  	v27 =	vadd.f32 v27, v29;
	_ =	sdelay $0x1  }
0x10c: {  	[tilespmem:v25+s31+$0x0] =	vst.idx.msk $0xffff, v27  }
0x10d: {  	v25 =	vld.idx.msk [tilespmem:v58+s15+$0x0], $0xffff  }
0x10e: {  	v27 =	vor.u32 $0x40, v26;
	_ =	sdelay $0x2  }
0x10f: {  	v59 =	vld.idx.msk [tilespmem:v26+s12+$0x0], $0xffff  }
0x110: {  	v25 =	vsub.f32 v25, v9  }
0x111: {  	v27 =	vld.idx.msk [tilespmem:v27+s12+$0x0], $0xffff  }
0x112: {  	v28 =	vand.u32 $0x7, v57;
	v30 =	vand.u32 $0x3F8, v58;
	v25 =	vmul.f32 v25, v13  }
0x113: {  	v30 =	vor.u32 v28, v30  }
0x114: {  	v60 =	vor.u32 v2, v26;
	v25 =	vmul.f32 v25, v59;
	_ =	sdelay $0x1  }
0x115: {  	v25 =	vadd.f32 v25, v27;
	_ =	sdelay $0x1  }
0x116: {  	[tilespmem:v30+s31+$0x0] =	vst.idx.msk $0xffff, v25  }
0x117: {  	v25 =	vld.idx.msk [tilespmem:v60+s15+$0x0], $0xffff;
	_ =	sdelay $0x4  }
0x118: {  	v25 =	vsub.f32 v25, v10;
	_ =	sdelay $0x1  }
0x119: {  	v61 =	vand.u32 $0x7F8, v60;
	v25 =	vmul.f32 v25, v14  }
0x11a: {  	v30 =	vor.u32 v28, v61  }
0x11b: {  	v62 =	vor.u32 v3, v26;
	v25 =	vmul.f32 v25, v59;
	_ =	sdelay $0x1  }
0x11c: {  	v25 =	vadd.f32 v25, v27;
	_ =	sdelay $0x1  }
0x11d: {  	[tilespmem:v30+s31+$0x0] =	vst.idx.msk $0xffff, v25  }
0x11e: {  	v25 =	vld.idx.msk [tilespmem:v62+s15+$0x0], $0xffff;
	_ =	sdelay $0x4  }
0x11f: {  	v25 =	vsub.f32 v25, v11;
	_ =	sdelay $0x1  }
0x120: {  	v63 =	vand.u32 $0xBF8, v62;
	v25 =	vmul.f32 v25, v19  }
0x121: {  	v30 =	vor.u32 v28, v63  }
0x122: {  	v33 =	vor.u32 v4, v26;
	v25 =	vmul.f32 v25, v59;
	_ =	sdelay $0x1  }
0x123: {  	v25 =	vadd.f32 v25, v27;
	_ =	sdelay $0x1  }
0x124: {  	[tilespmem:v30+s31+$0x0] =	vst.idx.msk $0xffff, v25  }
0x125: {  	v25 =	vld.idx.msk [tilespmem:v33+s15+$0x0], $0xffff;
	_ =	sdelay $0x4  }
0x126: {  	v25 =	vsub.f32 v25, v12;
	_ =	sdelay $0x1  }
0x127: {  	v34 =	vand.u32 $0xFF8, v33;
	v25 =	vmul.f32 v25, v20  }
0x128: {  	v30 =	vor.u32 v28, v34  }
0x129: {  	v35 =	vor.u32 v5, v26;
	v25 =	vmul.f32 v25, v59;
	_ =	sdelay $0x1  }
0x12a: {  	v25 =	vadd.f32 v25, v27;
	_ =	sdelay $0x1  }
0x12b: {  	[tilespmem:v30+s31+$0x0] =	vst.idx.msk $0xffff, v25  }
0x12c: {  	v25 =	vld.idx.msk [tilespmem:v35+s15+$0x0], $0xffff;
	_ =	sdelay $0x4  }
0x12d: {  	v25 =	vsub.f32 v25, v15;
	_ =	sdelay $0x1  }
0x12e: {  	v36 =	vand.u32 $0x13F8, v35;
	v25 =	vmul.f32 v25, v21  }
0x12f: {  	v30 =	vor.u32 v28, v36  }
0x130: {  	v37 =	vor.u32 v6, v26;
	v25 =	vmul.f32 v25, v59;
	_ =	sdelay $0x1  }
0x131: {  	v25 =	vadd.f32 v25, v27;
	_ =	sdelay $0x1  }
0x132: {  	[tilespmem:v30+s31+$0x0] =	vst.idx.msk $0xffff, v25  }
0x133: {  	v25 =	vld.idx.msk [tilespmem:v37+s15+$0x0], $0xffff;
	_ =	sdelay $0x4  }
0x134: {  	v25 =	vsub.f32 v25, v16;
	_ =	sdelay $0x1  }
0x135: {  	v38 =	vand.u32 $0x17F8, v37;
	v25 =	vmul.f32 v25, v22  }
0x136: {  	v30 =	vor.u32 v28, v38  }
0x137: {  	v39 =	vor.u32 v7, v26;
	v25 =	vmul.f32 v25, v59;
	_ =	sdelay $0x1  }
0x138: {  	v25 =	vadd.f32 v25, v27;
	_ =	sdelay $0x1  }
0x139: {  	[tilespmem:v30+s31+$0x0] =	vst.idx.msk $0xffff, v25  }
0x13a: {  	v25 =	vld.idx.msk [tilespmem:v39+s15+$0x0], $0xffff;
	_ =	sdelay $0x4  }
0x13b: {  	v25 =	vsub.f32 v25, v17;
	_ =	sdelay $0x1  }
0x13c: {  	v40 =	vand.u32 $0x1BF8, v39;
	v25 =	vmul.f32 v25, v23  }
0x13d: {  	v30 =	vor.u32 v28, v40  }
0x13e: {  	v26 =	vor.u32 v8, v26;
	v25 =	vmul.f32 v25, v59;
	_ =	sdelay $0x1  }
0x13f: {  	v25 =	vadd.f32 v25, v27;
	_ =	sdelay $0x1  }
0x140: {  	[tilespmem:v30+s31+$0x0] =	vst.idx.msk $0xffff, v25  }
0x141: {  	v25 =	vld.idx.msk [tilespmem:v26+s15+$0x0], $0xffff;
	_ =	sdelay $0x4  }
0x142: {  	v25 =	vsub.f32 v25, v18  }
0x143: {  	s20 =	sadd.s32 $0x2, s17  }
0x144: {  	v41 =	vadd.s32 s20, v0;
	v26 =	vand.u32 $0x1FF8, v26;
	v25 =	vmul.f32 v25, v24  }
0x145: {  	v42 =	vand.u32 $0x3F, v41;
	v26 =	vor.u32 v28, v26  }
0x146: {  	v43 =	vor.u32 v1, v42;
	v25 =	vmul.f32 v25, v59;
	_ =	sdelay $0x1  }
0x147: {  	v25 =	vadd.f32 v25, v27;
	_ =	sdelay $0x1  }
0x148: {  	[tilespmem:v26+s31+$0x0] =	vst.idx.msk $0xffff, v25  }
0x149: {  	v25 =	vld.idx.msk [tilespmem:v43+s15+$0x0], $0xffff  }
0x14a: {  	v26 =	vor.u32 $0x40, v42;
	_ =	sdelay $0x2  }
0x14b: {  	v27 =	vld.idx.msk [tilespmem:v42+s12+$0x0], $0xffff  }
0x14c: {  	v25 =	vsub.f32 v25, v9  }
0x14d: {  	v26 =	vld.idx.msk [tilespmem:v26+s12+$0x0], $0xffff  }
0x14e: {  	v29 =	vand.u32 $0x3F8, v43;
	v30 =	vand.u32 $0x7, v41;
	v25 =	vmul.f32 v25, v13  }
0x14f: {  	v29 =	vor.u32 v30, v29  }
0x150: {  	v44 =	vor.u32 v2, v42;
	v25 =	vmul.f32 v25, v27;
	_ =	sdelay $0x1  }
0x151: {  	v25 =	vadd.f32 v25, v26;
	_ =	sdelay $0x1  }
0x152: {  	[tilespmem:v29+s31+$0x0] =	vst.idx.msk $0xffff, v25  }
0x153: {  	v25 =	vld.idx.msk [tilespmem:v44+s15+$0x0], $0xffff;
	_ =	sdelay $0x4  }
0x154: {  	v25 =	vsub.f32 v25, v10;
	_ =	sdelay $0x1  }
0x155: {  	v45 =	vand.u32 $0x7F8, v44;
	v25 =	vmul.f32 v25, v14  }
0x156: {  	v29 =	vor.u32 v30, v45  }
0x157: {  	v46 =	vor.u32 v3, v42;
	v25 =	vmul.f32 v25, v27;
	_ =	sdelay $0x1  }
0x158: {  	v25 =	vadd.f32 v25, v26;
	_ =	sdelay $0x1  }
0x159: {  	[tilespmem:v29+s31+$0x0] =	vst.idx.msk $0xffff, v25  }
0x15a: {  	v25 =	vld.idx.msk [tilespmem:v46+s15+$0x0], $0xffff;
	_ =	sdelay $0x4  }
0x15b: {  	v25 =	vsub.f32 v25, v11;
	_ =	sdelay $0x1  }
0x15c: {  	v47 =	vand.u32 $0xBF8, v46;
	v25 =	vmul.f32 v25, v19  }
0x15d: {  	v29 =	vor.u32 v30, v47  }
0x15e: {  	v48 =	vor.u32 v4, v42;
	v25 =	vmul.f32 v25, v27;
	_ =	sdelay $0x1  }
0x15f: {  	v25 =	vadd.f32 v25, v26;
	_ =	sdelay $0x1  }
0x160: {  	[tilespmem:v29+s31+$0x0] =	vst.idx.msk $0xffff, v25  }
0x161: {  	v25 =	vld.idx.msk [tilespmem:v48+s15+$0x0], $0xffff;
	_ =	sdelay $0x4  }
0x162: {  	v25 =	vsub.f32 v25, v12;
	_ =	sdelay $0x1  }
0x163: {  	v49 =	vand.u32 $0xFF8, v48;
	v25 =	vmul.f32 v25, v20  }
0x164: {  	v29 =	vor.u32 v30, v49  }
0x165: {  	v50 =	vor.u32 v5, v42;
	v25 =	vmul.f32 v25, v27;
	_ =	sdelay $0x1  }
0x166: {  	v25 =	vadd.f32 v25, v26;
	_ =	sdelay $0x1  }
0x167: {  	[tilespmem:v29+s31+$0x0] =	vst.idx.msk $0xffff, v25  }
0x168: {  	v25 =	vld.idx.msk [tilespmem:v50+s15+$0x0], $0xffff;
	_ =	sdelay $0x4  }
0x169: {  	v25 =	vsub.f32 v25, v15;
	_ =	sdelay $0x1  }
0x16a: {  	v51 =	vand.u32 $0x13F8, v50;
	v25 =	vmul.f32 v25, v21  }
0x16b: {  	v29 =	vor.u32 v30, v51  }
0x16c: {  	v52 =	vor.u32 v6, v42;
	v25 =	vmul.f32 v25, v27;
	_ =	sdelay $0x1  }
0x16d: {  	v25 =	vadd.f32 v25, v26;
	_ =	sdelay $0x1  }
0x16e: {  	[tilespmem:v29+s31+$0x0] =	vst.idx.msk $0xffff, v25  }
0x16f: {  	v25 =	vld.idx.msk [tilespmem:v52+s15+$0x0], $0xffff;
	_ =	sdelay $0x4  }
0x170: {  	v25 =	vsub.f32 v25, v16;
	_ =	sdelay $0x1  }
0x171: {  	v53 =	vand.u32 $0x17F8, v52;
	v25 =	vmul.f32 v25, v22  }
0x172: {  	v29 =	vor.u32 v30, v53  }
0x173: {  	v54 =	vor.u32 v7, v42;
	v25 =	vmul.f32 v25, v27;
	_ =	sdelay $0x1  }
0x174: {  	v25 =	vadd.f32 v25, v26;
	_ =	sdelay $0x1  }
0x175: {  	[tilespmem:v29+s31+$0x0] =	vst.idx.msk $0xffff, v25  }
0x176: {  	v25 =	vld.idx.msk [tilespmem:v54+s15+$0x0], $0xffff;
	_ =	sdelay $0x4  }
0x177: {  	v25 =	vsub.f32 v25, v17;
	_ =	sdelay $0x1  }
0x178: {  	v55 =	vand.u32 $0x1BF8, v54;
	v25 =	vmul.f32 v25, v23  }
0x179: {  	v29 =	vor.u32 v30, v55  }
0x17a: {  	v28 =	vor.u32 v8, v42;
	v25 =	vmul.f32 v25, v27;
	_ =	sdelay $0x1  }
0x17b: {  	v25 =	vadd.f32 v25, v26;
	_ =	sdelay $0x1  }
0x17c: {  	[tilespmem:v29+s31+$0x0] =	vst.idx.msk $0xffff, v25  }
0x17d: {  	v25 =	vld.idx.msk [tilespmem:v28+s15+$0x0], $0xffff;
	_ =	sdelay $0x4  }
0x17e: {  	v25 =	vsub.f32 v25, v18  }
0x17f: {  	s21 =	sadd.s32 $0x3, s17  }
0x180: {  	v56 =	vadd.s32 s21, v0;
	v28 =	vand.u32 $0x1FF8, v28;
	v25 =	vmul.f32 v25, v24  }
0x181: {  	v57 =	vand.u32 $0x3F, v56;
	v28 =	vor.u32 v30, v28  }
0x182: {  	v25 =	vmul.f32 v25, v27;
	v27 =	vor.u32 v1, v57;
	_ =	sdelay $0x1  }
0x183: {  	v25 =	vadd.f32 v25, v26;
	_ =	sdelay $0x1  }
0x184: {  	[tilespmem:v28+s31+$0x0] =	vst.idx.msk $0xffff, v25  }
0x185: {  	v25 =	vld.idx.msk [tilespmem:v27+s15+$0x0], $0xffff  }
0x186: {  	v26 =	vor.u32 $0x40, v57;
	_ =	sdelay $0x2  }
0x187: {  	v28 =	vld.idx.msk [tilespmem:v57+s12+$0x0], $0xffff  }
0x188: {  	v25 =	vsub.f32 v25, v9  }
0x189: {  	v26 =	vld.idx.msk [tilespmem:v26+s12+$0x0], $0xffff  }
0x18a: {  	v29 =	vand.u32 $0x7, v56;
	v27 =	vand.u32 $0x3F8, v27;
	v25 =	vmul.f32 v25, v13  }
0x18b: {  	v27 =	vor.u32 v29, v27  }
0x18c: {  	v58 =	vor.u32 v2, v57;
	v25 =	vmul.f32 v25, v28;
	_ =	sdelay $0x1  }
0x18d: {  	v25 =	vadd.f32 v25, v26;
	_ =	sdelay $0x1  }
0x18e: {  	[tilespmem:v27+s31+$0x0] =	vst.idx.msk $0xffff, v25  }
0x18f: {  	v25 =	vld.idx.msk [tilespmem:v58+s15+$0x0], $0xffff;
	_ =	sdelay $0x4  }
0x190: {  	v25 =	vsub.f32 v25, v10;
	_ =	sdelay $0x1  }
0x191: {  	v27 =	vand.u32 $0x7F8, v58;
	v25 =	vmul.f32 v25, v14  }
0x192: {  	v27 =	vor.u32 v29, v27  }
0x193: {  	v59 =	vor.u32 v3, v57;
	v25 =	vmul.f32 v25, v28;
	_ =	sdelay $0x1  }
0x194: {  	v25 =	vadd.f32 v25, v26;
	_ =	sdelay $0x1  }
0x195: {  	[tilespmem:v27+s31+$0x0] =	vst.idx.msk $0xffff, v25  }
0x196: {  	v25 =	vld.idx.msk [tilespmem:v59+s15+$0x0], $0xffff;
	_ =	sdelay $0x4  }
0x197: {  	v25 =	vsub.f32 v25, v11;
	_ =	sdelay $0x1  }
0x198: {  	v27 =	vand.u32 $0xBF8, v59;
	v25 =	vmul.f32 v25, v19  }
0x199: {  	v27 =	vor.u32 v29, v27  }
0x19a: {  	v60 =	vor.u32 v4, v57;
	v25 =	vmul.f32 v25, v28;
	_ =	sdelay $0x1  }
0x19b: {  	v25 =	vadd.f32 v25, v26;
	_ =	sdelay $0x1  }
0x19c: {  	[tilespmem:v27+s31+$0x0] =	vst.idx.msk $0xffff, v25  }
0x19d: {  	v25 =	vld.idx.msk [tilespmem:v60+s15+$0x0], $0xffff;
	_ =	sdelay $0x4  }
0x19e: {  	v25 =	vsub.f32 v25, v12;
	_ =	sdelay $0x1  }
0x19f: {  	v27 =	vand.u32 $0xFF8, v60;
	v25 =	vmul.f32 v25, v20  }
0x1a0: {  	v27 =	vor.u32 v29, v27  }
0x1a1: {  	v61 =	vor.u32 v5, v57;
	v25 =	vmul.f32 v25, v28;
	_ =	sdelay $0x1  }
0x1a2: {  	v25 =	vadd.f32 v25, v26;
	_ =	sdelay $0x1  }
0x1a3: {  	[tilespmem:v27+s31+$0x0] =	vst.idx.msk $0xffff, v25  }
0x1a4: {  	v25 =	vld.idx.msk [tilespmem:v61+s15+$0x0], $0xffff;
	_ =	sdelay $0x4  }
0x1a5: {  	v25 =	vsub.f32 v25, v15;
	_ =	sdelay $0x1  }
0x1a6: {  	v27 =	vand.u32 $0x13F8, v61;
	v25 =	vmul.f32 v25, v21  }
0x1a7: {  	v27 =	vor.u32 v29, v27  }
0x1a8: {  	v62 =	vor.u32 v6, v57;
	v25 =	vmul.f32 v25, v28;
	_ =	sdelay $0x1  }
0x1a9: {  	v25 =	vadd.f32 v25, v26;
	_ =	sdelay $0x1  }
0x1aa: {  	[tilespmem:v27+s31+$0x0] =	vst.idx.msk $0xffff, v25  }
0x1ab: {  	v25 =	vld.idx.msk [tilespmem:v62+s15+$0x0], $0xffff;
	_ =	sdelay $0x4  }
0x1ac: {  	v25 =	vsub.f32 v25, v16;
	_ =	sdelay $0x1  }
0x1ad: {  	v27 =	vand.u32 $0x17F8, v62;
	v25 =	vmul.f32 v25, v22  }
0x1ae: {  	v27 =	vor.u32 v29, v27  }
0x1af: {  	v63 =	vor.u32 v7, v57;
	v25 =	vmul.f32 v25, v28;
	_ =	sdelay $0x1  }
0x1b0: {  	v25 =	vadd.f32 v25, v26;
	_ =	sdelay $0x1  }
0x1b1: {  	[tilespmem:v27+s31+$0x0] =	vst.idx.msk $0xffff, v25  }
0x1b2: {  	v25 =	vld.idx.msk [tilespmem:v63+s15+$0x0], $0xffff;
	_ =	sdelay $0x4  }
0x1b3: {  	v25 =	vsub.f32 v25, v17;
	_ =	sdelay $0x1  }
0x1b4: {  	v27 =	vand.u32 $0x1BF8, v63;
	v25 =	vmul.f32 v25, v23  }
0x1b5: {  	v27 =	vor.u32 v29, v27  }
0x1b6: {  	v30 =	vor.u32 v8, v57;
	v25 =	vmul.f32 v25, v28;
	_ =	sdelay $0x1  }
0x1b7: {  	v25 =	vadd.f32 v25, v26;
	_ =	sdelay $0x1  }
0x1b8: {  	[tilespmem:v27+s31+$0x0] =	vst.idx.msk $0xffff, v25  }
0x1b9: {  	v25 =	vld.idx.msk [tilespmem:v30+s15+$0x0], $0xffff;
	_ =	sdelay $0x4  }
0x1ba: {  	v25 =	vsub.f32 v25, v18;
	_ =	sdelay $0x1  }
0x1bb: {  	v27 =	vand.u32 $0x1FF8, v30;
	v25 =	vmul.f32 v25, v24  }
0x1bc: {  	p0 =	sne.s32 s17, $0x3C;
	v27 =	vor.u32 v29, v27  }
.Ltmp1:
0x1bd: {  	v25 =	vmul.f32 v25, v28;
	(pc) =	sbr.rel @p0 .LBB2_5-.Ltmp1, $3  }
0x1be: {  	_ = 	snop  }
0x1bf: {  	v25 =	vadd.f32 v25, v26;
	_ =	sdelay $0x1  }
0x1c0: {  	s17 =	sadd.s32 $0x4, s17;
	[tilespmem:v27+s31+$0x0] =	vst.idx.msk $0xffff, v25  }
0x1c1: {  	p0 =	seq.s32 s16, $0x18  }
0x1c2: {  	s17 =	sshll.u32 @!p0 s16, $0x8  }
0x1c3: {  	s17 =	sand.u32 @!p0 $0x3FFFFF00, s17  }
0x1c4: {  	s19 =	simm.s32 @!p0 $0x20;
	s20 =	simm.s32 @!p0 $0x1900;
	s18 =	sadd.s32 @!p0 $0x100, s17  }
0x1c5: {  	[tilespmem:s20], [sflag:$0x1] =	stream.indirect.gather @!p0 [hbm4b:s6+s19], $0x40, s18, s19, $0xb8;
	[tilespmem:$0x9980] =	vst v63  }
0x1c6: {  	s18 =	sadd.s32 @!p0 $0x120, s17;
	s20 =	simm.s32 @!p0 $0x2100  }
0x1c7: {  	[tilespmem:s20], [sflag:$0x1] =	stream.indirect.gather @!p0 [hbm4b:s6+s19], $0x40, s18, s19, $0xb8;
	[tilespmem:$0x9980] =	vst v63  }
0x1c8: {  	s18 =	sadd.s32 @!p0 $0x140, s17;
	s20 =	simm.s32 @!p0 $0x2900  }
0x1c9: {  	[tilespmem:s20], [sflag:$0x1] =	stream.indirect.gather @!p0 [hbm4b:s6+s19], $0x40, s18, s19, $0xb8;
	[tilespmem:$0x9980] =	vst v63  }
0x1ca: {  	p1 =	seq.s32 @!p0 s16, $0x0;
	s18 =	sadd.s32 @!p0 $0x160, s17;
	s20 =	simm.s32 @!p0 $0x3100  }
0x1cb: {  	[tilespmem:s20], [sflag:$0x1] =	stream.indirect.gather @!p0 [hbm4b:s6+s19], $0x40, s18, s19, $0xb8;
	[tilespmem:$0x9980] =	vst v63  }
0x1cc: {  	p1 =	por p0, !p1;
	s20 =	sshll.u32 s16, $0xE  }
0x1cd: {  	_ =	swait.ge @p1 [sflag:s1], $0x2000;
	s18 =	sadd.s32 s8, s20  }
0x1ce: {  	[sflag:s1] =	ssyncset.done @p1 $0x0;
	s18 =	sshrl.u32 s18, $0x3  }
0x1cf: {  	s21 =	simm.s32 $0x0;
	[sflag:s1] =	ssyncadd.s32 @p1 $0xFFFFE000;
	s18 =	sadd.s32 s4, s18  }
0x1d0: {  	[hbm4b:s18+s21] =	stream.linear.scatter [tilespmem:s31], [sflag:$0x3], $0x2000, $0x38;
	[tilespmem:$0x9980] =	vst v63  }
0x1d1: {  	_ =	swait.ge [sflag:s2], $0x800  }
0x1d2: {  	[sflag:s2] =	ssyncset.done $0x0  }
0x1d3: {  	[sflag:s2] =	ssyncadd.s32 $0xFFFFF800  }
0x1d4: {  	_ =	swait.ge [sflag:s2], $0x800  }
0x1d5: {  	[sflag:s2] =	ssyncset.done $0x0  }
0x1d6: {  	v9 =	vadd.s32 s21, v0;
	[sflag:s2] =	ssyncadd.s32 $0xFFFFF800  }
0x1d7: {  	v10 =	vand.u32 $0x3F, v9;
	s20 =	simm.s32 $0x1;
	_ =	swait.ge [sflag:s2], $0x800  }
0x1d8: {  	v12 =	vor.u32 v1, v10;
	v13 =	vadd.s32 s20, v0;
	[sflag:s2] =	ssyncset.done $0x0  }
0x1d9: {  	v15 =	vor.u32 v2, v10;
	s19 =	simm.s32 $0x3;
	v16 =	vand.u32 $0x3F, v13;
	[sflag:s2] =	ssyncadd.s32 $0xFFFFF800  }
0x1da: {  	v17 =	vor.u32 v3, v10;
	v11 =	vadd.s32 s19, v0;
	v18 =	vor.u32 v1, v16;
	_ =	swait.ge [sflag:s2], $0x800  }
0x1db: {  	v21 =	vor.u32 v4, v10;
	v13 =	vand.u32 $0x3F, v11;
	v22 =	vor.u32 v2, v16;
	[sflag:s2] =	ssyncset.done $0x0  }
0x1dc: {  	v24 =	vor.u32 v5, v10;
	v25 =	vor.u32 v6, v10;
	v26 =	vor.u32 v1, v13;
	[sflag:s2] =	ssyncadd.s32 $0xFFFFF800  }
0x1dd: {  	v20 =	vor.u32 v7, v10;
	v11 =	vor.u32 v8, v10;
	v27 =	vor.u32 v2, v13;
	v10 =	vld.idx.msk [tilespmem:v12+s22+$0x0], $0xffff  }
0x1de: {  	v15 =	vld.idx.msk [tilespmem:v15+s22+$0x0], $0xffff  }
0x1df: {  	v9 =	vimm.f32 $0.0e+00;
	s21 =	simm.s32 $0x2;
	v31 =	vor.u32 v3, v13;
	v34 =	vld.idx.msk [tilespmem:v18+s22+$0x0], $0xffff  }
0x1e0: {  	v38 =	vor.u32 v3, v16;
	v39 =	vor.u32 v4, v16;
	v14 =	vadd.s32 s21, v0;
	v22 =	vld.idx.msk [tilespmem:v22+s22+$0x0], $0xffff  }
0x1e1: {  	v45 =	vor.u32 v5, v16;
	v37 =	vor.u32 v6, v16;
	v19 =	vand.u32 $0x3F, v14;
	v43 =	vld.idx.msk [tilespmem:v26+s22+$0x0], $0xffff  }
0x1e2: {  	v29 =	vor.u32 v7, v16;
	v23 =	vor.u32 v1, v19;
	v26 =	vor.u32 v8, v16;
	v16 =	vld.idx.msk [tilespmem:v27+s22+$0x0], $0xffff  }
0x1e3: {  	v32 =	vor.u32 v4, v13;
	v30 =	vor.u32 v5, v13;
	v12 =	vor.u32 v2, v19;
	v17 =	vld.idx.msk [tilespmem:v17+s22+$0x0], $0xffff  }
0x1e4: {  	v28 =	vor.u32 v6, v13;
	v14 =	vor.u32 v7, v13;
	v13 =	vor.u32 v8, v13;
	v60 =	vld.idx.msk [tilespmem:v21+s22+$0x0], $0xffff  }
0x1e5: {  	v33 =	vor.u32 v3, v19;
	v40 =	vor.u32 v4, v19;
	v36 =	vor.u32 v5, v19;
	v47 =	vld.idx.msk [tilespmem:v38+s22+$0x0], $0xffff  }
0x1e6: {  	v35 =	vor.u32 v6, v19;
	v18 =	vor.u32 v7, v19;
	v19 =	vor.u32 v8, v19;
	v38 =	vld.idx.msk [tilespmem:v39+s22+$0x0], $0xffff  }
0x1e7: {  	v23 =	vld.idx.msk [tilespmem:v23+s22+$0x0], $0xffff;
	v41 =	vmul.f32 v10, v10;
	v42 =	vmul.f32 v15, v15;
	v10 =	vadd.f32 v10, v9  }
0x1e8: {  	v12 =	vld.idx.msk [tilespmem:v12+s22+$0x0], $0xffff;
	v59 =	vmul.f32 v34, v34;
	v15 =	vadd.f32 v15, v9;
	v44 =	vmul.f32 v22, v22  }
0x1e9: {  	v62 =	vmul.f32 v16, v16;
	v27 =	vadd.f32 v41, v9;
	v42 =	vadd.f32 v42, v9  }
0x1ea: {  	v63 =	vmul.f32 v17, v17;
	v10 =	vadd.f32 v34, v10;
	v15 =	vadd.f32 v22, v15  }
0x1eb: {  	v46 =	vmul.f32 v38, v38;
	v41 =	vld.idx.msk [tilespmem:v31+s22+$0x0], $0xffff;
	v31 =	vadd.f32 v60, v9;
	v21 =	vadd.f32 v59, v27  }
0x1ec: {  	v27 =	vmul.f32 v23, v23;
	v22 =	vadd.f32 v44, v42;
	v10 =	vadd.f32 v23, v10  }
0x1ed: {  	v44 =	vld.idx.msk [tilespmem:v25+s22+$0x0], $0xffff;
	v25 =	vimm.f32 $0.0e+00;
	v61 =	vmul.f32 v12, v12;
	v12 =	vadd.f32 v12, v15  }
0x1ee: {  	v39 =	vld.idx.msk [tilespmem:v33+s22+$0x0], $0xffff;
	v21 =	vadd.f32 v27, v21;
	v27 =	vmul.f32 v43, v43;
	v23 =	vadd.f32 v43, v10  }
0x1ef: {  	v43 =	vld.idx.msk [tilespmem:v24+s22+$0x0], $0xffff;
	v24 =	vimm.f32 $0.0e+00;
	v15 =	vadd.f32 v61, v22;
	v10 =	vadd.f32 v16, v12  }
0x1f0: {  	v40 =	vld.idx.msk [tilespmem:v40+s22+$0x0], $0xffff;
	v12 =	vmul.f32 v60, v60;
	v16 =	vadd.f32 v63, v9;
	v22 =	vadd.f32 v27, v21  }
0x1f1: {  	v21 =	vadd.f32 v62, v15;
	v15 =	vadd.f32 v17, v9;
	v17 =	vmul.f32 v47, v47  }
0x1f2: {  	v42 =	vld.idx.msk [tilespmem:v32+s22+$0x0], $0xffff;
	v27 =	vimm.f32 $0.0e+00;
	v32 =	vadd.f32 v12, v9;
	v12 =	vimm.f32 $0.0e+00  }
0x1f3: {  	v33 =	vadd.f32 v47, v15;
	v34 =	vadd.f32 v17, v16;
	v47 =	vmul.f32 v39, v39  }
0x1f4: {  	s18 =	simm.s32 $0x4;
	v45 =	vld.idx.msk [tilespmem:v45+s22+$0x0], $0xffff;
	v16 =	vimm.f32 $0.0e+00;
	v17 =	vimm.f32 $0.0e+00;
	v15 =	vimm.f32 $0.0e+00  }
.LBB2_7:
0x1f5: {  	p2 =	sne.s32 s18, $0x3C;
	v31 =	vadd.f32 v38, v31;
	v32 =	vadd.f32 v46, v32;
	v37 =	vld.idx.msk [tilespmem:v37+s22+$0x0], $0xffff;
	v38 =	vmul.f32 v40, v40  }
0x1f6: {  	v33 =	vadd.f32 v39, v33;
	v34 =	vadd.f32 v47, v34;
	v36 =	vld.idx.msk [tilespmem:v36+s22+$0x0], $0xffff;
	v39 =	vmul.f32 v41, v41  }
0x1f7: {  	v46 =	vmul.f32 v42, v42;
	v40 =	vadd.f32 v40, v31;
	v38 =	vadd.f32 v38, v32;
	v35 =	vld.idx.msk [tilespmem:v35+s22+$0x0], $0xffff  }
0x1f8: {  	v47 =	vmul.f32 v43, v43;
	v31 =	vadd.f32 v41, v33;
	v32 =	vadd.f32 v39, v34;
	v30 =	vld.idx.msk [tilespmem:v30+s22+$0x0], $0xffff  }
0x1f9: {  	v39 =	vmul.f32 v44, v44;
	v33 =	vadd.f32 v42, v40;
	v34 =	vadd.f32 v46, v38;
	v28 =	vld.idx.msk [tilespmem:v28+s22+$0x0], $0xffff  }
0x1fa: {  	v9 =	vadd.f32 v43, v9;
	v27 =	vadd.f32 v47, v27;
	v38 =	vmul.f32 v45, v45;
	v20 =	vld.idx.msk [tilespmem:v20+s22+$0x0], $0xffff  }
0x1fb: {  	v24 =	vadd.f32 v44, v24;
	v25 =	vadd.f32 v39, v25;
	v39 =	vmul.f32 v37, v37;
	v11 =	vld.idx.msk [tilespmem:v11+s22+$0x0], $0xffff  }
0x1fc: {  	v9 =	vadd.f32 v45, v9;
	v27 =	vadd.f32 v38, v27;
	v38 =	vmul.f32 v36, v36;
	v29 =	vld.idx.msk [tilespmem:v29+s22+$0x0], $0xffff  }
0x1fd: {  	v24 =	vadd.f32 v37, v24;
	v25 =	vadd.f32 v39, v25;
	v37 =	vmul.f32 v35, v35;
	v26 =	vld.idx.msk [tilespmem:v26+s22+$0x0], $0xffff  }
0x1fe: {  	v9 =	vadd.f32 v36, v9;
	v27 =	vadd.f32 v38, v27;
	v36 =	vmul.f32 v30, v30;
	v18 =	vld.idx.msk [tilespmem:v18+s22+$0x0], $0xffff  }
0x1ff: {  	v24 =	vadd.f32 v35, v24;
	v25 =	vadd.f32 v37, v25;
	v35 =	vmul.f32 v28, v28;
	v19 =	vld.idx.msk [tilespmem:v19+s22+$0x0], $0xffff  }
0x200: {  	v9 =	vadd.f32 v30, v9;
	v37 =	vmul.f32 v20, v20;
	v27 =	vadd.f32 v36, v27;
	v14 =	vld.idx.msk [tilespmem:v14+s22+$0x0], $0xffff  }
0x201: {  	v24 =	vadd.f32 v28, v24;
	v30 =	vmul.f32 v11, v11;
	v25 =	vadd.f32 v35, v25;
	v13 =	vld.idx.msk [tilespmem:v13+s22+$0x0], $0xffff  }
0x202: {  	v16 =	vadd.f32 v20, v16;
	v17 =	vadd.f32 v37, v17;
	v20 =	vmul.f32 v29, v29  }
0x203: {  	v11 =	vadd.f32 v11, v12;
	v12 =	vadd.f32 v30, v15;
	v15 =	vmul.f32 v26, v26  }
0x204: {  	v16 =	vadd.f32 v29, v16;
	v17 =	vadd.f32 v20, v17;
	v20 =	vmul.f32 v18, v18  }
0x205: {  	v11 =	vadd.f32 v26, v11;
	v12 =	vadd.f32 v15, v12;
	v15 =	vmul.f32 v19, v19  }
0x206: {  	v16 =	vadd.f32 v18, v16;
	v17 =	vadd.f32 v20, v17;
	v18 =	vmul.f32 v14, v14  }
0x207: {  	v11 =	vadd.f32 v19, v11;
	v15 =	vadd.f32 v15, v12;
	v19 =	vmul.f32 v13, v13  }
0x208: {  	v16 =	vadd.f32 v14, v16;
	v17 =	vadd.f32 v18, v17  }
0x209: {  	s19 =	sadd.s32 $0x3, s18;
	v14 =	vadd.s32 s18, v0;
	v12 =	vadd.f32 v13, v11;
	v15 =	vadd.f32 v19, v15  }
0x20a: {  	s20 =	sadd.s32 $0x1, s18;
	s21 =	sadd.s32 $0x2, s18;
	v11 =	vand.u32 $0x3F, v14;
	v13 =	vadd.s32 s19, v0  }
0x20b: {  	v14 =	vor.u32 v1, v11;
	v18 =	vadd.s32 s20, v0;
	v19 =	vadd.s32 s21, v0  }
0x20c: {  	v26 =	vor.u32 v2, v11;
	v13 =	vand.u32 $0x3F, v13;
	v38 =	vand.u32 $0x3F, v18  }
0x20d: {  	v39 =	vor.u32 v3, v11;
	v18 =	vor.u32 v1, v38;
	v19 =	vand.u32 $0x3F, v19  }
0x20e: {  	v40 =	vor.u32 v4, v11;
	v43 =	vor.u32 v5, v11;
	v29 =	vor.u32 v2, v38  }
0x20f: {  	v44 =	vor.u32 v6, v11;
	v20 =	vor.u32 v7, v11;
	v35 =	vor.u32 v1, v19  }
0x210: {  	v11 =	vor.u32 v8, v11;
	v42 =	vor.u32 v1, v13;
	v37 =	vor.u32 v2, v19;
	v41 =	vld.idx.msk [tilespmem:v14+s22+$0x0], $0xffff  }
0x211: {  	v46 =	vor.u32 v2, v13;
	v47 =	vor.u32 v3, v13;
	v48 =	vor.u32 v4, v13;
	v45 =	vld.idx.msk [tilespmem:v26+s22+$0x0], $0xffff  }
0x212: {  	v30 =	vor.u32 v5, v13;
	v28 =	vor.u32 v6, v13;
	v14 =	vor.u32 v7, v13;
	v49 =	vld.idx.msk [tilespmem:v18+s22+$0x0], $0xffff  }
0x213: {  	v51 =	vor.u32 v3, v19;
	v52 =	vor.u32 v4, v19;
	v13 =	vor.u32 v8, v13;
	v50 =	vld.idx.msk [tilespmem:v29+s22+$0x0], $0xffff  }
0x214: {  	v36 =	vor.u32 v5, v19;
	v18 =	vor.u32 v7, v19;
	v53 =	vld.idx.msk [tilespmem:v35+s22+$0x0], $0xffff;
	v35 =	vor.u32 v6, v19  }
0x215: {  	v54 =	vor.u32 v3, v38;
	v55 =	vor.u32 v4, v38;
	v19 =	vor.u32 v8, v19;
	v56 =	vld.idx.msk [tilespmem:v37+s22+$0x0], $0xffff  }
0x216: {  	v58 =	vor.u32 v5, v38;
	v57 =	vmul.f32 v41, v41;
	v37 =	vor.u32 v6, v38;
	v42 =	vld.idx.msk [tilespmem:v42+s22+$0x0], $0xffff  }
0x217: {  	v26 =	vor.u32 v8, v38;
	v29 =	vor.u32 v7, v38;
	v59 =	vmul.f32 v45, v45;
	v46 =	vld.idx.msk [tilespmem:v46+s22+$0x0], $0xffff  }
0x218: {  	v23 =	vadd.f32 v41, v23;
	v22 =	vadd.f32 v57, v22;
	v38 =	vmul.f32 v49, v49;
	v57 =	vld.idx.msk [tilespmem:v39+s22+$0x0], $0xffff  }
0x219: {  	v10 =	vadd.f32 v45, v10;
	v21 =	vadd.f32 v59, v21;
	v39 =	vmul.f32 v50, v50;
	v45 =	vld.idx.msk [tilespmem:v40+s22+$0x0], $0xffff  }
0x21a: {  	v23 =	vadd.f32 v49, v23;
	v22 =	vadd.f32 v38, v22;
	v40 =	vmul.f32 v53, v53;
	v49 =	vld.idx.msk [tilespmem:v54+s22+$0x0], $0xffff  }
0x21b: {  	v10 =	vadd.f32 v50, v10;
	v21 =	vadd.f32 v39, v21;
	v41 =	vmul.f32 v56, v56;
	v38 =	vld.idx.msk [tilespmem:v55+s22+$0x0], $0xffff  }
0x21c: {  	v23 =	vadd.f32 v53, v23;
	v22 =	vadd.f32 v40, v22;
	v50 =	vmul.f32 v42, v42;
	v39 =	vld.idx.msk [tilespmem:v51+s22+$0x0], $0xffff  }
0x21d: {  	v10 =	vadd.f32 v56, v10;
	v21 =	vadd.f32 v41, v21;
	v51 =	vmul.f32 v46, v46;
	v40 =	vld.idx.msk [tilespmem:v52+s22+$0x0], $0xffff  }
.Ltmp2:
0x21e: {  	v23 =	vadd.f32 v42, v23;
	v52 =	vmul.f32 v57, v57;
	v22 =	vadd.f32 v50, v22;
	v41 =	vld.idx.msk [tilespmem:v47+s22+$0x0], $0xffff;
	(pc) =	sbr.rel @p2 .LBB2_7-.Ltmp2, $4  }
0x21f: {  	v10 =	vadd.f32 v46, v10;
	v47 =	vmul.f32 v45, v45;
	v21 =	vadd.f32 v51, v21;
	v42 =	vld.idx.msk [tilespmem:v48+s22+$0x0], $0xffff  }
0x220: {  	v48 =	vadd.f32 v57, v31;
	v50 =	vadd.f32 v52, v32;
	v51 =	vmul.f32 v49, v49;
	v43 =	vld.idx.msk [tilespmem:v43+s22+$0x0], $0xffff  }
0x221: {  	v31 =	vadd.f32 v45, v33;
	v32 =	vadd.f32 v47, v34;
	v46 =	vmul.f32 v38, v38;
	v44 =	vld.idx.msk [tilespmem:v44+s22+$0x0], $0xffff  }
0x222: {  	s18 =	sadd.s32 $0x4, s18;
	v33 =	vadd.f32 v49, v48;
	v34 =	vadd.f32 v51, v50;
	v47 =	vmul.f32 v39, v39;
	v45 =	vld.idx.msk [tilespmem:v58+s22+$0x0], $0xffff  }
0x223: {  	_ =	sdelay $0x2  }
0x224: {  	v31 =	vadd.f32 v38, v31;
	v57 =	vmul.f32 v40, v40  }
0x225: {  	v32 =	vadd.f32 v46, v32;
	v58 =	vmul.f32 v41, v41;
	v37 =	vld.idx.msk [tilespmem:v37+s22+$0x0], $0xffff;
	v22 =	vmul.f32 $1.562500000e-02, v22  }
0x226: {  	v36 =	vld.idx.msk [tilespmem:v36+s22+$0x0], $0xffff;
	v10 =	vmul.f32 $1.562500000e-02, v10;
	v21 =	vmul.f32 $1.562500000e-02, v21;
	v33 =	vadd.f32 v39, v33  }
0x227: {  	v35 =	vld.idx.msk [tilespmem:v35+s22+$0x0], $0xffff;
	v34 =	vadd.f32 v47, v34;
	v59 =	vmul.f32 v42, v42;
	v31 =	vadd.f32 v40, v31  }
0x228: {  	v28 =	vld.idx.msk [tilespmem:v28+s22+$0x0], $0xffff;
	v32 =	vadd.f32 v57, v32;
	v60 =	vmul.f32 v43, v43;
	v62 =	vadd.f32 v43, v9  }
0x229: {  	v20 =	vld.idx.msk [tilespmem:v20+s22+$0x0], $0xffff;
	v9 =	vmul.f32 $1.562500000e-02, v23;
	v33 =	vadd.f32 v41, v33;
	v34 =	vadd.f32 v58, v34  }
0x22a: {  	v61 =	vmul.f32 v44, v44;
	v24 =	vadd.f32 v44, v24;
	v31 =	vadd.f32 v42, v31  }
0x22b: {  	v48 =	vld.idx.msk [tilespmem:v11+s22+$0x0], $0xffff;
	v32 =	vadd.f32 v59, v32;
	v27 =	vadd.f32 v60, v27;
	v63 =	vmul.f32 v45, v45  }
0x22c: {  	v29 =	vld.idx.msk [tilespmem:v29+s22+$0x0], $0xffff;
	v38 =	vadd.f32 v45, v62;
	v44 =	vmul.f32 v9, v9;
	v23 =	vmul.f32 v37, v37  }
0x22d: {  	v26 =	vld.idx.msk [tilespmem:v26+s22+$0x0], $0xffff;
	v25 =	vadd.f32 v61, v25;
	v45 =	vmul.f32 v36, v36;
	v46 =	vmul.f32 v35, v35  }
0x22e: {  	v24 =	vadd.f32 v37, v24;
	v49 =	vmul.f32 v28, v28;
	v50 =	vmul.f32 v20, v20  }
0x22f: {  	v30 =	vld.idx.msk [tilespmem:v30+s22+$0x0], $0xffff;
	v22 =	vsub.f32 v22, v44;
	v23 =	vadd.f32 v23, v25;
	v25 =	vmul.f32 v10, v10  }
0x230: {  	v54 =	vmul.f32 $1.562500000e-02, v34;
	v56 =	vmul.f32 v48, v48;
	v16 =	vadd.f32 v20, v16  }
0x231: {  	v57 =	vmul.f32 v29, v29;
	v22 =	vadd.f32 $9.999999740e-06, v22;
	v21 =	vsub.f32 v21, v25  }
0x232: {  	v58 =	vmul.f32 v26, v26;
	v27 =	vadd.f32 v63, v27;
	v24 =	vadd.f32 v35, v24  }
0x233: {  	v18 =	vld.idx.msk [tilespmem:v18+s22+$0x0], $0xffff;
	v47 =	vshra.s32 v22, $0x1;
	v22 =	vmul.f32 $-5.000000000e-01, v22;
	v21 =	vadd.f32 $9.999999740e-06, v21  }
0x234: {  	v27 =	vadd.f32 v45, v27;
	v25 =	vmul.f32 v30, v30;
	v35 =	vsub.s32 $0x5F3759DF, v47  }
0x235: {  	v51 =	vmul.f32 v35, v22;
	v11 =	vshra.s32 v21, $0x1;
	v21 =	vmul.f32 $-5.000000000e-01, v21  }
0x236: {  	v59 =	vadd.f32 v48, v12;
	v52 =	vsub.s32 $0x5F3759DF, v11;
	v11 =	vmul.f32 $1.562500000e-02, v33  }
0x237: {  	v19 =	vld.idx.msk [tilespmem:v19+s22+$0x0], $0xffff;
	v25 =	vadd.f32 v25, v27;
	v27 =	vmul.f32 v35, v51;
	v53 =	vmul.f32 v52, v21  }
0x238: {  	v43 =	vmul.f32 v18, v18;
	v36 =	vadd.f32 v36, v38;
	v55 =	vmul.f32 v11, v11  }
0x239: {  	v12 =	vmul.f32 $1.562500000e-02, v31;
	v27 =	vadd.f32 $1.500000000e+00, v27;
	v20 =	vmul.f32 v52, v53  }
0x23a: {  	v32 =	vmul.f32 $1.562500000e-02, v32;
	v24 =	vadd.f32 v28, v24;
	v28 =	vsub.f32 v54, v55  }
0x23b: {  	v17 =	vadd.f32 v50, v17;
	v27 =	vmul.f32 v35, v27;
	v20 =	vadd.f32 $1.500000000e+00, v20  }
0x23c: {  	v44 =	vmul.f32 v19, v19;
	v15 =	vadd.f32 v56, v15;
	v28 =	vadd.f32 $9.999999740e-06, v28  }
0x23d: {  	v16 =	vadd.f32 v29, v16;
	v60 =	vmul.f32 v27, v22;
	v20 =	vmul.f32 v52, v20  }
0x23e: {  	v62 =	vmul.f32 v12, v12;
	v61 =	vmul.f32 $-5.000000000e-01, v28;
	v28 =	vshra.s32 v28, $0x1  }
0x23f: {  	v37 =	vmul.f32 v60, v27;
	v63 =	vmul.f32 v20, v21;
	v28 =	vsub.s32 $0x5F3759DF, v28  }
0x240: {  	v48 =	vld.idx.msk [tilespmem:v13+s22+$0x0], $0xffff;
	v13 =	vadd.f32 v26, v59;
	v32 =	vsub.f32 v32, v62;
	v40 =	vmul.f32 v28, v61  }
0x241: {  	v23 =	vadd.f32 v46, v23;
	v41 =	vadd.f32 $1.500000000e+00, v37;
	v42 =	vmul.f32 v63, v20  }
0x242: {  	v30 =	vadd.f32 v30, v36;
	v32 =	vadd.f32 $9.999999740e-06, v32;
	v29 =	vmul.f32 v28, v40  }
0x243: {  	v17 =	vadd.f32 v57, v17;
	v27 =	vmul.f32 v41, v27;
	v45 =	vadd.f32 $1.500000000e+00, v42  }
0x244: {  	v46 =	vld.idx.msk [tilespmem:v14+s22+$0x0], $0xffff;
	v47 =	vshra.s32 v32, $0x1;
	v32 =	vmul.f32 $-5.000000000e-01, v32;
	v14 =	vadd.f32 $1.500000000e+00, v29  }
0x245: {  	v22 =	vmul.f32 v27, v22;
	v29 =	vsub.s32 $0x5F3759DF, v47;
	v20 =	vmul.f32 v45, v20  }
0x246: {  	v15 =	vadd.f32 v58, v15;
	v26 =	vmul.f32 v28, v14;
	v14 =	vmul.f32 v29, v32  }
0x247: {  	v16 =	vadd.f32 v18, v16;
	v22 =	vmul.f32 v22, v27;
	v21 =	vmul.f32 v20, v21  }
0x248: {  	v19 =	vadd.f32 v19, v13;
	v18 =	vmul.f32 v26, v61;
	v14 =	vmul.f32 v29, v14  }
0x249: {  	v50 =	vmul.f32 v48, v48;
	v23 =	vadd.f32 v49, v23;
	v21 =	vmul.f32 v21, v20  }
0x24a: {  	v22 =	vadd.f32 $1.500000000e+00, v22;
	v18 =	vmul.f32 v18, v26;
	v14 =	vadd.f32 $1.500000000e+00, v14  }
0x24b: {  	v17 =	vadd.f32 v43, v17;
	v49 =	vmul.f32 v46, v46;
	v21 =	vadd.f32 $1.500000000e+00, v21  }
0x24c: {  	v13 =	vmul.f32 v22, v27;
	v18 =	vadd.f32 $1.500000000e+00, v18;
	v22 =	vmul.f32 v29, v14  }
0x24d: {  	v27 =	vadd.f32 v44, v15;
	v15 =	vmul.f32 $1.562500000e-02, v30;
	v14 =	vmul.f32 v21, v20  }
0x24e: {  	v20 =	vadd.f32 v46, v16;
	v21 =	vmul.f32 v18, v26;
	v16 =	vmul.f32 v22, v32  }
0x24f: {  	v26 =	vadd.f32 v49, v17;
	v17 =	vmul.f32 $1.562500000e-02, v25;
	v18 =	vmul.f32 v15, v15  }
0x250: {  	v19 =	vadd.f32 v48, v19;
	v25 =	vmul.f32 v16, v22;
	v16 =	vmul.f32 $1.562500000e-02, v24  }
0x251: {  	v23 =	vmul.f32 $1.562500000e-02, v23;
	v24 =	vsub.f32 v17, v18;
	v17 =	vmul.f32 $1.562500000e-02, v20  }
0x252: {  	v20 =	vadd.f32 v50, v27;
	v18 =	vmul.f32 $1.562500000e-02, v19;
	v27 =	vmul.f32 v16, v16  }
0x253: {  	v19 =	vadd.f32 $9.999999740e-06, v24;
	v24 =	vmul.f32 $1.562500000e-02, v26;
	v26 =	vmul.f32 v17, v17  }
0x254: {  	v20 =	vmul.f32 $1.562500000e-02, v20;
	v23 =	vsub.f32 v23, v27;
	v27 =	vmul.f32 v18, v18  }
0x255: {  	v25 =	vadd.f32 $1.500000000e+00, v25;
	v51 =	vshra.s32 v19, $0x1;
	v24 =	vsub.f32 v24, v26  }
0x256: {  	v19 =	vmul.f32 $-5.000000000e-01, v19;
	v23 =	vadd.f32 $9.999999740e-06, v23;
	v20 =	vsub.f32 v20, v27  }
0x257: {  	v22 =	vmul.f32 v25, v22;
	v25 =	vsub.s32 $0x5F3759DF, v51;
	v24 =	vadd.f32 $9.999999740e-06, v24  }
0x258: {  	v26 =	vmul.f32 v25, v19;
	v27 =	vshra.s32 v23, $0x1;
	v20 =	vadd.f32 $9.999999740e-06, v20  }
0x259: {  	v23 =	vmul.f32 $-5.000000000e-01, v23;
	v52 =	vshra.s32 v24, $0x1;
	v24 =	vmul.f32 $-5.000000000e-01, v24  }
0x25a: {  	v27 =	vsub.s32 $0x5F3759DF, v27;
	v53 =	vshra.s32 v20, $0x1;
	v20 =	vmul.f32 $-5.000000000e-01, v20  }
0x25b: {  	v28 =	vsub.s32 $0x5F3759DF, v52;
	v54 =	vmul.f32 v27, v23;
	v29 =	vsub.s32 $0x5F3759DF, v53  }
0x25c: {  	v55 =	vmul.f32 v28, v24;
	v56 =	vmul.f32 v29, v20  }
0x25d: {  	v26 =	vmul.f32 v25, v26;
	v30 =	vmul.f32 v27, v54  }
0x25e: {  	v33 =	vmul.f32 v28, v55;
	v34 =	vmul.f32 v29, v56  }
0x25f: {  	v31 =	vmul.f32 v21, v61;
	v26 =	vadd.f32 $1.500000000e+00, v26;
	v30 =	vadd.f32 $1.500000000e+00, v30  }
0x260: {  	v32 =	vmul.f32 v22, v32;
	v33 =	vadd.f32 $1.500000000e+00, v33;
	v34 =	vadd.f32 $1.500000000e+00, v34  }
0x261: {  	v25 =	vmul.f32 v25, v26;
	v26 =	vmul.f32 v27, v30  }
0x262: {  	v27 =	vmul.f32 v28, v33;
	v57 =	vmul.f32 v29, v34  }
0x263: {  	v58 =	vmul.f32 v25, v19;
	v30 =	vmul.f32 v26, v23  }
0x264: {  	v33 =	vmul.f32 v27, v24;
	v34 =	vmul.f32 v57, v20  }
0x265: {  	v29 =	vmul.f32 v58, v25;
	v30 =	vmul.f32 v30, v26  }
0x266: {  	v33 =	vmul.f32 v33, v27;
	v34 =	vmul.f32 v34, v57  }
0x267: {  	v31 =	vmul.f32 v31, v21;
	v29 =	vadd.f32 $1.500000000e+00, v29;
	v30 =	vadd.f32 $1.500000000e+00, v30  }
0x268: {  	v32 =	vmul.f32 v32, v22;
	v33 =	vadd.f32 $1.500000000e+00, v33;
	v34 =	vadd.f32 $1.500000000e+00, v34  }
0x269: {  	v25 =	vmul.f32 v29, v25;
	v26 =	vmul.f32 v30, v26  }
0x26a: {  	v27 =	vmul.f32 v33, v27;
	v28 =	vmul.f32 v34, v57  }
0x26b: {  	v19 =	vmul.f32 v25, v19;
	v23 =	vmul.f32 v26, v23  }
0x26c: {  	v24 =	vmul.f32 v27, v24;
	v20 =	vmul.f32 v28, v20  }
0x26d: {  	v59 =	vadd.f32 $1.500000000e+00, v31;
	v60 =	vmul.f32 v19, v25;
	v23 =	vmul.f32 v23, v26  }
0x26e: {  	v61 =	vadd.f32 $1.500000000e+00, v32;
	v24 =	vmul.f32 v24, v27;
	v62 =	vmul.f32 v20, v28  }
0x26f: {  	v19 =	vmul.f32 v59, v21;
	v21 =	vadd.f32 $1.500000000e+00, v60;
	v23 =	vadd.f32 $1.500000000e+00, v23  }
0x270: {  	v20 =	vmul.f32 v61, v22;
	v24 =	vadd.f32 $1.500000000e+00, v24;
	v63 =	vadd.f32 $1.500000000e+00, v62  }
0x271: {  	v21 =	vmul.f32 v21, v25;
	v22 =	vmul.f32 v23, v26  }
0x272: {  	s18 =	simm.s32 $0x0;
	v23 =	vmul.f32 v24, v27;
	v24 =	vmul.f32 v63, v28  }
.LBB2_9:
0x273: {  	v25 =	vadd.s32 s18, v0  }
0x274: {  	v26 =	vand.u32 $0x3F, v25  }
0x275: {  	v27 =	vor.u32 v1, v26;
	_ =	sdelay $0x4  }
0x276: {  	v28 =	vld.idx.msk [tilespmem:v27+s22+$0x0], $0xffff  }
0x277: {  	v29 =	vor.u32 $0x40, v26;
	_ =	sdelay $0x2  }
0x278: {  	v30 =	vld.idx.msk [tilespmem:v26+s12+$0x0], $0xffff  }
0x279: {  	v28 =	vsub.f32 v28, v9  }
0x27a: {  	v29 =	vld.idx.msk [tilespmem:v29+s12+$0x0], $0xffff  }
0x27b: {  	v25 =	vand.u32 $0x7, v25;
	v27 =	vand.u32 $0x3F8, v27;
	v28 =	vmul.f32 v28, v13  }
0x27c: {  	v27 =	vor.u32 v25, v27  }
0x27d: {  	v31 =	vor.u32 v2, v26;
	v28 =	vmul.f32 v28, v30;
	_ =	sdelay $0x1  }
0x27e: {  	v28 =	vadd.f32 v28, v29;
	_ =	sdelay $0x1  }
0x27f: {  	[tilespmem:v27+s0+$0x0] =	vst.idx.msk $0xffff, v28  }
0x280: {  	v27 =	vld.idx.msk [tilespmem:v31+s22+$0x0], $0xffff;
	_ =	sdelay $0x4  }
0x281: {  	v27 =	vsub.f32 v27, v10;
	_ =	sdelay $0x1  }
0x282: {  	v46 =	vand.u32 $0x7F8, v31;
	v27 =	vmul.f32 v27, v14  }
0x283: {  	v28 =	vor.u32 v25, v46  }
0x284: {  	v47 =	vor.u32 v3, v26;
	v27 =	vmul.f32 v27, v30;
	_ =	sdelay $0x1  }
0x285: {  	v27 =	vadd.f32 v27, v29;
	_ =	sdelay $0x1  }
0x286: {  	[tilespmem:v28+s0+$0x0] =	vst.idx.msk $0xffff, v27  }
0x287: {  	v27 =	vld.idx.msk [tilespmem:v47+s22+$0x0], $0xffff;
	_ =	sdelay $0x4  }
0x288: {  	v27 =	vsub.f32 v27, v11;
	_ =	sdelay $0x1  }
0x289: {  	v48 =	vand.u32 $0xBF8, v47;
	v27 =	vmul.f32 v27, v19  }
0x28a: {  	v28 =	vor.u32 v25, v48  }
0x28b: {  	v49 =	vor.u32 v4, v26;
	v27 =	vmul.f32 v27, v30;
	_ =	sdelay $0x1  }
0x28c: {  	v27 =	vadd.f32 v27, v29;
	_ =	sdelay $0x1  }
0x28d: {  	[tilespmem:v28+s0+$0x0] =	vst.idx.msk $0xffff, v27  }
0x28e: {  	v27 =	vld.idx.msk [tilespmem:v49+s22+$0x0], $0xffff;
	_ =	sdelay $0x4  }
0x28f: {  	v27 =	vsub.f32 v27, v12;
	_ =	sdelay $0x1  }
0x290: {  	v50 =	vand.u32 $0xFF8, v49;
	v27 =	vmul.f32 v27, v20  }
0x291: {  	v28 =	vor.u32 v25, v50  }
0x292: {  	v51 =	vor.u32 v5, v26;
	v27 =	vmul.f32 v27, v30;
	_ =	sdelay $0x1  }
0x293: {  	v27 =	vadd.f32 v27, v29;
	_ =	sdelay $0x1  }
0x294: {  	[tilespmem:v28+s0+$0x0] =	vst.idx.msk $0xffff, v27  }
0x295: {  	v27 =	vld.idx.msk [tilespmem:v51+s22+$0x0], $0xffff;
	_ =	sdelay $0x4  }
0x296: {  	v27 =	vsub.f32 v27, v15;
	_ =	sdelay $0x1  }
0x297: {  	v52 =	vand.u32 $0x13F8, v51;
	v27 =	vmul.f32 v27, v21  }
0x298: {  	v28 =	vor.u32 v25, v52  }
0x299: {  	v53 =	vor.u32 v6, v26;
	v27 =	vmul.f32 v27, v30;
	_ =	sdelay $0x1  }
0x29a: {  	v27 =	vadd.f32 v27, v29;
	_ =	sdelay $0x1  }
0x29b: {  	[tilespmem:v28+s0+$0x0] =	vst.idx.msk $0xffff, v27  }
0x29c: {  	v27 =	vld.idx.msk [tilespmem:v53+s22+$0x0], $0xffff;
	_ =	sdelay $0x4  }
0x29d: {  	v27 =	vsub.f32 v27, v16;
	_ =	sdelay $0x1  }
0x29e: {  	v54 =	vand.u32 $0x17F8, v53;
	v27 =	vmul.f32 v27, v22  }
0x29f: {  	v28 =	vor.u32 v25, v54  }
0x2a0: {  	v55 =	vor.u32 v7, v26;
	v27 =	vmul.f32 v27, v30;
	_ =	sdelay $0x1  }
0x2a1: {  	v27 =	vadd.f32 v27, v29;
	_ =	sdelay $0x1  }
0x2a2: {  	[tilespmem:v28+s0+$0x0] =	vst.idx.msk $0xffff, v27  }
0x2a3: {  	v27 =	vld.idx.msk [tilespmem:v55+s22+$0x0], $0xffff;
	_ =	sdelay $0x4  }
0x2a4: {  	v27 =	vsub.f32 v27, v17;
	_ =	sdelay $0x1  }
0x2a5: {  	v56 =	vand.u32 $0x1BF8, v55;
	v27 =	vmul.f32 v27, v23  }
0x2a6: {  	v28 =	vor.u32 v25, v56  }
0x2a7: {  	v26 =	vor.u32 v8, v26;
	v27 =	vmul.f32 v27, v30;
	_ =	sdelay $0x1  }
0x2a8: {  	v27 =	vadd.f32 v27, v29;
	_ =	sdelay $0x1  }
0x2a9: {  	[tilespmem:v28+s0+$0x0] =	vst.idx.msk $0xffff, v27  }
0x2aa: {  	v27 =	vld.idx.msk [tilespmem:v26+s22+$0x0], $0xffff;
	_ =	sdelay $0x4  }
0x2ab: {  	v27 =	vsub.f32 v27, v18  }
0x2ac: {  	s19 =	sadd.s32 $0x1, s18  }
0x2ad: {  	v57 =	vadd.s32 s19, v0;
	v26 =	vand.u32 $0x1FF8, v26;
	v27 =	vmul.f32 v27, v24  }
0x2ae: {  	v25 =	vor.u32 v25, v26;
	v26 =	vand.u32 $0x3F, v57  }
0x2af: {  	v58 =	vor.u32 v1, v26;
	v27 =	vmul.f32 v27, v30;
	_ =	sdelay $0x1  }
0x2b0: {  	v27 =	vadd.f32 v27, v29;
	_ =	sdelay $0x1  }
0x2b1: {  	[tilespmem:v25+s0+$0x0] =	vst.idx.msk $0xffff, v27  }
0x2b2: {  	v25 =	vld.idx.msk [tilespmem:v58+s22+$0x0], $0xffff  }
0x2b3: {  	v27 =	vor.u32 $0x40, v26;
	_ =	sdelay $0x2  }
0x2b4: {  	v59 =	vld.idx.msk [tilespmem:v26+s12+$0x0], $0xffff  }
0x2b5: {  	v25 =	vsub.f32 v25, v9  }
0x2b6: {  	v27 =	vld.idx.msk [tilespmem:v27+s12+$0x0], $0xffff  }
0x2b7: {  	v28 =	vand.u32 $0x7, v57;
	v30 =	vand.u32 $0x3F8, v58;
	v25 =	vmul.f32 v25, v13  }
0x2b8: {  	v30 =	vor.u32 v28, v30  }
0x2b9: {  	v60 =	vor.u32 v2, v26;
	v25 =	vmul.f32 v25, v59;
	_ =	sdelay $0x1  }
0x2ba: {  	v25 =	vadd.f32 v25, v27;
	_ =	sdelay $0x1  }
0x2bb: {  	[tilespmem:v30+s0+$0x0] =	vst.idx.msk $0xffff, v25  }
0x2bc: {  	v25 =	vld.idx.msk [tilespmem:v60+s22+$0x0], $0xffff;
	_ =	sdelay $0x4  }
0x2bd: {  	v25 =	vsub.f32 v25, v10;
	_ =	sdelay $0x1  }
0x2be: {  	v61 =	vand.u32 $0x7F8, v60;
	v25 =	vmul.f32 v25, v14  }
0x2bf: {  	v30 =	vor.u32 v28, v61  }
0x2c0: {  	v62 =	vor.u32 v3, v26;
	v25 =	vmul.f32 v25, v59;
	_ =	sdelay $0x1  }
0x2c1: {  	v25 =	vadd.f32 v25, v27;
	_ =	sdelay $0x1  }
0x2c2: {  	[tilespmem:v30+s0+$0x0] =	vst.idx.msk $0xffff, v25  }
0x2c3: {  	v25 =	vld.idx.msk [tilespmem:v62+s22+$0x0], $0xffff;
	_ =	sdelay $0x4  }
0x2c4: {  	v25 =	vsub.f32 v25, v11;
	_ =	sdelay $0x1  }
0x2c5: {  	v63 =	vand.u32 $0xBF8, v62;
	v25 =	vmul.f32 v25, v19  }
0x2c6: {  	v30 =	vor.u32 v28, v63  }
0x2c7: {  	v33 =	vor.u32 v4, v26;
	v25 =	vmul.f32 v25, v59;
	_ =	sdelay $0x1  }
0x2c8: {  	v25 =	vadd.f32 v25, v27;
	_ =	sdelay $0x1  }
0x2c9: {  	[tilespmem:v30+s0+$0x0] =	vst.idx.msk $0xffff, v25  }
0x2ca: {  	v25 =	vld.idx.msk [tilespmem:v33+s22+$0x0], $0xffff;
	_ =	sdelay $0x4  }
0x2cb: {  	v25 =	vsub.f32 v25, v12;
	_ =	sdelay $0x1  }
0x2cc: {  	v34 =	vand.u32 $0xFF8, v33;
	v25 =	vmul.f32 v25, v20  }
0x2cd: {  	v30 =	vor.u32 v28, v34  }
0x2ce: {  	v35 =	vor.u32 v5, v26;
	v25 =	vmul.f32 v25, v59;
	_ =	sdelay $0x1  }
0x2cf: {  	v25 =	vadd.f32 v25, v27;
	_ =	sdelay $0x1  }
0x2d0: {  	[tilespmem:v30+s0+$0x0] =	vst.idx.msk $0xffff, v25  }
0x2d1: {  	v25 =	vld.idx.msk [tilespmem:v35+s22+$0x0], $0xffff;
	_ =	sdelay $0x4  }
0x2d2: {  	v25 =	vsub.f32 v25, v15;
	_ =	sdelay $0x1  }
0x2d3: {  	v36 =	vand.u32 $0x13F8, v35;
	v25 =	vmul.f32 v25, v21  }
0x2d4: {  	v30 =	vor.u32 v28, v36  }
0x2d5: {  	v37 =	vor.u32 v6, v26;
	v25 =	vmul.f32 v25, v59;
	_ =	sdelay $0x1  }
0x2d6: {  	v25 =	vadd.f32 v25, v27;
	_ =	sdelay $0x1  }
0x2d7: {  	[tilespmem:v30+s0+$0x0] =	vst.idx.msk $0xffff, v25  }
0x2d8: {  	v25 =	vld.idx.msk [tilespmem:v37+s22+$0x0], $0xffff;
	_ =	sdelay $0x4  }
0x2d9: {  	v25 =	vsub.f32 v25, v16;
	_ =	sdelay $0x1  }
0x2da: {  	v38 =	vand.u32 $0x17F8, v37;
	v25 =	vmul.f32 v25, v22  }
0x2db: {  	v30 =	vor.u32 v28, v38  }
0x2dc: {  	v39 =	vor.u32 v7, v26;
	v25 =	vmul.f32 v25, v59;
	_ =	sdelay $0x1  }
0x2dd: {  	v25 =	vadd.f32 v25, v27;
	_ =	sdelay $0x1  }
0x2de: {  	[tilespmem:v30+s0+$0x0] =	vst.idx.msk $0xffff, v25  }
0x2df: {  	v25 =	vld.idx.msk [tilespmem:v39+s22+$0x0], $0xffff;
	_ =	sdelay $0x4  }
0x2e0: {  	v25 =	vsub.f32 v25, v17;
	_ =	sdelay $0x1  }
0x2e1: {  	v40 =	vand.u32 $0x1BF8, v39;
	v25 =	vmul.f32 v25, v23  }
0x2e2: {  	v30 =	vor.u32 v28, v40  }
0x2e3: {  	v26 =	vor.u32 v8, v26;
	v25 =	vmul.f32 v25, v59;
	_ =	sdelay $0x1  }
0x2e4: {  	v25 =	vadd.f32 v25, v27;
	_ =	sdelay $0x1  }
0x2e5: {  	[tilespmem:v30+s0+$0x0] =	vst.idx.msk $0xffff, v25  }
0x2e6: {  	v25 =	vld.idx.msk [tilespmem:v26+s22+$0x0], $0xffff;
	_ =	sdelay $0x4  }
0x2e7: {  	v25 =	vsub.f32 v25, v18  }
0x2e8: {  	s20 =	sadd.s32 $0x2, s18  }
0x2e9: {  	v41 =	vadd.s32 s20, v0;
	v26 =	vand.u32 $0x1FF8, v26;
	v25 =	vmul.f32 v25, v24  }
0x2ea: {  	v42 =	vand.u32 $0x3F, v41;
	v26 =	vor.u32 v28, v26  }
0x2eb: {  	v43 =	vor.u32 v1, v42;
	v25 =	vmul.f32 v25, v59;
	_ =	sdelay $0x1  }
0x2ec: {  	v25 =	vadd.f32 v25, v27;
	_ =	sdelay $0x1  }
0x2ed: {  	[tilespmem:v26+s0+$0x0] =	vst.idx.msk $0xffff, v25  }
0x2ee: {  	v25 =	vld.idx.msk [tilespmem:v43+s22+$0x0], $0xffff  }
0x2ef: {  	v26 =	vor.u32 $0x40, v42;
	_ =	sdelay $0x2  }
0x2f0: {  	v27 =	vld.idx.msk [tilespmem:v42+s12+$0x0], $0xffff  }
0x2f1: {  	v25 =	vsub.f32 v25, v9  }
0x2f2: {  	v26 =	vld.idx.msk [tilespmem:v26+s12+$0x0], $0xffff  }
0x2f3: {  	v29 =	vand.u32 $0x3F8, v43;
	v30 =	vand.u32 $0x7, v41;
	v25 =	vmul.f32 v25, v13  }
0x2f4: {  	v29 =	vor.u32 v30, v29  }
0x2f5: {  	v44 =	vor.u32 v2, v42;
	v25 =	vmul.f32 v25, v27;
	_ =	sdelay $0x1  }
0x2f6: {  	v25 =	vadd.f32 v25, v26;
	_ =	sdelay $0x1  }
0x2f7: {  	[tilespmem:v29+s0+$0x0] =	vst.idx.msk $0xffff, v25  }
0x2f8: {  	v25 =	vld.idx.msk [tilespmem:v44+s22+$0x0], $0xffff;
	_ =	sdelay $0x4  }
0x2f9: {  	v25 =	vsub.f32 v25, v10;
	_ =	sdelay $0x1  }
0x2fa: {  	v45 =	vand.u32 $0x7F8, v44;
	v25 =	vmul.f32 v25, v14  }
0x2fb: {  	v29 =	vor.u32 v30, v45  }
0x2fc: {  	v46 =	vor.u32 v3, v42;
	v25 =	vmul.f32 v25, v27;
	_ =	sdelay $0x1  }
0x2fd: {  	v25 =	vadd.f32 v25, v26;
	_ =	sdelay $0x1  }
0x2fe: {  	[tilespmem:v29+s0+$0x0] =	vst.idx.msk $0xffff, v25  }
0x2ff: {  	v25 =	vld.idx.msk [tilespmem:v46+s22+$0x0], $0xffff;
	_ =	sdelay $0x4  }
0x300: {  	v25 =	vsub.f32 v25, v11;
	_ =	sdelay $0x1  }
0x301: {  	v47 =	vand.u32 $0xBF8, v46;
	v25 =	vmul.f32 v25, v19  }
0x302: {  	v29 =	vor.u32 v30, v47  }
0x303: {  	v48 =	vor.u32 v4, v42;
	v25 =	vmul.f32 v25, v27;
	_ =	sdelay $0x1  }
0x304: {  	v25 =	vadd.f32 v25, v26;
	_ =	sdelay $0x1  }
0x305: {  	[tilespmem:v29+s0+$0x0] =	vst.idx.msk $0xffff, v25  }
0x306: {  	v25 =	vld.idx.msk [tilespmem:v48+s22+$0x0], $0xffff;
	_ =	sdelay $0x4  }
0x307: {  	v25 =	vsub.f32 v25, v12;
	_ =	sdelay $0x1  }
0x308: {  	v49 =	vand.u32 $0xFF8, v48;
	v25 =	vmul.f32 v25, v20  }
0x309: {  	v29 =	vor.u32 v30, v49  }
0x30a: {  	v50 =	vor.u32 v5, v42;
	v25 =	vmul.f32 v25, v27;
	_ =	sdelay $0x1  }
0x30b: {  	v25 =	vadd.f32 v25, v26;
	_ =	sdelay $0x1  }
0x30c: {  	[tilespmem:v29+s0+$0x0] =	vst.idx.msk $0xffff, v25  }
0x30d: {  	v25 =	vld.idx.msk [tilespmem:v50+s22+$0x0], $0xffff;
	_ =	sdelay $0x4  }
0x30e: {  	v25 =	vsub.f32 v25, v15;
	_ =	sdelay $0x1  }
0x30f: {  	v51 =	vand.u32 $0x13F8, v50;
	v25 =	vmul.f32 v25, v21  }
0x310: {  	v29 =	vor.u32 v30, v51  }
0x311: {  	v52 =	vor.u32 v6, v42;
	v25 =	vmul.f32 v25, v27;
	_ =	sdelay $0x1  }
0x312: {  	v25 =	vadd.f32 v25, v26;
	_ =	sdelay $0x1  }
0x313: {  	[tilespmem:v29+s0+$0x0] =	vst.idx.msk $0xffff, v25  }
0x314: {  	v25 =	vld.idx.msk [tilespmem:v52+s22+$0x0], $0xffff;
	_ =	sdelay $0x4  }
0x315: {  	v25 =	vsub.f32 v25, v16;
	_ =	sdelay $0x1  }
0x316: {  	v53 =	vand.u32 $0x17F8, v52;
	v25 =	vmul.f32 v25, v22  }
0x317: {  	v29 =	vor.u32 v30, v53  }
0x318: {  	v54 =	vor.u32 v7, v42;
	v25 =	vmul.f32 v25, v27;
	_ =	sdelay $0x1  }
0x319: {  	v25 =	vadd.f32 v25, v26;
	_ =	sdelay $0x1  }
0x31a: {  	[tilespmem:v29+s0+$0x0] =	vst.idx.msk $0xffff, v25  }
0x31b: {  	v25 =	vld.idx.msk [tilespmem:v54+s22+$0x0], $0xffff;
	_ =	sdelay $0x4  }
0x31c: {  	v25 =	vsub.f32 v25, v17;
	_ =	sdelay $0x1  }
0x31d: {  	v55 =	vand.u32 $0x1BF8, v54;
	v25 =	vmul.f32 v25, v23  }
0x31e: {  	v29 =	vor.u32 v30, v55  }
0x31f: {  	v28 =	vor.u32 v8, v42;
	v25 =	vmul.f32 v25, v27;
	_ =	sdelay $0x1  }
0x320: {  	v25 =	vadd.f32 v25, v26;
	_ =	sdelay $0x1  }
0x321: {  	[tilespmem:v29+s0+$0x0] =	vst.idx.msk $0xffff, v25  }
0x322: {  	v25 =	vld.idx.msk [tilespmem:v28+s22+$0x0], $0xffff;
	_ =	sdelay $0x4  }
0x323: {  	v25 =	vsub.f32 v25, v18  }
0x324: {  	s21 =	sadd.s32 $0x3, s18  }
0x325: {  	v56 =	vadd.s32 s21, v0;
	v28 =	vand.u32 $0x1FF8, v28;
	v25 =	vmul.f32 v25, v24  }
0x326: {  	v57 =	vand.u32 $0x3F, v56;
	v28 =	vor.u32 v30, v28  }
0x327: {  	v25 =	vmul.f32 v25, v27;
	v27 =	vor.u32 v1, v57;
	_ =	sdelay $0x1  }
0x328: {  	v25 =	vadd.f32 v25, v26;
	_ =	sdelay $0x1  }
0x329: {  	[tilespmem:v28+s0+$0x0] =	vst.idx.msk $0xffff, v25  }
0x32a: {  	v25 =	vld.idx.msk [tilespmem:v27+s22+$0x0], $0xffff  }
0x32b: {  	v26 =	vor.u32 $0x40, v57;
	_ =	sdelay $0x2  }
0x32c: {  	v28 =	vld.idx.msk [tilespmem:v57+s12+$0x0], $0xffff  }
0x32d: {  	v25 =	vsub.f32 v25, v9  }
0x32e: {  	v26 =	vld.idx.msk [tilespmem:v26+s12+$0x0], $0xffff  }
0x32f: {  	v29 =	vand.u32 $0x7, v56;
	v27 =	vand.u32 $0x3F8, v27;
	v25 =	vmul.f32 v25, v13  }
0x330: {  	v27 =	vor.u32 v29, v27  }
0x331: {  	v58 =	vor.u32 v2, v57;
	v25 =	vmul.f32 v25, v28;
	_ =	sdelay $0x1  }
0x332: {  	v25 =	vadd.f32 v25, v26;
	_ =	sdelay $0x1  }
0x333: {  	[tilespmem:v27+s0+$0x0] =	vst.idx.msk $0xffff, v25  }
0x334: {  	v25 =	vld.idx.msk [tilespmem:v58+s22+$0x0], $0xffff;
	_ =	sdelay $0x4  }
0x335: {  	v25 =	vsub.f32 v25, v10;
	_ =	sdelay $0x1  }
0x336: {  	v27 =	vand.u32 $0x7F8, v58;
	v25 =	vmul.f32 v25, v14  }
0x337: {  	v27 =	vor.u32 v29, v27  }
0x338: {  	v59 =	vor.u32 v3, v57;
	v25 =	vmul.f32 v25, v28;
	_ =	sdelay $0x1  }
0x339: {  	v25 =	vadd.f32 v25, v26;
	_ =	sdelay $0x1  }
0x33a: {  	[tilespmem:v27+s0+$0x0] =	vst.idx.msk $0xffff, v25  }
0x33b: {  	v25 =	vld.idx.msk [tilespmem:v59+s22+$0x0], $0xffff;
	_ =	sdelay $0x4  }
0x33c: {  	v25 =	vsub.f32 v25, v11;
	_ =	sdelay $0x1  }
0x33d: {  	v27 =	vand.u32 $0xBF8, v59;
	v25 =	vmul.f32 v25, v19  }
0x33e: {  	v27 =	vor.u32 v29, v27  }
0x33f: {  	v60 =	vor.u32 v4, v57;
	v25 =	vmul.f32 v25, v28;
	_ =	sdelay $0x1  }
0x340: {  	v25 =	vadd.f32 v25, v26;
	_ =	sdelay $0x1  }
0x341: {  	[tilespmem:v27+s0+$0x0] =	vst.idx.msk $0xffff, v25  }
0x342: {  	v25 =	vld.idx.msk [tilespmem:v60+s22+$0x0], $0xffff;
	_ =	sdelay $0x4  }
0x343: {  	v25 =	vsub.f32 v25, v12;
	_ =	sdelay $0x1  }
0x344: {  	v27 =	vand.u32 $0xFF8, v60;
	v25 =	vmul.f32 v25, v20  }
0x345: {  	v27 =	vor.u32 v29, v27  }
0x346: {  	v61 =	vor.u32 v5, v57;
	v25 =	vmul.f32 v25, v28;
	_ =	sdelay $0x1  }
0x347: {  	v25 =	vadd.f32 v25, v26;
	_ =	sdelay $0x1  }
0x348: {  	[tilespmem:v27+s0+$0x0] =	vst.idx.msk $0xffff, v25  }
0x349: {  	v25 =	vld.idx.msk [tilespmem:v61+s22+$0x0], $0xffff;
	_ =	sdelay $0x4  }
0x34a: {  	v25 =	vsub.f32 v25, v15;
	_ =	sdelay $0x1  }
0x34b: {  	v27 =	vand.u32 $0x13F8, v61;
	v25 =	vmul.f32 v25, v21  }
0x34c: {  	v27 =	vor.u32 v29, v27  }
0x34d: {  	v62 =	vor.u32 v6, v57;
	v25 =	vmul.f32 v25, v28;
	_ =	sdelay $0x1  }
0x34e: {  	v25 =	vadd.f32 v25, v26;
	_ =	sdelay $0x1  }
0x34f: {  	[tilespmem:v27+s0+$0x0] =	vst.idx.msk $0xffff, v25  }
0x350: {  	v25 =	vld.idx.msk [tilespmem:v62+s22+$0x0], $0xffff;
	_ =	sdelay $0x4  }
0x351: {  	v25 =	vsub.f32 v25, v16;
	_ =	sdelay $0x1  }
0x352: {  	v27 =	vand.u32 $0x17F8, v62;
	v25 =	vmul.f32 v25, v22  }
0x353: {  	v27 =	vor.u32 v29, v27  }
0x354: {  	v63 =	vor.u32 v7, v57;
	v25 =	vmul.f32 v25, v28;
	_ =	sdelay $0x1  }
0x355: {  	v25 =	vadd.f32 v25, v26;
	_ =	sdelay $0x1  }
0x356: {  	[tilespmem:v27+s0+$0x0] =	vst.idx.msk $0xffff, v25  }
0x357: {  	v25 =	vld.idx.msk [tilespmem:v63+s22+$0x0], $0xffff;
	_ =	sdelay $0x4  }
0x358: {  	v25 =	vsub.f32 v25, v17;
	_ =	sdelay $0x1  }
0x359: {  	v27 =	vand.u32 $0x1BF8, v63;
	v25 =	vmul.f32 v25, v23  }
0x35a: {  	v27 =	vor.u32 v29, v27  }
0x35b: {  	v30 =	vor.u32 v8, v57;
	v25 =	vmul.f32 v25, v28;
	_ =	sdelay $0x1  }
0x35c: {  	v25 =	vadd.f32 v25, v26;
	_ =	sdelay $0x1  }
0x35d: {  	[tilespmem:v27+s0+$0x0] =	vst.idx.msk $0xffff, v25  }
0x35e: {  	v25 =	vld.idx.msk [tilespmem:v30+s22+$0x0], $0xffff;
	_ =	sdelay $0x4  }
0x35f: {  	v25 =	vsub.f32 v25, v18;
	_ =	sdelay $0x1  }
0x360: {  	v27 =	vand.u32 $0x1FF8, v30;
	v25 =	vmul.f32 v25, v24  }
0x361: {  	p2 =	sne.s32 s18, $0x3C;
	v27 =	vor.u32 v29, v27  }
.Ltmp3:
0x362: {  	v25 =	vmul.f32 v25, v28;
	(pc) =	sbr.rel @p2 .LBB2_9-.Ltmp3, $3  }
0x363: {  	_ = 	snop  }
0x364: {  	v25 =	vadd.f32 v25, v26;
	_ =	sdelay $0x1  }
0x365: {  	s18 =	sadd.s32 $0x4, s18;
	[tilespmem:v27+s0+$0x0] =	vst.idx.msk $0xffff, v25  }
0x366: {  	s18 =	sadd.s32 @!p0 $0x180, s17;
	s19 =	simm.s32 @!p0 $0x20;
	s20 =	simm.s32 @!p0 $0x3900  }
0x367: {  	[tilespmem:s20], [sflag:$0x2] =	stream.indirect.gather @!p0 [hbm4b:s6+s19], $0x40, s18, s19, $0xb8;
	[tilespmem:$0x9980] =	vst v63  }
0x368: {  	s18 =	sadd.s32 @!p0 $0x1A0, s17;
	s20 =	simm.s32 @!p0 $0x4100  }
0x369: {  	[tilespmem:s20], [sflag:$0x2] =	stream.indirect.gather @!p0 [hbm4b:s6+s19], $0x40, s18, s19, $0xb8;
	[tilespmem:$0x9980] =	vst v63  }
0x36a: {  	s21 =	sshll.u32 s16, $0xB;
	s18 =	sadd.s32 @!p0 $0x1C0, s17;
	s20 =	simm.s32 @!p0 $0x4900  }
0x36b: {  	[tilespmem:s20], [sflag:$0x2] =	stream.indirect.gather @!p0 [hbm4b:s6+s19], $0x40, s18, s19, $0xb8;
	[tilespmem:$0x9980] =	vst v63  }
0x36c: {  	s16 =	sadd.s32 $0x1, s16;
	s17 =	sadd.s32 @!p0 $0x1E0, s17;
	s18 =	simm.s32 @!p0 $0x5100  }
0x36d: {  	[tilespmem:s18], [sflag:$0x2] =	stream.indirect.gather @!p0 [hbm4b:s6+s19], $0x40, s17, s19, $0xb8;
	[tilespmem:$0x9980] =	vst v63  }
0x36e: {  	p0 =	sne.s32 s16, $0x19  }
.Ltmp4:
0x36f: {  	_ = 	snop;
	(pc) =	sbr.rel @p0 .LBB2_2-.Ltmp4, $4  }
0x370: {  	_ =	swait.ge @p1 [sflag:s3], $0x2000  }
0x371: {  	[sflag:s3] =	ssyncset.done @p1 $0x0  }
0x372: {  	s17 =	sadd.s32 s10, s21;
	[sflag:s3] =	ssyncadd.s32 @p1 $0xFFFFE000  }
0x373: {  	[hbm4b:s17+s5] =	stream.linear.scatter [tilespmem:s0], [sflag:$0x4], $0x2000, $0x38;
	[tilespmem:$0x9980] =	vst v63  }
0x374: {  	s13 =	sadd.s32 $0x1, s13  }
0x375: {  	_ =	swait.ge [sflag:s1], $0x2000;
	p0 =	sne.s32 s13, s9  }
.Ltmp5:
0x376: {  	[sflag:s1] =	ssyncset.done $0x0;
	(pc) =	sbr.rel @p0 .LBB2_1-.Ltmp5, $4  }
0x377: {  	[sflag:s1] =	ssyncadd.s32 $0xFFFFE000  }
0x378: {  	_ =	swait.ge [sflag:s3], $0x2000  }
0x379: {  	[sflag:s3] =	ssyncset.done $0x0  }
0x37a: {  	[sflag:s3] =	ssyncadd.s32 $0xFFFFE000  }
0x37b: {  	_ =	sfence.sel $0x180000  }
0x37c: {  	[bflag:$0x0] =	sbarrier.arrive $0xFFFF  }
0x37d: {  	_ =	strace $0x90000047  }
0x37e: {  	s0 =	stileid.u32;
	[bflag:$0x2] =	sbarrier.arrive $0xFFFF  }
0x37f: {  	p0 =	sne.s32 s0, $0x0;
	s0 =	rddreg [dreg:$0x4]  }
0x380: {  	s0 =	sadd.s32 @!p0 $0x100000, s0  }
0x381: {  	[sflag:s0] =	ssyncadd.tile.s32 @!p0 $0x1;
	_ =	shalt  }
.Lfunc_end2:
_tile_overlayer_lowered:
.L_overlay_start_2:
0x382: {  	(tag) =	ssettag $0x2  }
0x383: {  	s0 =	rddreg [dreg:$0x0];
	s2 =	stileid.u32  }
0x384: {  	s1 =	rddreg [dreg:$0x1];
	p0 =	sne.s32 s2, $0x0  }
0x385: {  	s3 =	rddreg [dreg:$0x2];
	[bflag:$0x3] =	sbarrier.arrive $0xFFFF;
	s2 =	simm.s32 @!p0 $0x1C05  }
0x386: {  	[timem:s3], [sflag:s2] =	dma.local @!p0 [hbm:s0], s1  }
0x387: {  	s0 =	simm.s32 @!p0 $0x5  }
0x388: {  	_ =	swait.ge @!p0 [sflag:s0], s1  }
0x389: {  	s1 =	ssub.s32 @!p0 $0x0, s1;
	[sflag:s0] =	ssyncset.done @!p0 $0x0  }
0x38a: {  	[sflag:s0] =	ssyncadd.s32 @!p0 s1  }
0x38b: {  	[bflag:$0x3] =	sbarrier.arrive $0xFFFF  }
0x38c: {  	_ =	shalt  }

// kernel: sparse-core-data-format-call.cloned.1.call-start
scs
called_computation_lowered:
.L_overlay_start_0:
0x0: {  	s2 =	sld [smem:$0x3FD9]  }
0x1: {  	s3 =	sld [smem:$0x3FFE];
	_ =	sdelay $0x1  }
0x2: {  	s1 =	srdreg.scid  }
0x3: {  	s0 =	sand.u32 $0x1, s1  }
0x4: {  	s18 =	sshll.u32 s0, $0xA;
	s2 =	sadd.s32 s3, s2  }
0x5: {  	s2 =	sadd.s32 s2, s18  }
0x6: {  	[smem:$0x3FC4] =	sst s2  }
0x7: {  	_ = 	snop  }
0x8: {  	s2 =	sld [smem:$0x3FD0];
	(tm) =	ssettm $0x1  }
0x9: {  	s19 =	sld [smem:$0x3FFB];
	_ =	sdelay $0x3  }
0xa: {  	_ =	strace s19  }
0xb: {  	s3 =	sld [smem:$0x3FFC];
	_ =	sdelay $0x3  }
0xc: {  	_ =	strace s3  }
0xd: {  	s3 =	sld [smem:$0x3FFD];
	_ =	sdelay $0x3  }
0xe: {  	_ =	strace s3  }
0xf: {  	_ =	strace $0x8FFFFFFF  }
0x10: {  	s20 =	sld [smem:$0x3FDB];
	_ =	sdelay $0x1  }
0x11: {  	s4 =	simm.s32 $_scs_section_size  }
0x12: {  	s5 =	simm.s32 $_size__tile_overlayer_lowered;
	s6 =	simm.s32 $_tile_overlayer_lowered  }
0x13: {  	s23 =	simm.s32 $0x1BFF;
	s22 =	sshll.u32 s6, $0x1;
	s3 =	sadd.s32 s4, s20  }
0x14: {  	s7 =	simm.s32 $0x0;
	s21 =	sshll.u32 s5, $0x1;
	s5 =	sadd.s32 s22, s3  }
0x15: {  	[timem:s7], [sflag:s23] =	dma.local [hbm:s5], s21  }
0x16: {  	_ =	swait.ge [sflag:s23], s21  }
0x17: {  	s4 =	ssub.s32 $0x0, s21;
	[sflag:s23] =	ssyncset.done $0x0  }
0x18: {  	[sflag:s23] =	ssyncadd.s32 s4;
	_ =	sdelay $0x1  }
0x19: {  	s24 =	simm.s32 $0x1B8B  }
0x1a: {  	_ =	swait.ge [sflag:s24], $0x1  }
0x1b: {  	[sflag:s24] =	ssyncset.done $0x0  }
0x1c: {  	s26 =	simm.s32 $0x1B8E;
	s25 =	sld [smem:$0x3FFE];
	[sflag:s24] =	ssyncadd.s32 $0xFFFFFFFF  }
0x1d: {  	s27 =	simm.s32 $execute0_lowered;
	[smem:$0x3FD2] =	sst s26  }
0x1e: {  	s5 =	sshll.u32 s27, $0x1;
	_ =	strace $0x80000049;
	[dreg:$0x1] =	wrdreg $0xFFFFFFFF  }
0x1f: {  	s28 =	simm.s32 $_size_execute0_lowered;
	s3 =	sadd.s32 s3, s5;
	[dreg:$0x0] =	wrdreg $0x0  }
0x20: {  	s5 =	sshll.u32 s28, $0x1;
	[dreg:$0x2] =	wrdreg s3  }
0x21: {  	[dreg:$0x3] =	wrdreg s5  }
0x22: {  	[dreg:$0x4] =	wrdreg $0xC0  }
0x23: {  	_ =	task [dreg:s7], $0x5FFFF  }
0x24: {  	[dreg:$0x1] =	wrdreg $0xFFFFFFFF  }
0x25: {  	[dreg:$0x0] =	wrdreg $0x60  }
0x26: {  	[dreg:$0x2] =	wrdreg s25  }
0x27: {  	[dreg:$0x3] =	wrdreg s2  }
0x28: {  	[dreg:$0x4] =	wrdreg $0x9  }
0x29: {  	_ =	task.clear_ibuf [dreg:s7], $0x5FFFF;
	_ =	strace $0x90000049  }
0x2a: {  	s29 =	simm.s32 $0x9;
	_ =	strace $0x8000004B  }
0x2b: {  	_ =	swait.ge [sflag:s29], $0x1  }
0x2c: {  	[sflag:s29] =	ssyncadd.s32 $0xFFFFFFFF  }
0x2d: {  	_ =	strace $0x9000004B  }
0x2e: {  	_ =	sfence  }
0x2f: {  	s30 =	sld [smem:$0x0];
	_ =	sdelay $0x2  }
0x30: {  	s31 =	sshll.u32 s1, $0xD;
	s1 =	sshrl.u32 s1, $0x2  }
0x31: {  	s3 =	sand.u32 $0x4000, s31;
	s1 =	sadd.s32 s1, s30  }
0x32: {  	s0 =	sor.u32 s3, s0;
	s1 =	sshll.u32 s1, $0x11  }
0x33: {  	s0 =	sor.u32 s1, s0  }
0x34: {  	s0 =	sadd.s32 $0x8F2B, s0  }
0x35: {  	[sflag:s0] =	ssyncadd.remote.s32 $0x1  }
0x36: {  	_ =	sfence.sel $0xFFFF  }
0x37: {  	[dreg:$0x0] =	wrdreg $0xFFFFFFFF;
	(pc) =	sbr.abs _section_cstart, $3  }
0x38: {  	[dreg:$0x1] =	wrdreg $0xFFFFFFFF  }
0x39: {  	_ =	task.clear_ibuf [dreg:s7], $0x2FFFF;
	_ =	strace $0x9FFFFFFF  }
0x3a: {  	(tm) =	ssettm $0x7FFFFFFF  }
0x3b: {  	_ =	shalt  }
tec
execute0_lowered:
.L_overlay_start_1:
0x0: {  	(tag) =	ssettag $0x1  }
0x1: {  	s0 =	srdreg.scid  }
0x2: {  	s1 =	sshll.u32 s0, $0x4  }
0x3: {  	s0 =	stileid.u32;
	s1 =	sand.u32 $0x10, s1  }
0x4: {  	s1 =	sor.u32 s0, s1  }
0x5: {  	s6 =	rddreg [dreg:$0x0];
	s4 =	simm.s32 $0x1;
	s2 =	sshll.u32 s1, $0x7  }
0x6: {  	s7 =	simm.s32 $0x2;
	s12 =	simm.s32 $0x0;
	s1 =	ssub.s32 $0x1000, s2  }
0x7: {  	s8 =	simm.s32 $0x8000;
	s13 =	simm.s32 $0x0;
	s3 =	sand.u32 $0xF80, s1  }
0x8: {  	s9 =	simm.s32 $0x0;
	s5 =	sshrl.u32 s1, $0xC;
	p0 =	sne.s32 s3, $0x0  }
.Ltmp0:
0x9: {  	s1 =	rddreg [dreg:$0x2];
	s4 =	simm.s32 @!p0 $0x0;
	(pc) =	sbr.rel .LBB1_1-.Ltmp0, $4  }
0xa: {  	s11 =	simm.s32 $0x0;
	s3 =	rddreg [dreg:$0x1];
	s5 =	sadd.s32 s4, s5  }
0xb: {  	_ =	strace $0x8000004A;
	s4 =	simm.s32 $0x1;
	s5 =	smul.u32 $0x32, s5  }
0xc: {  	s6 =	sadd.s32 $0xA00, s6;
	s10 =	smov.u32 s2;
	[sflag:s4] =	ssyncpa.u1 $0x0  }
0xd: {  	p0 =	por $0x0, $0x0;
	[sflag:s7] =	ssyncpa.u1 $0x0;
	s7 =	sor.u32 $0x1, s5  }
.LBB1_4:
0xe: {  	s16 =	sshll.u32 s13, $0x3;
	s17 =	sand.u32 $0x78, s13  }
0xf: {  	s30 =	sand.u32 $0x7E00, s13;
	s12 =	sshll.u32 s12, $0xF;
	s16 =	sand.u32 $0xC00, s16  }
0x10: {  	[tilespmem:s15+$0x810 ss:$0x81] =	vst.msk $0xffff, v2;
	s31 =	sand.u32 $0x7, s13;
	s16 =	sor.u32 s17, s16;
	s17 =	sadd.s32 s3, s30  }
0x11: {  	[tilespmem:s15+$0x1020 ss:$0x81] =	vst.msk $0xffff, v0;
	s13 =	sshll.u32 s31, $0x12;
	s12 =	sadd.s32 s12, s17;
	s16 =	sshrl.u32 s16, $0x3  }
0x12: {  	[tilespmem:s15+$0x0 ss:$0x81] =	vst.msk $0xffff, v1;
	s13 =	sor.u32 $0x400, s13;
	s12 =	sadd.s32 s16, s12  }
0x13: {  	[hbm4b:s12+s13] =	stream.strided.scatter [tilespmem:s14], [sflag:$0x2], $0x2000, s8, s13, $0x20;
	[tilespmem:$0x8080] =	vst v63  }
.LBB1_5:
0x14: {  	s14 =	sadd.s32 $0x1, s9  }
0x15: {  	s12 =	sadd.s32 $0x1000, s10;
	s16 =	smov.u32 s10;
	p2 =	sgt.s32 s14, $0x31  }
0x16: {  	s16 =	smov.u32 @p2 s12  }
0x17: {  	s14 =	simm.s32 @p2 $0x0;
	p2 =	sgt.s32 s16, $0xFFF  }
0x18: {  	s16 =	smov.u32 @p2 s2;
	p2 =	sne.s32 s11, s7  }
.Ltmp1:
0x19: {  	p1 =	slt.u32 s11, $0x2;
	(pc) =	sbr.rel @!p2 .LBB1_6-.Ltmp1, $4  }
0x1a: {  	s15 =	simm.s32 @!p1 $0x2  }
0x1b: {  	s13 =	smov.u32 s10;
	p0 =	por !p0, !p0;
	_ =	swait.ge @!p1 [sflag:s15], $0x2000  }
0x1c: {  	s12 =	smov.u32 s9;
	[sflag:s15] =	ssyncset.done @!p1 $0x0;
	s9 =	smov.u32 s14  }
0x1d: {  	s11 =	sadd.s32 $0x1, s11;
	[sflag:s15] =	ssyncadd.s32 @!p1 $0xFFFFE000;
	s10 =	smov.u32 s16  }
.LBB1_1:
0x1e: {  	p1 =	sge.u32 s11, s5  }
0x1f: {  	s14 =	sand.u32 @!p1 $0x1FFFFFF, s9  }
0x20: {  	s15 =	smulhi.u32 @!p1 $0x4924925, s14;
	_ =	sdelay $0x1  }
0x21: {  	s15 =	smul.u32 @!p1 $0x38, s15  }
0x22: {  	s16 =	sxor.u32 @!p1 $0xFFFFFFFF, s11;
	s17 =	smul.u32 @!p1 $0x380, s10  }
0x23: {  	s31 =	sadd.s32 $0xFFFFFFFF, s11;
	s16 =	sshll.u32 @!p1 s16, $0xD;
	s14 =	ssub.s32 @!p1 s14, s15  }
0x24: {  	s15 =	sand.u32 @!p1 $0x2000, s16;
	s16 =	sadd.s32 @!p1 s6, s17;
	s14 =	sshll.u32 @!p1 s14, $0x4  }
0x25: {  	s17 =	simm.s32 @!p1 $0x1C00;
	s14 =	sadd.s32 @!p1 s14, s16;
	s16 =	simm.s32 @!p1 $0x40  }
0x26: {  	[tilespmem:s15], [sflag:$0x1] =	stream.strided.gather @!p1 [hbm4b:s14+s16], $0x2000, s17, s16, $0x38;
	[tilespmem:$0x8080] =	vst v63  }
0x27: {  	p1 =	sge.u32 s31, s5  }
.Ltmp2:
0x28: {  	_ = 	snop;
	(pc) =	sbr.rel @p1 .LBB1_5-.Ltmp2, $1  }
0x29: {  	_ =	sdelay $0x3  }
0x2a: {  	s14 =	simm.s32 $0x1  }
0x2b: {  	_ =	swait.ge [sflag:s4], $0x2000;
	s14 =	simm.s32 @!p0 $0x0  }
0x2c: {  	[sflag:s4] =	ssyncset.done $0x0;
	s15 =	sshll.u32 s14, $0xD  }
0x2d: {  	[sflag:s4] =	ssyncadd.s32 $0xFFFFE000;
	s18 =	sor.u32 $0x20, s15  }
0x2e: {  	s14 =	smul.u32 $0x8100, s14;
	v3 =	vld [tilespmem:s18+$0x10]  }
0x2f: {  	s30 =	sand.u32 $0x1, s11;
	v2 =	vld [tilespmem:s18+$0xFFFFFFF0]  }
0x30: {  	s15 =	smul.u32 $0x8100, s30;
	s14 =	sshrl.u32 s14, $0x2;
	v0 =	vld [tilespmem:s18+$0x0]  }
0x31: {  	v1 =	vld [tilespmem:s18+$0xFFFFFFE0];
	s16 =	sor.u32 $0x4000, s14  }
0x32: {  	s31 =	sshrl.u32 s15, $0x2;
	s15 =	sadd.s32 $0x0, s16  }
0x33: {  	s17 =	simm.s32 $0x4;
	s18 =	sadd.s32 $0x40, s18;
	s14 =	sor.u32 $0x4000, s31;
	[tilespmem:s15+$0x1830 ss:$0x81] =	vst.msk $0xffff, v3  }
.LBB1_3:
0x34: {  	v3 =	vld [tilespmem:s18+$0x10];
	p1 =	sne.s32 s17, $0x1FC;
	[tilespmem:s15+$0x810 ss:$0x81] =	vst.msk $0xffff, v2;
	s19 =	smov.u32 s17;
	s17 =	sadd.s32 $0x4, s17  }
.Ltmp3:
0x35: {  	v2 =	vld [tilespmem:s18+$0xFFFFFFF0];
	[tilespmem:s15+$0x1020 ss:$0x81] =	vst.msk $0xffff, v0;
	(pc) =	sbr.rel @p1 .LBB1_3-.Ltmp3, $4  }
0x36: {  	v0 =	vld [tilespmem:s18+$0x0];
	[tilespmem:s15+$0x0 ss:$0x81] =	vst.msk $0xffff, v1  }
0x37: {  	s15 =	sshra.s32 s19, $0x2;
	v1 =	vld [tilespmem:s18+$0xFFFFFFE0]  }
0x38: {  	s15 =	sadd.s32 s15, s16  }
0x39: {  	s18 =	sadd.s32 $0x40, s18;
	[tilespmem:s15+$0x1830 ss:$0x81] =	vst.msk $0xffff, v3  }
.Ltmp4:
0x3a: {  	_ = 	snop;
	(pc) =	sbr.rel .LBB1_4-.Ltmp4, $1  }
0x3b: {  	_ =	sdelay $0x3  }
.LBB1_6:
0x3c: {  	_ =	sfence.sel $0x180000  }
0x3d: {  	s2 =	simm.s32 $0x1;
	[bflag:$0x0] =	sbarrier.arrive $0xFFFF  }
0x3e: {  	s31 =	simm.s32 $0x2;
	[sflag:s2] =	ssyncpa.u1 $0x1  }
0x3f: {  	[sflag:s31] =	ssyncpa.u1 $0x1  }
0x40: {  	p0 =	sne.s32 s0, $0x0;
	_ =	strace $0x9000004A  }
0x41: {  	s0 =	sadd.s32 @!p0 $0x100000, s1;
	[bflag:$0x2] =	sbarrier.arrive $0xFFFF  }
0x42: {  	[sflag:s0] =	ssyncadd.tile.s32 @!p0 $0x1;
	_ =	shalt  }
.Lfunc_end1:
_tile_overlayer_lowered:
.L_overlay_start_2:
0x43: {  	(tag) =	ssettag $0x2  }
0x44: {  	s0 =	rddreg [dreg:$0x0];
	s2 =	stileid.u32  }
0x45: {  	s1 =	rddreg [dreg:$0x1];
	p0 =	sne.s32 s2, $0x0  }
0x46: {  	s3 =	rddreg [dreg:$0x2];
	[bflag:$0x3] =	sbarrier.arrive $0xFFFF;
	s2 =	simm.s32 @!p0 $0x1C01  }
0x47: {  	[timem:s3], [sflag:s2] =	dma.local @!p0 [hbm:s0], s1  }
0x48: {  	s0 =	simm.s32 @!p0 $0x1  }
0x49: {  	_ =	swait.ge @!p0 [sflag:s0], s1  }
0x4a: {  	s1 =	ssub.s32 @!p0 $0x0, s1;
	[sflag:s0] =	ssyncset.done @!p0 $0x0  }
0x4b: {  	[sflag:s0] =	ssyncadd.s32 @!p0 s1  }
0x4c: {  	[bflag:$0x3] =	sbarrier.arrive $0xFFFF  }
0x4d: {  	_ =	shalt  }

</sc_bundles>
